<compile_context>
chip_gen: v7x
topology: tpu7x:2x2x1
jax: 0.10.2.dev20260603
libtpu: 0.0.44.dev20260713+nightly
codegen_flags: <defaults>
</compile_context>

<pallas_src>
import functools

import jax
import jax.numpy as jnp
from jax import lax
from jax.experimental import pallas as pl
from jax.experimental.pallas import tpu as pltpu
from jax.experimental.pallas import tpu_sc as plsc

F32 = jnp.float32


def _tables_body(nf_ref, wes_ref, wed_ref, u_ref, weu_ref, be_ref,
                 hs_ref, hd_ref):
    nf = nf_ref[...]
    hs_ref[...] = jnp.dot(nf, wes_ref[...], preferred_element_type=F32)
    cvec = jnp.dot(u_ref[...], weu_ref[...], preferred_element_type=F32) + be_ref[...]
    hd_ref[...] = jnp.dot(nf, wed_ref[...], preferred_element_type=F32) + cvec


def _ebase_body(ef_ref, wlo_ref, whi_ref, out_ref):
    a = ef_ref[...]
    ylo = jnp.dot(a, wlo_ref[...], preferred_element_type=F32)
    yhi = jnp.dot(a, whi_ref[...], preferred_element_type=F32)
    rnd = jnp.uint32(0x8000)
    msk = jnp.uint32(0xFFFF0000)
    ulo = (lax.bitcast_convert_type(ylo, jnp.uint32) + rnd) & msk
    uhi = (lax.bitcast_convert_type(yhi, jnp.uint32) + rnd) & msk
    out_ref[...] = lax.bitcast_convert_type(uhi | (ulo >> 16), jnp.int32)


def _make_sc_edge_kernel(E, N, DH, NC, NS, K):
    NW = NC * NS
    trips = E // (NW * K)
    assert E == NW * trips * K and trips % 4 == 2 and trips >= 6
    mesh = plsc.VectorSubcoreMesh(core_axis_name="c", subcore_axis_name="s",
                                  num_cores=NC, num_subcores=NS)

    @functools.partial(
        pl.kernel,
        out_type=[jax.ShapeDtypeStruct((E, DH), F32),
                  jax.ShapeDtypeStruct((NC, N, DH), F32)],
        mesh=mesh,
        scratch_types=[
            [pltpu.VMEM((K,), jnp.int32) for _ in range(4)],
            [pltpu.VMEM((K,), jnp.int32) for _ in range(4)],
            [pltpu.VMEM((K, DH), F32) for _ in range(2)],
            [pltpu.VMEM((K, DH), F32) for _ in range(2)],
            [pltpu.VMEM((K, DH // 2), jnp.int32) for _ in range(2)],
            pltpu.VMEM_SHARED((N, DH), F32),
            [pltpu.SemaphoreType.DMA for _ in range(4)],
            [pltpu.SemaphoreType.DMA for _ in range(2)],
            [pltpu.SemaphoreType.DMA for _ in range(2)],
            [pltpu.SemaphoreType.DMA for _ in range(2)],
        ],
    )
    def sc_edge(eb_hbm, hs_hbm, hd_hbm, src_hbm, dst_hbm, zero_hbm,
                upd_hbm, agg_hbm,
                sidx, didx, rs, rd, eb, agg_sp,
                sem_idx, sem_in, sem_st, sem_sc):
        c = lax.axis_index("c")
        s = lax.axis_index("s")
        wid = s * NC + c

        def fire_idx(cid, q):
            pltpu.async_copy(src_hbm.at[wid, cid], sidx[q], sem_idx[q])
            pltpu.async_copy(dst_hbm.at[wid, cid], didx[q], sem_idx[q])

        def wait_idx(cid, q):
            pltpu.make_async_copy(src_hbm.at[wid, cid], sidx[q], sem_idx[q]).wait()
            pltpu.make_async_copy(dst_hbm.at[wid, cid], didx[q], sem_idx[q]).wait()

        def fire_rows(cid, b, q):
            base = (wid * trips + cid) * K
            pltpu.async_copy(hs_hbm.at[sidx[q]], rs[b], sem_in[b])
            pltpu.async_copy(hd_hbm.at[didx[q]], rd[b], sem_in[b])
            pltpu.async_copy(eb_hbm.at[pl.ds(base, K)], eb[b], sem_in[b])

        def wait_rows(cid, b, q):
            base = (wid * trips + cid) * K
            pltpu.make_async_copy(hs_hbm.at[sidx[q]], rs[b], sem_in[b]).wait()
            pltpu.make_async_copy(hd_hbm.at[didx[q]], rd[b], sem_in[b]).wait()
            pltpu.make_async_copy(eb_hbm.at[pl.ds(base, K)], eb[b],
                                  sem_in[b]).wait()

        def fire_out(cid, b, q):
            base = (wid * trips + cid) * K
            pltpu.async_copy(rs[b], upd_hbm.at[pl.ds(base, K)], sem_st[b])
            pltpu.async_copy(rs[b], agg_sp.at[didx[q]], sem_sc[b], add=True)

        def drain_out(cid, b, q):
            base = (wid * trips + cid) * K
            pltpu.make_async_copy(rs[b], upd_hbm.at[pl.ds(base, K)],
                                  sem_st[b]).wait()
            pltpu.make_async_copy(rs[b], agg_sp.at[didx[q]], sem_sc[b]).wait()

        def compute(b):
            rsb, rdb, ebb = rs[b], rd[b], eb[b]

            himask = jnp.full((16,), -65536, dtype=jnp.int32)

            def row(r, rcarry):
                for j in range(DH // 32):
                    w = ebb[r, pl.ds(j * 16, 16)]
                    e0 = lax.bitcast_convert_type(w << 16, F32)
                    e1 = lax.bitcast_convert_type(w & himask, F32)
                    sl0 = pl.ds(j * 32, 16)
                    sl1 = pl.ds(j * 32 + 16, 16)
                    rsb[r, sl0] = rsb[r, sl0] + rdb[r, sl0] + e0
                    rsb[r, sl1] = rsb[r, sl1] + rdb[r, sl1] + e1
                return rcarry

            lax.fori_loop(0, K, row, 0)

        @pl.when(s == 0)
        def _():
            pltpu.sync_copy(zero_hbm, agg_sp)

        fire_idx(0, 0)
        wait_idx(0, 0)
        fire_idx(1, 1)
        fire_rows(0, 0, 0)
        plsc.subcore_barrier()

        def step(cid, j, t):
            b = j % 2
            q = j % 4

            def drain():
                drain_out(cid - 1, 1 - b, (j + 3) % 4)

            if j == 0:
                @pl.when(t >= 1)
                def _():
                    drain()
            else:
                drain()
            fire_idx(cid + 2, (j + 2) % 4)
            wait_idx(cid + 1, (j + 1) % 4)
            fire_rows(cid + 1, 1 - b, (j + 1) % 4)
            wait_rows(cid, b, q)
            compute(b)
            fire_out(cid, b, q)

        def quad(t, carry):
            for j in range(4):
                step(4 * t + j, j, t)
            return carry

        nq = (trips - 2) // 4
        lax.fori_loop(0, nq, quad, 0)
        c0 = trips - 2
        drain_out(c0 - 1, 1, 3)
        wait_idx(c0 + 1, 1)
        fire_rows(c0 + 1, 1, 1)
        wait_rows(c0, 0, 0)
        compute(0)
        fire_out(c0, 0, 0)
        drain_out(c0, 0, 0)
        wait_rows(c0 + 1, 1, 1)
        compute(1)
        fire_out(c0 + 1, 1, 1)
        drain_out(c0 + 1, 1, 1)

        plsc.subcore_barrier()

        @pl.when(s == 0)
        def _():
            pltpu.sync_copy(agg_sp, agg_hbm.at[c])

    return sc_edge


def _final_body(p_ref, nf_ref, u_ref, wna_ref, wnn_ref, wnu_ref, bn_ref,
                wge_ref, wgn_ref, wgu_ref, bg_ref, unf_ref, uu_ref):
    agg = p_ref[0] + p_ref[1]
    u = u_ref[...]
    unf = (jnp.dot(agg, wna_ref[...], preferred_element_type=F32)
           + jnp.dot(nf_ref[...], wnn_ref[...], preferred_element_type=F32)
           + jnp.dot(u, wnu_ref[...], preferred_element_type=F32)
           + bn_ref[...])
    unf_ref[...] = unf
    edge_aggr = jnp.sum(agg, axis=0, keepdims=True)
    node_aggr = jnp.sum(unf, axis=0, keepdims=True)
    uu_ref[...] = (jnp.dot(edge_aggr, wge_ref[...], preferred_element_type=F32)
                   + jnp.dot(node_aggr, wgn_ref[...], preferred_element_type=F32)
                   + jnp.dot(u, wgu_ref[...], preferred_element_type=F32)
                   + bg_ref[...])


def kernel(nf, ef, u, edge_index, We, be, Wn, bn, Wg, bg):
    N, DN = nf.shape
    E, DE = ef.shape
    DG = u.shape[1]
    DH = We.shape[1]
    NC, NS = 2, 16
    K = 40
    NW = NC * NS
    trips = E // (NW * K)

    src = edge_index[0].reshape(NW, trips, K)
    dst = edge_index[1].reshape(NW, trips, K)
    We_e = We[:DE]
    We_s = We[DE:DE + DN]
    We_d = We[DE + DN:DE + 2 * DN]
    We_u = We[DE + 2 * DN:]
    Wn_a = Wn[:DH]
    Wn_n = Wn[DH:DH + DN]
    Wn_u = Wn[DH + DN:]
    Wg_e = Wg[:DH]
    Wg_n = Wg[DH:DH + DN]
    Wg_u = Wg[DH + DN:]
    be2 = be.reshape(1, DH)
    bn2 = bn.reshape(1, DN)
    bg2 = bg.reshape(1, DG)

    h_s, h_d2 = pl.pallas_call(
        _tables_body,
        out_shape=[jax.ShapeDtypeStruct((N, DH), F32),
                   jax.ShapeDtypeStruct((N, DH), F32)],
    )(nf, We_s, We_d, u, We_u, be2)

    half = DH // 2
    perm_lo = [32 * (m // 16) + m % 16 for m in range(half)]
    perm_hi = [32 * (m // 16) + 16 + m % 16 for m in range(half)]
    W_lo = We_e[:, jnp.array(perm_lo)]
    W_hi = We_e[:, jnp.array(perm_hi)]

    BE = 8000
    e_base = pl.pallas_call(
        _ebase_body,
        grid=(E // BE,),
        in_specs=[pl.BlockSpec((BE, DE), lambda i: (i, 0)),
                  pl.BlockSpec((DE, half), lambda i: (0, 0)),
                  pl.BlockSpec((DE, half), lambda i: (0, 0))],
        out_specs=pl.BlockSpec((BE, half), lambda i: (i, 0)),
        out_shape=jax.ShapeDtypeStruct((E, half), jnp.int32),
    )(ef, W_lo, W_hi)

    zero = jnp.zeros((N, DH), dtype=F32)
    sc_edge = _make_sc_edge_kernel(E, N, DH, NC, NS, K)
    updated_ef, agg_parts = sc_edge(e_base, h_s, h_d2, src, dst, zero)

    updated_nf, updated_u = pl.pallas_call(
        _final_body,
        out_shape=[jax.ShapeDtypeStruct((N, DN), F32),
                   jax.ShapeDtypeStruct((1, DG), F32)],
    )(agg_parts, nf, u, Wn_a, Wn_n, Wn_u, bn2, Wg_e, Wg_n, Wg_u, bg2)

    return updated_nf, updated_ef, updated_u

# --- scband reference (transcript-rebuilt; emitter-appended) ---
"""Pipeline reference for scband-graph-network-64424509440356 (READ-ONLY COPY).

The authoritative reference and input builder live on the scoring server;
editing this copy changes nothing except your own understanding.
"""

import jax, jax.numpy as jnp
import numpy as np

N = 10000
E = 320000
DN = 128
DE = 16
DG = 32
DH = 128


def setup_inputs(seed: int = 0) -> dict:
    key = jax.random.key(seed)
    ks = jax.random.split(key, 8)
    nf = jax.random.normal(ks[0], (N, DN), dtype=jnp.float32)
    ef = jax.random.normal(ks[1], (E, DE), dtype=jnp.float32)
    u = jax.random.normal(ks[2], (1, DG), dtype=jnp.float32)
    edge_index = jax.random.randint(ks[3], (2, E), 0, N, dtype=jnp.int32)
    d_em_in = DE + 2 * DN + DG
    d_nm_in = DH + DN + DG
    d_gm_in = DH + DN + DG
    We = jax.random.normal(ks[4], (d_em_in, DH), dtype=jnp.float32) / np.sqrt(d_em_in)
    be = jnp.zeros((DH,), dtype=jnp.float32)
    Wn = jax.random.normal(ks[5], (d_nm_in, DN), dtype=jnp.float32) / np.sqrt(d_nm_in)
    bn = jnp.zeros((DN,), dtype=jnp.float32)
    Wg = jax.random.normal(ks[6], (d_gm_in, DG), dtype=jnp.float32) / np.sqrt(d_gm_in)
    bg = jnp.zeros((DG,), dtype=jnp.float32)
    return {"nf": nf, "ef": ef, "u": u, "edge_index": edge_index,
            "We": We, "be": be, "Wn": Wn, "bn": bn, "Wg": Wg, "bg": bg}


def reference(nf, ef, u, edge_index, We, be, Wn, bn, Wg, bg):
    src = edge_index[0]
    dst = edge_index[1]
    num_nodes = nf.shape[0]
    num_edges = ef.shape[0]
    # u broadcast to edges / nodes (single graph -> repeat_interleave == broadcast)
    ef_u = jnp.broadcast_to(u, (num_edges, u.shape[1]))
    nf_u = jnp.broadcast_to(u, (num_nodes, u.shape[1]))
    # edge update: cat([ef, src_nf, dst_nf, u]) -> edge_model (Linear)
    sender_nf = jnp.take(nf, src, axis=0)
    receiver_nf = jnp.take(nf, dst, axis=0)
    em_input = jnp.concatenate([ef, sender_nf, receiver_nf, ef_u], axis=-1)
    updated_ef = em_input @ We + be
    # message = copy_e('h'), node aggregation = sum over incoming edges (by dst)
    agg_m = jax.ops.segment_sum(updated_ef, dst, num_segments=num_nodes)
    # node update: cat([agg_m, nf, u]) -> node_model (Linear)
    nm_input = jnp.concatenate([agg_m, nf, nf_u], axis=-1)
    updated_nf = nm_input @ Wn + bn
    # global readouts (sum over all edges / nodes), single graph
    edge_aggr = jnp.sum(updated_ef, axis=0, keepdims=True)
    node_aggr = jnp.sum(updated_nf, axis=0, keepdims=True)
    gm_input = jnp.concatenate([edge_aggr, node_aggr, u], axis=-1)
    updated_u = gm_input @ Wg + bg
    return (updated_nf, updated_ef, updated_u)

if __name__ == "__main__":
    import jax
    _d = setup_inputs()
    print(jax.jit(kernel)(*tuple(_d.values())))

</pallas_src>

<mosaic_0001>
#map = affine_map<(d0, d1) -> (0, 0)>
#map1 = affine_map<(d0, d1) -> (0, 0, 0)>
module attributes {stable_mosaic.version = 14 : i64} {
  func.func @sc_edge(%arg0: i32, %arg1: i32, %arg2: memref<320000x64xi32, #tpu.memory_space<hbm>>, %arg3: memref<10000x128xf32, #tpu.memory_space<hbm>>, %arg4: memref<10000x128xf32, #tpu.memory_space<hbm>>, %arg5: memref<32x250x40xi32, #tpu.memory_space<hbm>>, %arg6: memref<32x250x40xi32, #tpu.memory_space<hbm>>, %arg7: memref<10000x128xf32, #tpu.memory_space<hbm>>, %arg8: memref<320000x128xf32, #tpu.memory_space<hbm>>, %arg9: memref<2x10000x128xf32, #tpu.memory_space<hbm>>, %arg10: memref<40xi32, #tpu.memory_space<vmem>>, %arg11: memref<40xi32, #tpu.memory_space<vmem>>, %arg12: memref<40xi32, #tpu.memory_space<vmem>>, %arg13: memref<40xi32, #tpu.memory_space<vmem>>, %arg14: memref<40xi32, #tpu.memory_space<vmem>>, %arg15: memref<40xi32, #tpu.memory_space<vmem>>, %arg16: memref<40xi32, #tpu.memory_space<vmem>>, %arg17: memref<40xi32, #tpu.memory_space<vmem>>, %arg18: memref<40x128xf32, #tpu.memory_space<vmem>>, %arg19: memref<40x128xf32, #tpu.memory_space<vmem>>, %arg20: memref<40x128xf32, #tpu.memory_space<vmem>>, %arg21: memref<40x128xf32, #tpu.memory_space<vmem>>, %arg22: memref<40x64xi32, #tpu.memory_space<vmem>>, %arg23: memref<40x64xi32, #tpu.memory_space<vmem>>, %arg24: memref<10000x128xf32, #tpu.memory_space<vmem_shared>>, %arg25: memref<!tpu.dma_semaphore, #tpu.memory_space<semaphore_mem>>, %arg26: memref<!tpu.dma_semaphore, #tpu.memory_space<semaphore_mem>>, %arg27: memref<!tpu.dma_semaphore, #tpu.memory_space<semaphore_mem>>, %arg28: memref<!tpu.dma_semaphore, #tpu.memory_space<semaphore_mem>>, %arg29: memref<!tpu.dma_semaphore, #tpu.memory_space<semaphore_mem>>, %arg30: memref<!tpu.dma_semaphore, #tpu.memory_space<semaphore_mem>>, %arg31: memref<!tpu.dma_semaphore, #tpu.memory_space<semaphore_mem>>, %arg32: memref<!tpu.dma_semaphore, #tpu.memory_space<semaphore_mem>>, %arg33: memref<!tpu.dma_semaphore, #tpu.memory_space<semaphore_mem>>, %arg34: memref<!tpu.dma_semaphore, #tpu.memory_space<semaphore_mem>>) attributes {dimension_semantics = [#tpu.dimension_semantics<core_parallel>, #tpu.dimension_semantics<subcore_parallel>], iteration_bounds = array<i64: 2, 16>, scalar_prefetch = 0 : i64, scratch_operands = 25 : i64, tpu.core_type = #tpu.core_type<sc_vector_subcore>, window_params = [{transform_indices = #map}, {transform_indices = #map}, {transform_indices = #map}, {transform_indices = #map1}, {transform_indices = #map1}, {transform_indices = #map}, {transform_indices = #map}, {transform_indices = #map1}]} {
    %mul3A = arith.constant 2 : i32
    %mul3A_0 = arith.muli %arg1, %mul3A : i32
    %add3A = arith.addi %mul3A_0, %arg0 : i32
    %eq3A = arith.constant 0 : i32
    %eq3A_1 = arith.cmpi eq, %arg1, %eq3A : i32
    %convert_element_type3A = arith.extui %eq3A_1 : i1 to i32
    %cond3A = arith.constant 0 : i32
    %cond3A_2 = arith.cmpi ne, %convert_element_type3A, %cond3A : i32
    scf.if %cond3A_2 {
      "tpu.region"() ({
        %run_scoped3A = tpu.sem_alloc : memref<!tpu.dma_semaphore, #tpu.memory_space<semaphore_mem>>
        tpu.enqueue_dma source(%arg7 : memref<10000x128xf32, #tpu.memory_space<hbm>>) target(%arg24 : memref<10000x128xf32, #tpu.memory_space<vmem_shared>>) target_semaphore(%run_scoped3A : memref<!tpu.dma_semaphore, #tpu.memory_space<semaphore_mem>>)
        tpu.wait_dma2 semaphore(%run_scoped3A : memref<!tpu.dma_semaphore, #tpu.memory_space<semaphore_mem>>) src(%arg7 : memref<10000x128xf32, #tpu.memory_space<hbm>>) dst(%arg24 : memref<10000x128xf32, #tpu.memory_space<vmem_shared>>)
        tpu.yield
      }) : () -> ()
    } else {
    }
    %dma_start3A = arith.constant 0 : i32
    %dma_start3A_3 = arith.constant 0 : i32
    %dma_start3A_4 = tpu.memref_slice %arg5[%add3A, %dma_start3A, %dma_start3A_3] : memref<32x250x40xi32, #tpu.memory_space<hbm>> -> memref<1x1x40xi32, #tpu.memory_space<hbm>>
    %dma_start3A_5 = tpu.memref_squeeze %dma_start3A_4 : memref<1x1x40xi32, #tpu.memory_space<hbm>> -> memref<40xi32, #tpu.memory_space<hbm>>
    %dma_start3A_6 = arith.constant 0 : i32
    %dma_start3A_7 = tpu.memref_slice %arg5[%add3A, %dma_start3A, %dma_start3A_6] : memref<32x250x40xi32, #tpu.memory_space<hbm>> -> memref<1x1x40xi32, #tpu.memory_space<hbm>>
    %dma_start3A_8 = tpu.memref_squeeze %dma_start3A_7 : memref<1x1x40xi32, #tpu.memory_space<hbm>> -> memref<40xi32, #tpu.memory_space<hbm>>
    tpu.enqueue_dma source(%dma_start3A_8 : memref<40xi32, #tpu.memory_space<hbm>>) target(%arg10 : memref<40xi32, #tpu.memory_space<vmem>>) target_semaphore(%arg25 : memref<!tpu.dma_semaphore, #tpu.memory_space<semaphore_mem>>)
    %dma_start3A_9 = arith.constant 0 : i32
    %dma_start3A_10 = arith.constant 0 : i32
    %dma_start3A_11 = tpu.memref_slice %arg6[%add3A, %dma_start3A_9, %dma_start3A_10] : memref<32x250x40xi32, #tpu.memory_space<hbm>> -> memref<1x1x40xi32, #tpu.memory_space<hbm>>
    %dma_start3A_12 = tpu.memref_squeeze %dma_start3A_11 : memref<1x1x40xi32, #tpu.memory_space<hbm>> -> memref<40xi32, #tpu.memory_space<hbm>>
    %dma_start3A_13 = arith.constant 0 : i32
    %dma_start3A_14 = tpu.memref_slice %arg6[%add3A, %dma_start3A_9, %dma_start3A_13] : memref<32x250x40xi32, #tpu.memory_space<hbm>> -> memref<1x1x40xi32, #tpu.memory_space<hbm>>
    %dma_start3A_15 = tpu.memref_squeeze %dma_start3A_14 : memref<1x1x40xi32, #tpu.memory_space<hbm>> -> memref<40xi32, #tpu.memory_space<hbm>>
    tpu.enqueue_dma source(%dma_start3A_15 : memref<40xi32, #tpu.memory_space<hbm>>) target(%arg14 : memref<40xi32, #tpu.memory_space<vmem>>) target_semaphore(%arg25 : memref<!tpu.dma_semaphore, #tpu.memory_space<semaphore_mem>>)
    %dma_wait3A = arith.constant 0 : i32
    %dma_wait3A_16 = arith.constant 0 : i32
    %dma_wait3A_17 = tpu.memref_slice %arg5[%add3A, %dma_wait3A, %dma_wait3A_16] : memref<32x250x40xi32, #tpu.memory_space<hbm>> -> memref<1x1x40xi32, #tpu.memory_space<hbm>>
    %dma_wait3A_18 = tpu.memref_squeeze %dma_wait3A_17 : memref<1x1x40xi32, #tpu.memory_space<hbm>> -> memref<40xi32, #tpu.memory_space<hbm>>
    %dma_wait3A_19 = arith.constant 0 : i32
    %dma_wait3A_20 = tpu.memref_slice %arg5[%add3A, %dma_wait3A, %dma_wait3A_19] : memref<32x250x40xi32, #tpu.memory_space<hbm>> -> memref<1x1x40xi32, #tpu.memory_space<hbm>>
    %dma_wait3A_21 = tpu.memref_squeeze %dma_wait3A_20 : memref<1x1x40xi32, #tpu.memory_space<hbm>> -> memref<40xi32, #tpu.memory_space<hbm>>
    tpu.wait_dma2 semaphore(%arg25 : memref<!tpu.dma_semaphore, #tpu.memory_space<semaphore_mem>>) src(%dma_wait3A_21 : memref<40xi32, #tpu.memory_space<hbm>>) dst(%arg10 : memref<40xi32, #tpu.memory_space<vmem>>)
    %dma_wait3A_22 = arith.constant 0 : i32
    %dma_wait3A_23 = arith.constant 0 : i32
    %dma_wait3A_24 = tpu.memref_slice %arg6[%add3A, %dma_wait3A_22, %dma_wait3A_23] : memref<32x250x40xi32, #tpu.memory_space<hbm>> -> memref<1x1x40xi32, #tpu.memory_space<hbm>>
    %dma_wait3A_25 = tpu.memref_squeeze %dma_wait3A_24 : memref<1x1x40xi32, #tpu.memory_space<hbm>> -> memref<40xi32, #tpu.memory_space<hbm>>
    %dma_wait3A_26 = arith.constant 0 : i32
    %dma_wait3A_27 = tpu.memref_slice %arg6[%add3A, %dma_wait3A_22, %dma_wait3A_26] : memref<32x250x40xi32, #tpu.memory_space<hbm>> -> memref<1x1x40xi32, #tpu.memory_space<hbm>>
    %dma_wait3A_28 = tpu.memref_squeeze %dma_wait3A_27 : memref<1x1x40xi32, #tpu.memory_space<hbm>> -> memref<40xi32, #tpu.memory_space<hbm>>
    tpu.wait_dma2 semaphore(%arg25 : memref<!tpu.dma_semaphore, #tpu.memory_space<semaphore_mem>>) src(%dma_wait3A_28 : memref<40xi32, #tpu.memory_space<hbm>>) dst(%arg14 : memref<40xi32, #tpu.memory_space<vmem>>)
    %dma_start3A_29 = arith.constant 1 : i32
    %dma_start3A_30 = arith.constant 0 : i32
    %dma_start3A_31 = tpu.memref_slice %arg5[%add3A, %dma_start3A_29, %dma_start3A_30] : memref<32x250x40xi32, #tpu.memory_space<hbm>> -> memref<1x1x40xi32, #tpu.memory_space<hbm>>
    %dma_start3A_32 = tpu.memref_squeeze %dma_start3A_31 : memref<1x1x40xi32, #tpu.memory_space<hbm>> -> memref<40xi32, #tpu.memory_space<hbm>>
    %dma_start3A_33 = arith.constant 0 : i32
    %dma_start3A_34 = tpu.memref_slice %arg5[%add3A, %dma_start3A_29, %dma_start3A_33] : memref<32x250x40xi32, #tpu.memory_space<hbm>> -> memref<1x1x40xi32, #tpu.memory_space<hbm>>
    %dma_start3A_35 = tpu.memref_squeeze %dma_start3A_34 : memref<1x1x40xi32, #tpu.memory_space<hbm>> -> memref<40xi32, #tpu.memory_space<hbm>>
    tpu.enqueue_dma source(%dma_start3A_35 : memref<40xi32, #tpu.memory_space<hbm>>) target(%arg11 : memref<40xi32, #tpu.memory_space<vmem>>) target_semaphore(%arg26 : memref<!tpu.dma_semaphore, #tpu.memory_space<semaphore_mem>>)
    %dma_start3A_36 = arith.constant 1 : i32
    %dma_start3A_37 = arith.constant 0 : i32
    %dma_start3A_38 = tpu.memref_slice %arg6[%add3A, %dma_start3A_36, %dma_start3A_37] : memref<32x250x40xi32, #tpu.memory_space<hbm>> -> memref<1x1x40xi32, #tpu.memory_space<hbm>>
    %dma_start3A_39 = tpu.memref_squeeze %dma_start3A_38 : memref<1x1x40xi32, #tpu.memory_space<hbm>> -> memref<40xi32, #tpu.memory_space<hbm>>
    %dma_start3A_40 = arith.constant 0 : i32
    %dma_start3A_41 = tpu.memref_slice %arg6[%add3A, %dma_start3A_36, %dma_start3A_40] : memref<32x250x40xi32, #tpu.memory_space<hbm>> -> memref<1x1x40xi32, #tpu.memory_space<hbm>>
    %dma_start3A_42 = tpu.memref_squeeze %dma_start3A_41 : memref<1x1x40xi32, #tpu.memory_space<hbm>> -> memref<40xi32, #tpu.memory_space<hbm>>
    tpu.enqueue_dma source(%dma_start3A_42 : memref<40xi32, #tpu.memory_space<hbm>>) target(%arg15 : memref<40xi32, #tpu.memory_space<vmem>>) target_semaphore(%arg26 : memref<!tpu.dma_semaphore, #tpu.memory_space<semaphore_mem>>)
    %mul3A_43 = arith.constant 250 : i32
    %mul3A_44 = arith.muli %add3A, %mul3A_43 : i32
    %add3A_45 = arith.constant 0 : i32
    %add3A_46 = arith.addi %mul3A_44, %add3A_45 : i32
    %mul3A_47 = arith.constant 40 : i32
    %mul3A_48 = arith.muli %add3A_46, %mul3A_47 : i32
    %dma_start3A_49 = arith.constant 0 : i32
    %dma_start3A_50 = arith.constant 0 : i32
    %dma_start3A_51 = tpu.memref_slice %arg3[%dma_start3A_49, %dma_start3A_50] : memref<10000x128xf32, #tpu.memory_space<hbm>> -> memref<10000x128xf32, #tpu.memory_space<hbm>>
    tpu.enqueue_indirect_dma source(%dma_start3A_51 : memref<10000x128xf32, #tpu.memory_space<hbm>>) target(%arg18 : memref<40x128xf32, #tpu.memory_space<vmem>>) offsets(%arg10 : memref<40xi32, #tpu.memory_space<vmem>>) semaphore(%arg29 : memref<!tpu.dma_semaphore, #tpu.memory_space<semaphore_mem>>)
    %dma_start3A_52 = arith.constant 0 : i32
    %dma_start3A_53 = arith.constant 0 : i32
    %dma_start3A_54 = tpu.memref_slice %arg4[%dma_start3A_52, %dma_start3A_53] : memref<10000x128xf32, #tpu.memory_space<hbm>> -> memref<10000x128xf32, #tpu.memory_space<hbm>>
    tpu.enqueue_indirect_dma source(%dma_start3A_54 : memref<10000x128xf32, #tpu.memory_space<hbm>>) target(%arg20 : memref<40x128xf32, #tpu.memory_space<vmem>>) offsets(%arg14 : memref<40xi32, #tpu.memory_space<vmem>>) semaphore(%arg29 : memref<!tpu.dma_semaphore, #tpu.memory_space<semaphore_mem>>)
    %dma_start3A_55 = arith.constant 0 : i32
    %dma_start3A_56 = tpu.memref_slice %arg2[%mul3A_48, %dma_start3A_55] : memref<320000x64xi32, #tpu.memory_space<hbm>> -> memref<40x64xi32, #tpu.memory_space<hbm>>
    %dma_start3A_57 = arith.constant 0 : i32
    %dma_start3A_58 = tpu.memref_slice %arg2[%mul3A_48, %dma_start3A_57] : memref<320000x64xi32, #tpu.memory_space<hbm>> -> memref<40x64xi32, #tpu.memory_space<hbm>>
    tpu.enqueue_dma source(%dma_start3A_58 : memref<40x64xi32, #tpu.memory_space<hbm>>) target(%arg22 : memref<40x64xi32, #tpu.memory_space<vmem>>) target_semaphore(%arg29 : memref<!tpu.dma_semaphore, #tpu.memory_space<semaphore_mem>>)
    %barrier3A = arith.constant 0 : index
    tpu.barrier barrier_id(%barrier3A)
    %scan3A = arith.constant 0 : i32
    %scan3A_59 = arith.constant 0 : i32
    %scan3A_60 = arith.constant 62 : i32
    %scan3A_61 = arith.addi %scan3A_59, %scan3A_60 : i32
    %scan3A_62 = arith.constant 1 : i32
    scf.for %scan3A_212 = %scan3A_59 to %scan3A_61 step %scan3A_62  : i32 {
      %mul3A_213 = arith.constant 4 : i32
      %mul3A_214 = arith.muli %mul3A_213, %scan3A_212 : i32
      %add3A_215 = arith.constant 0 : i32
      %add3A_216 = arith.addi %mul3A_214, %add3A_215 : i32
      %ge3A = arith.constant 1 : i32
      %ge3A_217 = arith.cmpi sge, %scan3A_212, %ge3A : i32
      %convert_element_type3A_218 = arith.extui %ge3A_217 : i1 to i32
      %cond3A_219 = arith.constant 0 : i32
      %cond3A_220 = arith.cmpi ne, %convert_element_type3A_218, %cond3A_219 : i32
      scf.if %cond3A_220 {
        %sub3A_594 = arith.constant 1 : i32
        %sub3A_595 = arith.subi %add3A_216, %sub3A_594 : i32
        %mul3A_596 = arith.constant 250 : i32
        %mul3A_597 = arith.muli %add3A, %mul3A_596 : i32
        %add3A_598 = arith.addi %mul3A_597, %sub3A_595 : i32
        %mul3A_599 = arith.constant 40 : i32
        %mul3A_600 = arith.muli %add3A_598, %mul3A_599 : i32
        %dma_wait3A_601 = arith.constant 0 : i32
        %dma_wait3A_602 = tpu.memref_slice %arg8[%mul3A_600, %dma_wait3A_601] : memref<320000x128xf32, #tpu.memory_space<hbm>> -> memref<40x128xf32, #tpu.memory_space<hbm>>
        %dma_wait3A_603 = arith.constant 0 : i32
        %dma_wait3A_604 = tpu.memref_slice %arg8[%mul3A_600, %dma_wait3A_603] : memref<320000x128xf32, #tpu.memory_space<hbm>> -> memref<40x128xf32, #tpu.memory_space<hbm>>
        tpu.wait_dma2 semaphore(%arg32 : memref<!tpu.dma_semaphore, #tpu.memory_space<semaphore_mem>>) src(%arg19 : memref<40x128xf32, #tpu.memory_space<vmem>>) dst(%dma_wait3A_604 : memref<40x128xf32, #tpu.memory_space<hbm>>)
        %dma_wait3A_605 = arith.constant 0 : i32
        %dma_wait3A_606 = arith.constant 0 : i32
        %dma_wait3A_607 = tpu.memref_slice %arg24[%dma_wait3A_605, %dma_wait3A_606] : memref<10000x128xf32, #tpu.memory_space<vmem_shared>> -> memref<10000x128xf32, #tpu.memory_space<vmem_shared>>
        tpu.wait_indirect_dma semaphore(%arg34 : memref<!tpu.dma_semaphore, #tpu.memory_space<semaphore_mem>>) src(%arg19 : memref<40x128xf32, #tpu.memory_space<vmem>>) dst(%dma_wait3A_607 : memref<10000x128xf32, #tpu.memory_space<vmem_shared>>)
      } else {
      }
      %add3A_221 = arith.constant 2 : i32
      %add3A_222 = arith.addi %add3A_216, %add3A_221 : i32
      %dma_start3A_223 = arith.constant 0 : i32
      %dma_start3A_224 = tpu.memref_slice %arg5[%add3A, %add3A_222, %dma_start3A_223] : memref<32x250x40xi32, #tpu.memory_space<hbm>> -> memref<1x1x40xi32, #tpu.memory_space<hbm>>
      %dma_start3A_225 = tpu.memref_squeeze %dma_start3A_224 : memref<1x1x40xi32, #tpu.memory_space<hbm>> -> memref<40xi32, #tpu.memory_space<hbm>>
      %dma_start3A_226 = arith.constant 0 : i32
      %dma_start3A_227 = tpu.memref_slice %arg5[%add3A, %add3A_222, %dma_start3A_226] : memref<32x250x40xi32, #tpu.memory_space<hbm>> -> memref<1x1x40xi32, #tpu.memory_space<hbm>>
      %dma_start3A_228 = tpu.memref_squeeze %dma_start3A_227 : memref<1x1x40xi32, #tpu.memory_space<hbm>> -> memref<40xi32, #tpu.memory_space<hbm>>
      tpu.enqueue_dma source(%dma_start3A_228 : memref<40xi32, #tpu.memory_space<hbm>>) target(%arg12 : memref<40xi32, #tpu.memory_space<vmem>>) target_semaphore(%arg27 : memref<!tpu.dma_semaphore, #tpu.memory_space<semaphore_mem>>)
      %dma_start3A_229 = arith.constant 0 : i32
      %dma_start3A_230 = tpu.memref_slice %arg6[%add3A, %add3A_222, %dma_start3A_229] : memref<32x250x40xi32, #tpu.memory_space<hbm>> -> memref<1x1x40xi32, #tpu.memory_space<hbm>>
      %dma_start3A_231 = tpu.memref_squeeze %dma_start3A_230 : memref<1x1x40xi32, #tpu.memory_space<hbm>> -> memref<40xi32, #tpu.memory_space<hbm>>
      %dma_start3A_232 = arith.constant 0 : i32
      %dma_start3A_233 = tpu.memref_slice %arg6[%add3A, %add3A_222, %dma_start3A_232] : memref<32x250x40xi32, #tpu.memory_space<hbm>> -> memref<1x1x40xi32, #tpu.memory_space<hbm>>
      %dma_start3A_234 = tpu.memref_squeeze %dma_start3A_233 : memref<1x1x40xi32, #tpu.memory_space<hbm>> -> memref<40xi32, #tpu.memory_space<hbm>>
      tpu.enqueue_dma source(%dma_start3A_234 : memref<40xi32, #tpu.memory_space<hbm>>) target(%arg16 : memref<40xi32, #tpu.memory_space<vmem>>) target_semaphore(%arg27 : memref<!tpu.dma_semaphore, #tpu.memory_space<semaphore_mem>>)
      %add3A_235 = arith.constant 1 : i32
      %add3A_236 = arith.addi %add3A_216, %add3A_235 : i32
      %dma_wait3A_237 = arith.constant 0 : i32
      %dma_wait3A_238 = tpu.memref_slice %arg5[%add3A, %add3A_236, %dma_wait3A_237] : memref<32x250x40xi32, #tpu.memory_space<hbm>> -> memref<1x1x40xi32, #tpu.memory_space<hbm>>
      %dma_wait3A_239 = tpu.memref_squeeze %dma_wait3A_238 : memref<1x1x40xi32, #tpu.memory_space<hbm>> -> memref<40xi32, #tpu.memory_space<hbm>>
      %dma_wait3A_240 = arith.constant 0 : i32
      %dma_wait3A_241 = tpu.memref_slice %arg5[%add3A, %add3A_236, %dma_wait3A_240] : memref<32x250x40xi32, #tpu.memory_space<hbm>> -> memref<1x1x40xi32, #tpu.memory_space<hbm>>
      %dma_wait3A_242 = tpu.memref_squeeze %dma_wait3A_241 : memref<1x1x40xi32, #tpu.memory_space<hbm>> -> memref<40xi32, #tpu.memory_space<hbm>>
      tpu.wait_dma2 semaphore(%arg26 : memref<!tpu.dma_semaphore, #tpu.memory_space<semaphore_mem>>) src(%dma_wait3A_242 : memref<40xi32, #tpu.memory_space<hbm>>) dst(%arg11 : memref<40xi32, #tpu.memory_space<vmem>>)
      %dma_wait3A_243 = arith.constant 0 : i32
      %dma_wait3A_244 = tpu.memref_slice %arg6[%add3A, %add3A_236, %dma_wait3A_243] : memref<32x250x40xi32, #tpu.memory_space<hbm>> -> memref<1x1x40xi32, #tpu.memory_space<hbm>>
      %dma_wait3A_245 = tpu.memref_squeeze %dma_wait3A_244 : memref<1x1x40xi32, #tpu.memory_space<hbm>> -> memref<40xi32, #tpu.memory_space<hbm>>
      %dma_wait3A_246 = arith.constant 0 : i32
      %dma_wait3A_247 = tpu.memref_slice %arg6[%add3A, %add3A_236, %dma_wait3A_246] : memref<32x250x40xi32, #tpu.memory_space<hbm>> -> memref<1x1x40xi32, #tpu.memory_space<hbm>>
      %dma_wait3A_248 = tpu.memref_squeeze %dma_wait3A_247 : memref<1x1x40xi32, #tpu.memory_space<hbm>> -> memref<40xi32, #tpu.memory_space<hbm>>
      tpu.wait_dma2 semaphore(%arg26 : memref<!tpu.dma_semaphore, #tpu.memory_space<semaphore_mem>>) src(%dma_wait3A_248 : memref<40xi32, #tpu.memory_space<hbm>>) dst(%arg15 : memref<40xi32, #tpu.memory_space<vmem>>)
      %add3A_249 = arith.constant 1 : i32
      %add3A_250 = arith.addi %add3A_216, %add3A_249 : i32
      %mul3A_251 = arith.constant 250 : i32
      %mul3A_252 = arith.muli %add3A, %mul3A_251 : i32
      %add3A_253 = arith.addi %mul3A_252, %add3A_250 : i32
      %mul3A_254 = arith.constant 40 : i32
      %mul3A_255 = arith.muli %add3A_253, %mul3A_254 : i32
      %dma_start3A_256 = arith.constant 0 : i32
      %dma_start3A_257 = arith.constant 0 : i32
      %dma_start3A_258 = tpu.memref_slice %arg3[%dma_start3A_256, %dma_start3A_257] : memref<10000x128xf32, #tpu.memory_space<hbm>> -> memref<10000x128xf32, #tpu.memory_space<hbm>>
      tpu.enqueue_indirect_dma source(%dma_start3A_258 : memref<10000x128xf32, #tpu.memory_space<hbm>>) target(%arg19 : memref<40x128xf32, #tpu.memory_space<vmem>>) offsets(%arg11 : memref<40xi32, #tpu.memory_space<vmem>>) semaphore(%arg30 : memref<!tpu.dma_semaphore, #tpu.memory_space<semaphore_mem>>)
      %dma_start3A_259 = arith.constant 0 : i32
      %dma_start3A_260 = arith.constant 0 : i32
      %dma_start3A_261 = tpu.memref_slice %arg4[%dma_start3A_259, %dma_start3A_260] : memref<10000x128xf32, #tpu.memory_space<hbm>> -> memref<10000x128xf32, #tpu.memory_space<hbm>>
      tpu.enqueue_indirect_dma source(%dma_start3A_261 : memref<10000x128xf32, #tpu.memory_space<hbm>>) target(%arg21 : memref<40x128xf32, #tpu.memory_space<vmem>>) offsets(%arg15 : memref<40xi32, #tpu.memory_space<vmem>>) semaphore(%arg30 : memref<!tpu.dma_semaphore, #tpu.memory_space<semaphore_mem>>)
      %dma_start3A_262 = arith.constant 0 : i32
      %dma_start3A_263 = tpu.memref_slice %arg2[%mul3A_255, %dma_start3A_262] : memref<320000x64xi32, #tpu.memory_space<hbm>> -> memref<40x64xi32, #tpu.memory_space<hbm>>
      %dma_start3A_264 = arith.constant 0 : i32
      %dma_start3A_265 = tpu.memref_slice %arg2[%mul3A_255, %dma_start3A_264] : memref<320000x64xi32, #tpu.memory_space<hbm>> -> memref<40x64xi32, #tpu.memory_space<hbm>>
      tpu.enqueue_dma source(%dma_start3A_265 : memref<40x64xi32, #tpu.memory_space<hbm>>) target(%arg23 : memref<40x64xi32, #tpu.memory_space<vmem>>) target_semaphore(%arg30 : memref<!tpu.dma_semaphore, #tpu.memory_space<semaphore_mem>>)
      %mul3A_266 = arith.constant 250 : i32
      %mul3A_267 = arith.muli %add3A, %mul3A_266 : i32
      %add3A_268 = arith.addi %mul3A_267, %add3A_216 : i32
      %mul3A_269 = arith.constant 40 : i32
      %mul3A_270 = arith.muli %add3A_268, %mul3A_269 : i32
      %dma_wait3A_271 = arith.constant 0 : i32
      %dma_wait3A_272 = arith.constant 0 : i32
      %dma_wait3A_273 = tpu.memref_slice %arg3[%dma_wait3A_271, %dma_wait3A_272] : memref<10000x128xf32, #tpu.memory_space<hbm>> -> memref<10000x128xf32, #tpu.memory_space<hbm>>
      tpu.wait_indirect_dma semaphore(%arg29 : memref<!tpu.dma_semaphore, #tpu.memory_space<semaphore_mem>>) src(%dma_wait3A_273 : memref<10000x128xf32, #tpu.memory_space<hbm>>) dst(%arg18 : memref<40x128xf32, #tpu.memory_space<vmem>>)
      %dma_wait3A_274 = arith.constant 0 : i32
      %dma_wait3A_275 = arith.constant 0 : i32
      %dma_wait3A_276 = tpu.memref_slice %arg4[%dma_wait3A_274, %dma_wait3A_275] : memref<10000x128xf32, #tpu.memory_space<hbm>> -> memref<10000x128xf32, #tpu.memory_space<hbm>>
      tpu.wait_indirect_dma semaphore(%arg29 : memref<!tpu.dma_semaphore, #tpu.memory_space<semaphore_mem>>) src(%dma_wait3A_276 : memref<10000x128xf32, #tpu.memory_space<hbm>>) dst(%arg20 : memref<40x128xf32, #tpu.memory_space<vmem>>)
      %dma_wait3A_277 = arith.constant 0 : i32
      %dma_wait3A_278 = tpu.memref_slice %arg2[%mul3A_270, %dma_wait3A_277] : memref<320000x64xi32, #tpu.memory_space<hbm>> -> memref<40x64xi32, #tpu.memory_space<hbm>>
      %dma_wait3A_279 = arith.constant 0 : i32
      %dma_wait3A_280 = tpu.memref_slice %arg2[%mul3A_270, %dma_wait3A_279] : memref<320000x64xi32, #tpu.memory_space<hbm>> -> memref<40x64xi32, #tpu.memory_space<hbm>>
      tpu.wait_dma2 semaphore(%arg29 : memref<!tpu.dma_semaphore, #tpu.memory_space<semaphore_mem>>) src(%dma_wait3A_280 : memref<40x64xi32, #tpu.memory_space<hbm>>) dst(%arg22 : memref<40x64xi32, #tpu.memory_space<vmem>>)
      %broadcast_in_dim3A_281 = arith.constant -65536 : i32
      %broadcast_in_dim3A_282 = vector.broadcast %broadcast_in_dim3A_281 : i32 to vector<16xi32>
      %scan3A_283 = arith.constant 0 : i32
      %scan3A_284 = arith.constant 0 : i32
      %scan3A_285 = arith.constant 40 : i32
      %scan3A_286 = arith.addi %scan3A_284, %scan3A_285 : i32
      %scan3A_287 = arith.constant 1 : i32
      scf.for %scan3A_594 = %scan3A_284 to %scan3A_286 step %scan3A_287  : i32 {
        %get3A = arith.index_cast %scan3A_594 : i32 to index
        %get3A_595 = arith.constant 0 : index
        %get3A_596 = tpu.vector_load %arg22[%get3A, %get3A_595] {strides = array<i32>} : memref<40x64xi32, #tpu.memory_space<vmem>>, vector<1x16xi32>,
        %get3A_597 = vector.shape_cast %get3A_596 : vector<1x16xi32> to vector<16xi32>
        %shift_left3A = arith.constant 16 : i32
        %shift_left3A_598 = vector.broadcast %shift_left3A : i32 to vector<16xi32>
        %shift_left3A_599 = arith.shli %get3A_597, %shift_left3A_598 : vector<16xi32>
        %bitcast_convert_type3A = tpu.bitcast %shift_left3A_599 : vector<16xi32> -> vector<16xf32>
        %and3A = arith.andi %get3A_597, %broadcast_in_dim3A_282 : vector<16xi32>
        %bitcast_convert_type3A_600 = tpu.bitcast %and3A : vector<16xi32> -> vector<16xf32>
        %get3A_601 = arith.index_cast %scan3A_594 : i32 to index
        %get3A_602 = arith.constant 0 : index
        %get3A_603 = tpu.vector_load %arg18[%get3A_601, %get3A_602] {strides = array<i32>} : memref<40x128xf32, #tpu.memory_space<vmem>>, vector<1x16xf32>,
        %get3A_604 = vector.shape_cast %get3A_603 : vector<1x16xf32> to vector<16xf32>
        %get3A_605 = arith.index_cast %scan3A_594 : i32 to index
        %get3A_606 = arith.constant 0 : index
        %get3A_607 = tpu.vector_load %arg20[%get3A_605, %get3A_606] {strides = array<i32>} : memref<40x128xf32, #tpu.memory_space<vmem>>, vector<1x16xf32>,
        %get3A_608 = vector.shape_cast %get3A_607 : vector<1x16xf32> to vector<16xf32>
        %add3A_609 = arith.addf %get3A_604, %get3A_608 : vector<16xf32>
        %add3A_610 = arith.addf %add3A_609, %bitcast_convert_type3A : vector<16xf32>
        %swap3A = arith.index_cast %scan3A_594 : i32 to index
        %swap3A_611 = arith.constant 0 : index
        %swap3A_612 = tpu.vector_load %arg18[%swap3A, %swap3A_611] {strides = array<i32>} : memref<40x128xf32, #tpu.memory_space<vmem>>, vector<1x16xf32>,
        %swap3A_613 = vector.shape_cast %swap3A_612 : vector<1x16xf32> to vector<16xf32>
        %swap3A_614 = vector.shape_cast %add3A_610 : vector<16xf32> to vector<1x16xf32>
        tpu.vector_store %arg18[%swap3A, %swap3A_611], %swap3A_614 {strides = array<i32>} : memref<40x128xf32, #tpu.memory_space<vmem>>, vector<1x16xf32>,
        %get3A_615 = arith.index_cast %scan3A_594 : i32 to index
        %get3A_616 = arith.constant 16 : index
        %get3A_617 = tpu.vector_load %arg18[%get3A_615, %get3A_616] {strides = array<i32>} : memref<40x128xf32, #tpu.memory_space<vmem>>, vector<1x16xf32>,
        %get3A_618 = vector.shape_cast %get3A_617 : vector<1x16xf32> to vector<16xf32>
        %get3A_619 = arith.index_cast %scan3A_594 : i32 to index
        %get3A_620 = arith.constant 16 : index
        %get3A_621 = tpu.vector_load %arg20[%get3A_619, %get3A_620] {strides = array<i32>} : memref<40x128xf32, #tpu.memory_space<vmem>>, vector<1x16xf32>,
        %get3A_622 = vector.shape_cast %get3A_621 : vector<1x16xf32> to vector<16xf32>
        %add3A_623 = arith.addf %get3A_618, %get3A_622 : vector<16xf32>
        %add3A_624 = arith.addf %add3A_623, %bitcast_convert_type3A_600 : vector<16xf32>
        %swap3A_625 = arith.index_cast %scan3A_594 : i32 to index
        %swap3A_626 = arith.constant 16 : index
        %swap3A_627 = tpu.vector_load %arg18[%swap3A_625, %swap3A_626] {strides = array<i32>} : memref<40x128xf32, #tpu.memory_space<vmem>>, vector<1x16xf32>,
        %swap3A_628 = vector.shape_cast %swap3A_627 : vector<1x16xf32> to vector<16xf32>
        %swap3A_629 = vector.shape_cast %add3A_624 : vector<16xf32> to vector<1x16xf32>
        tpu.vector_store %arg18[%swap3A_625, %swap3A_626], %swap3A_629 {strides = array<i32>} : memref<40x128xf32, #tpu.memory_space<vmem>>, vector<1x16xf32>,
        %get3A_630 = arith.index_cast %scan3A_594 : i32 to index
        %get3A_631 = arith.constant 16 : index
        %get3A_632 = tpu.vector_load %arg22[%get3A_630, %get3A_631] {strides = array<i32>} : memref<40x64xi32, #tpu.memory_space<vmem>>, vector<1x16xi32>,
        %get3A_633 = vector.shape_cast %get3A_632 : vector<1x16xi32> to vector<16xi32>
        %shift_left3A_634 = arith.constant 16 : i32
        %shift_left3A_635 = vector.broadcast %shift_left3A_634 : i32 to vector<16xi32>
        %shift_left3A_636 = arith.shli %get3A_633, %shift_left3A_635 : vector<16xi32>
        %bitcast_convert_type3A_637 = tpu.bitcast %shift_left3A_636 : vector<16xi32> -> vector<16xf32>
        %and3A_638 = arith.andi %get3A_633, %broadcast_in_dim3A_282 : vector<16xi32>
        %bitcast_convert_type3A_639 = tpu.bitcast %and3A_638 : vector<16xi32> -> vector<16xf32>
        %get3A_640 = arith.index_cast %scan3A_594 : i32 to index
        %get3A_641 = arith.constant 32 : index
        %get3A_642 = tpu.vector_load %arg18[%get3A_640, %get3A_641] {strides = array<i32>} : memref<40x128xf32, #tpu.memory_space<vmem>>, vector<1x16xf32>,
        %get3A_643 = vector.shape_cast %get3A_642 : vector<1x16xf32> to vector<16xf32>
        %get3A_644 = arith.index_cast %scan3A_594 : i32 to index
        %get3A_645 = arith.constant 32 : index
        %get3A_646 = tpu.vector_load %arg20[%get3A_644, %get3A_645] {strides = array<i32>} : memref<40x128xf32, #tpu.memory_space<vmem>>, vector<1x16xf32>,
        %get3A_647 = vector.shape_cast %get3A_646 : vector<1x16xf32> to vector<16xf32>
        %add3A_648 = arith.addf %get3A_643, %get3A_647 : vector<16xf32>
        %add3A_649 = arith.addf %add3A_648, %bitcast_convert_type3A_637 : vector<16xf32>
        %swap3A_650 = arith.index_cast %scan3A_594 : i32 to index
        %swap3A_651 = arith.constant 32 : index
        %swap3A_652 = tpu.vector_load %arg18[%swap3A_650, %swap3A_651] {strides = array<i32>} : memref<40x128xf32, #tpu.memory_space<vmem>>, vector<1x16xf32>,
        %swap3A_653 = vector.shape_cast %swap3A_652 : vector<1x16xf32> to vector<16xf32>
        %swap3A_654 = vector.shape_cast %add3A_649 : vector<16xf32> to vector<1x16xf32>
        tpu.vector_store %arg18[%swap3A_650, %swap3A_651], %swap3A_654 {strides = array<i32>} : memref<40x128xf32, #tpu.memory_space<vmem>>, vector<1x16xf32>,
        %get3A_655 = arith.index_cast %scan3A_594 : i32 to index
        %get3A_656 = arith.constant 48 : index
        %get3A_657 = tpu.vector_load %arg18[%get3A_655, %get3A_656] {strides = array<i32>} : memref<40x128xf32, #tpu.memory_space<vmem>>, vector<1x16xf32>,
        %get3A_658 = vector.shape_cast %get3A_657 : vector<1x16xf32> to vector<16xf32>
        %get3A_659 = arith.index_cast %scan3A_594 : i32 to index
        %get3A_660 = arith.constant 48 : index
        %get3A_661 = tpu.vector_load %arg20[%get3A_659, %get3A_660] {strides = array<i32>} : memref<40x128xf32, #tpu.memory_space<vmem>>, vector<1x16xf32>,
        %get3A_662 = vector.shape_cast %get3A_661 : vector<1x16xf32> to vector<16xf32>
        %add3A_663 = arith.addf %get3A_658, %get3A_662 : vector<16xf32>
        %add3A_664 = arith.addf %add3A_663, %bitcast_convert_type3A_639 : vector<16xf32>
        %swap3A_665 = arith.index_cast %scan3A_594 : i32 to index
        %swap3A_666 = arith.constant 48 : index
        %swap3A_667 = tpu.vector_load %arg18[%swap3A_665, %swap3A_666] {strides = array<i32>} : memref<40x128xf32, #tpu.memory_space<vmem>>, vector<1x16xf32>,
        %swap3A_668 = vector.shape_cast %swap3A_667 : vector<1x16xf32> to vector<16xf32>
        %swap3A_669 = vector.shape_cast %add3A_664 : vector<16xf32> to vector<1x16xf32>
        tpu.vector_store %arg18[%swap3A_665, %swap3A_666], %swap3A_669 {strides = array<i32>} : memref<40x128xf32, #tpu.memory_space<vmem>>, vector<1x16xf32>,
        %get3A_670 = arith.index_cast %scan3A_594 : i32 to index
        %get3A_671 = arith.constant 32 : index
        %get3A_672 = tpu.vector_load %arg22[%get3A_670, %get3A_671] {strides = array<i32>} : memref<40x64xi32, #tpu.memory_space<vmem>>, vector<1x16xi32>,
        %get3A_673 = vector.shape_cast %get3A_672 : vector<1x16xi32> to vector<16xi32>
        %shift_left3A_674 = arith.constant 16 : i32
        %shift_left3A_675 = vector.broadcast %shift_left3A_674 : i32 to vector<16xi32>
        %shift_left3A_676 = arith.shli %get3A_673, %shift_left3A_675 : vector<16xi32>
        %bitcast_convert_type3A_677 = tpu.bitcast %shift_left3A_676 : vector<16xi32> -> vector<16xf32>
        %and3A_678 = arith.andi %get3A_673, %broadcast_in_dim3A_282 : vector<16xi32>
        %bitcast_convert_type3A_679 = tpu.bitcast %and3A_678 : vector<16xi32> -> vector<16xf32>
        %get3A_680 = arith.index_cast %scan3A_594 : i32 to index
        %get3A_681 = arith.constant 64 : index
        %get3A_682 = tpu.vector_load %arg18[%get3A_680, %get3A_681] {strides = array<i32>} : memref<40x128xf32, #tpu.memory_space<vmem>>, vector<1x16xf32>,
        %get3A_683 = vector.shape_cast %get3A_682 : vector<1x16xf32> to vector<16xf32>
        %get3A_684 = arith.index_cast %scan3A_594 : i32 to index
        %get3A_685 = arith.constant 64 : index
        %get3A_686 = tpu.vector_load %arg20[%get3A_684, %get3A_685] {strides = array<i32>} : memref<40x128xf32, #tpu.memory_space<vmem>>, vector<1x16xf32>,
        %get3A_687 = vector.shape_cast %get3A_686 : vector<1x16xf32> to vector<16xf32>
        %add3A_688 = arith.addf %get3A_683, %get3A_687 : vector<16xf32>
        %add3A_689 = arith.addf %add3A_688, %bitcast_convert_type3A_677 : vector<16xf32>
        %swap3A_690 = arith.index_cast %scan3A_594 : i32 to index
        %swap3A_691 = arith.constant 64 : index
        %swap3A_692 = tpu.vector_load %arg18[%swap3A_690, %swap3A_691] {strides = array<i32>} : memref<40x128xf32, #tpu.memory_space<vmem>>, vector<1x16xf32>,
        %swap3A_693 = vector.shape_cast %swap3A_692 : vector<1x16xf32> to vector<16xf32>
        %swap3A_694 = vector.shape_cast %add3A_689 : vector<16xf32> to vector<1x16xf32>
        tpu.vector_store %arg18[%swap3A_690, %swap3A_691], %swap3A_694 {strides = array<i32>} : memref<40x128xf32, #tpu.memory_space<vmem>>, vector<1x16xf32>,
        %get3A_695 = arith.index_cast %scan3A_594 : i32 to index
        %get3A_696 = arith.constant 80 : index
        %get3A_697 = tpu.vector_load %arg18[%get3A_695, %get3A_696] {strides = array<i32>} : memref<40x128xf32, #tpu.memory_space<vmem>>, vector<1x16xf32>,
        %get3A_698 = vector.shape_cast %get3A_697 : vector<1x16xf32> to vector<16xf32>
        %get3A_699 = arith.index_cast %scan3A_594 : i32 to index
        %get3A_700 = arith.constant 80 : index
        %get3A_701 = tpu.vector_load %arg20[%get3A_699, %get3A_700] {strides = array<i32>} : memref<40x128xf32, #tpu.memory_space<vmem>>, vector<1x16xf32>,
        %get3A_702 = vector.shape_cast %get3A_701 : vector<1x16xf32> to vector<16xf32>
        %add3A_703 = arith.addf %get3A_698, %get3A_702 : vector<16xf32>
        %add3A_704 = arith.addf %add3A_703, %bitcast_convert_type3A_679 : vector<16xf32>
        %swap3A_705 = arith.index_cast %scan3A_594 : i32 to index
        %swap3A_706 = arith.constant 80 : index
        %swap3A_707 = tpu.vector_load %arg18[%swap3A_705, %swap3A_706] {strides = array<i32>} : memref<40x128xf32, #tpu.memory_space<vmem>>, vector<1x16xf32>,
        %swap3A_708 = vector.shape_cast %swap3A_707 : vector<1x16xf32> to vector<16xf32>
        %swap3A_709 = vector.shape_cast %add3A_704 : vector<16xf32> to vector<1x16xf32>
        tpu.vector_store %arg18[%swap3A_705, %swap3A_706], %swap3A_709 {strides = array<i32>} : memref<40x128xf32, #tpu.memory_space<vmem>>, vector<1x16xf32>,
        %get3A_710 = arith.index_cast %scan3A_594 : i32 to index
        %get3A_711 = arith.constant 48 : index
        %get3A_712 = tpu.vector_load %arg22[%get3A_710, %get3A_711] {strides = array<i32>} : memref<40x64xi32, #tpu.memory_space<vmem>>, vector<1x16xi32>,
        %get3A_713 = vector.shape_cast %get3A_712 : vector<1x16xi32> to vector<16xi32>
        %shift_left3A_714 = arith.constant 16 : i32
        %shift_left3A_715 = vector.broadcast %shift_left3A_714 : i32 to vector<16xi32>
        %shift_left3A_716 = arith.shli %get3A_713, %shift_left3A_715 : vector<16xi32>
        %bitcast_convert_type3A_717 = tpu.bitcast %shift_left3A_716 : vector<16xi32> -> vector<16xf32>
        %and3A_718 = arith.andi %get3A_713, %broadcast_in_dim3A_282 : vector<16xi32>
        %bitcast_convert_type3A_719 = tpu.bitcast %and3A_718 : vector<16xi32> -> vector<16xf32>
        %get3A_720 = arith.index_cast %scan3A_594 : i32 to index
        %get3A_721 = arith.constant 96 : index
        %get3A_722 = tpu.vector_load %arg18[%get3A_720, %get3A_721] {strides = array<i32>} : memref<40x128xf32, #tpu.memory_space<vmem>>, vector<1x16xf32>,
        %get3A_723 = vector.shape_cast %get3A_722 : vector<1x16xf32> to vector<16xf32>
        %get3A_724 = arith.index_cast %scan3A_594 : i32 to index
        %get3A_725 = arith.constant 96 : index
        %get3A_726 = tpu.vector_load %arg20[%get3A_724, %get3A_725] {strides = array<i32>} : memref<40x128xf32, #tpu.memory_space<vmem>>, vector<1x16xf32>,
        %get3A_727 = vector.shape_cast %get3A_726 : vector<1x16xf32> to vector<16xf32>
        %add3A_728 = arith.addf %get3A_723, %get3A_727 : vector<16xf32>
        %add3A_729 = arith.addf %add3A_728, %bitcast_convert_type3A_717 : vector<16xf32>
        %swap3A_730 = arith.index_cast %scan3A_594 : i32 to index
        %swap3A_731 = arith.constant 96 : index
        %swap3A_732 = tpu.vector_load %arg18[%swap3A_730, %swap3A_731] {strides = array<i32>} : memref<40x128xf32, #tpu.memory_space<vmem>>, vector<1x16xf32>,
        %swap3A_733 = vector.shape_cast %swap3A_732 : vector<1x16xf32> to vector<16xf32>
        %swap3A_734 = vector.shape_cast %add3A_729 : vector<16xf32> to vector<1x16xf32>
        tpu.vector_store %arg18[%swap3A_730, %swap3A_731], %swap3A_734 {strides = array<i32>} : memref<40x128xf32, #tpu.memory_space<vmem>>, vector<1x16xf32>,
        %get3A_735 = arith.index_cast %scan3A_594 : i32 to index
        %get3A_736 = arith.constant 112 : index
        %get3A_737 = tpu.vector_load %arg18[%get3A_735, %get3A_736] {strides = array<i32>} : memref<40x128xf32, #tpu.memory_space<vmem>>, vector<1x16xf32>,
        %get3A_738 = vector.shape_cast %get3A_737 : vector<1x16xf32> to vector<16xf32>
        %get3A_739 = arith.index_cast %scan3A_594 : i32 to index
        %get3A_740 = arith.constant 112 : index
        %get3A_741 = tpu.vector_load %arg20[%get3A_739, %get3A_740] {strides = array<i32>} : memref<40x128xf32, #tpu.memory_space<vmem>>, vector<1x16xf32>,
        %get3A_742 = vector.shape_cast %get3A_741 : vector<1x16xf32> to vector<16xf32>
        %add3A_743 = arith.addf %get3A_738, %get3A_742 : vector<16xf32>
        %add3A_744 = arith.addf %add3A_743, %bitcast_convert_type3A_719 : vector<16xf32>
        %swap3A_745 = arith.index_cast %scan3A_594 : i32 to index
        %swap3A_746 = arith.constant 112 : index
        %swap3A_747 = tpu.vector_load %arg18[%swap3A_745, %swap3A_746] {strides = array<i32>} : memref<40x128xf32, #tpu.memory_space<vmem>>, vector<1x16xf32>,
        %swap3A_748 = vector.shape_cast %swap3A_747 : vector<1x16xf32> to vector<16xf32>
        %swap3A_749 = vector.shape_cast %add3A_744 : vector<16xf32> to vector<1x16xf32>
        tpu.vector_store %arg18[%swap3A_745, %swap3A_746], %swap3A_749 {strides = array<i32>} : memref<40x128xf32, #tpu.memory_space<vmem>>, vector<1x16xf32>,
      }
      %scan3A_288 = arith.constant 40 : i32
      %mul3A_289 = arith.constant 250 : i32
      %mul3A_290 = arith.muli %add3A, %mul3A_289 : i32
      %add3A_291 = arith.addi %mul3A_290, %add3A_216 : i32
      %mul3A_292 = arith.constant 40 : i32
      %mul3A_293 = arith.muli %add3A_291, %mul3A_292 : i32
      %dma_start3A_294 = arith.constant 0 : i32
      %dma_start3A_295 = tpu.memref_slice %arg8[%mul3A_293, %dma_start3A_294] : memref<320000x128xf32, #tpu.memory_space<hbm>> -> memref<40x128xf32, #tpu.memory_space<hbm>>
      %dma_start3A_296 = arith.constant 0 : i32
      %dma_start3A_297 = tpu.memref_slice %arg8[%mul3A_293, %dma_start3A_296] : memref<320000x128xf32, #tpu.memory_space<hbm>> -> memref<40x128xf32, #tpu.memory_space<hbm>>
      tpu.enqueue_dma source(%arg18 : memref<40x128xf32, #tpu.memory_space<vmem>>) target(%dma_start3A_297 : memref<40x128xf32, #tpu.memory_space<hbm>>) target_semaphore(%arg31 : memref<!tpu.dma_semaphore, #tpu.memory_space<semaphore_mem>>)
      %dma_start3A_298 = arith.constant 0 : i32
      %dma_start3A_299 = arith.constant 0 : i32
      %dma_start3A_300 = tpu.memref_slice %arg24[%dma_start3A_298, %dma_start3A_299] : memref<10000x128xf32, #tpu.memory_space<vmem_shared>> -> memref<10000x128xf32, #tpu.memory_space<vmem_shared>>
      tpu.enqueue_indirect_dma source(%arg18 : memref<40x128xf32, #tpu.memory_space<vmem>>) target(%dma_start3A_300 : memref<10000x128xf32, #tpu.memory_space<vmem_shared>>) offsets(%arg14 : memref<40xi32, #tpu.memory_space<vmem>>) semaphore(%arg33 : memref<!tpu.dma_semaphore, #tpu.memory_space<semaphore_mem>>) {add = true}
      %mul3A_301 = arith.constant 4 : i32
      %mul3A_302 = arith.muli %mul3A_301, %scan3A_212 : i32
      %add3A_303 = arith.constant 1 : i32
      %add3A_304 = arith.addi %mul3A_302, %add3A_303 : i32
      %sub3A = arith.constant 1 : i32
      %sub3A_305 = arith.subi %add3A_304, %sub3A : i32
      %mul3A_306 = arith.constant 250 : i32
      %mul3A_307 = arith.muli %add3A, %mul3A_306 : i32
      %add3A_308 = arith.addi %mul3A_307, %sub3A_305 : i32
      %mul3A_309 = arith.constant 40 : i32
      %mul3A_310 = arith.muli %add3A_308, %mul3A_309 : i32
      %dma_wait3A_311 = arith.constant 0 : i32
      %dma_wait3A_312 = tpu.memref_slice %arg8[%mul3A_310, %dma_wait3A_311] : memref<320000x128xf32, #tpu.memory_space<hbm>> -> memref<40x128xf32, #tpu.memory_space<hbm>>
      %dma_wait3A_313 = arith.constant 0 : i32
      %dma_wait3A_314 = tpu.memref_slice %arg8[%mul3A_310, %dma_wait3A_313] : memref<320000x128xf32, #tpu.memory_space<hbm>> -> memref<40x128xf32, #tpu.memory_space<hbm>>
      tpu.wait_dma2 semaphore(%arg31 : memref<!tpu.dma_semaphore, #tpu.memory_space<semaphore_mem>>) src(%arg18 : memref<40x128xf32, #tpu.memory_space<vmem>>) dst(%dma_wait3A_314 : memref<40x128xf32, #tpu.memory_space<hbm>>)
      %dma_wait3A_315 = arith.constant 0 : i32
      %dma_wait3A_316 = arith.constant 0 : i32
      %dma_wait3A_317 = tpu.memref_slice %arg24[%dma_wait3A_315, %dma_wait3A_316] : memref<10000x128xf32, #tpu.memory_space<vmem_shared>> -> memref<10000x128xf32, #tpu.memory_space<vmem_shared>>
      tpu.wait_indirect_dma semaphore(%arg33 : memref<!tpu.dma_semaphore, #tpu.memory_space<semaphore_mem>>) src(%arg18 : memref<40x128xf32, #tpu.memory_space<vmem>>) dst(%dma_wait3A_317 : memref<10000x128xf32, #tpu.memory_space<vmem_shared>>)
      %add3A_318 = arith.constant 2 : i32
      %add3A_319 = arith.addi %add3A_304, %add3A_318 : i32
      %dma_start3A_320 = arith.constant 0 : i32
      %dma_start3A_321 = tpu.memref_slice %arg5[%add3A, %add3A_319, %dma_start3A_320] : memref<32x250x40xi32, #tpu.memory_space<hbm>> -> memref<1x1x40xi32, #tpu.memory_space<hbm>>
      %dma_start3A_322 = tpu.memref_squeeze %dma_start3A_321 : memref<1x1x40xi32, #tpu.memory_space<hbm>> -> memref<40xi32, #tpu.memory_space<hbm>>
      %dma_start3A_323 = arith.constant 0 : i32
      %dma_start3A_324 = tpu.memref_slice %arg5[%add3A, %add3A_319, %dma_start3A_323] : memref<32x250x40xi32, #tpu.memory_space<hbm>> -> memref<1x1x40xi32, #tpu.memory_space<hbm>>
      %dma_start3A_325 = tpu.memref_squeeze %dma_start3A_324 : memref<1x1x40xi32, #tpu.memory_space<hbm>> -> memref<40xi32, #tpu.memory_space<hbm>>
      tpu.enqueue_dma source(%dma_start3A_325 : memref<40xi32, #tpu.memory_space<hbm>>) target(%arg13 : memref<40xi32, #tpu.memory_space<vmem>>) target_semaphore(%arg28 : memref<!tpu.dma_semaphore, #tpu.memory_space<semaphore_mem>>)
      %dma_start3A_326 = arith.constant 0 : i32
      %dma_start3A_327 = tpu.memref_slice %arg6[%add3A, %add3A_319, %dma_start3A_326] : memref<32x250x40xi32, #tpu.memory_space<hbm>> -> memref<1x1x40xi32, #tpu.memory_space<hbm>>
      %dma_start3A_328 = tpu.memref_squeeze %dma_start3A_327 : memref<1x1x40xi32, #tpu.memory_space<hbm>> -> memref<40xi32, #tpu.memory_space<hbm>>
      %dma_start3A_329 = arith.constant 0 : i32
      %dma_start3A_330 = tpu.memref_slice %arg6[%add3A, %add3A_319, %dma_start3A_329] : memref<32x250x40xi32, #tpu.memory_space<hbm>> -> memref<1x1x40xi32, #tpu.memory_space<hbm>>
      %dma_start3A_331 = tpu.memref_squeeze %dma_start3A_330 : memref<1x1x40xi32, #tpu.memory_space<hbm>> -> memref<40xi32, #tpu.memory_space<hbm>>
      tpu.enqueue_dma source(%dma_start3A_331 : memref<40xi32, #tpu.memory_space<hbm>>) target(%arg17 : memref<40xi32, #tpu.memory_space<vmem>>) target_semaphore(%arg28 : memref<!tpu.dma_semaphore, #tpu.memory_space<semaphore_mem>>)
      %add3A_332 = arith.constant 1 : i32
      %add3A_333 = arith.addi %add3A_304, %add3A_332 : i32
      %dma_wait3A_334 = arith.constant 0 : i32
      %dma_wait3A_335 = tpu.memref_slice %arg5[%add3A, %add3A_333, %dma_wait3A_334] : memref<32x250x40xi32, #tpu.memory_space<hbm>> -> memref<1x1x40xi32, #tpu.memory_space<hbm>>
      %dma_wait3A_336 = tpu.memref_squeeze %dma_wait3A_335 : memref<1x1x40xi32, #tpu.memory_space<hbm>> -> memref<40xi32, #tpu.memory_space<hbm>>
      %dma_wait3A_337 = arith.constant 0 : i32
      %dma_wait3A_338 = tpu.memref_slice %arg5[%add3A, %add3A_333, %dma_wait3A_337] : memref<32x250x40xi32, #tpu.memory_space<hbm>> -> memref<1x1x40xi32, #tpu.memory_space<hbm>>
      %dma_wait3A_339 = tpu.memref_squeeze %dma_wait3A_338 : memref<1x1x40xi32, #tpu.memory_space<hbm>> -> memref<40xi32, #tpu.memory_space<hbm>>
      tpu.wait_dma2 semaphore(%arg27 : memref<!tpu.dma_semaphore, #tpu.memory_space<semaphore_mem>>) src(%dma_wait3A_339 : memref<40xi32, #tpu.memory_space<hbm>>) dst(%arg12 : memref<40xi32, #tpu.memory_space<vmem>>)
      %dma_wait3A_340 = arith.constant 0 : i32
      %dma_wait3A_341 = tpu.memref_slice %arg6[%add3A, %add3A_333, %dma_wait3A_340] : memref<32x250x40xi32, #tpu.memory_space<hbm>> -> memref<1x1x40xi32, #tpu.memory_space<hbm>>
      %dma_wait3A_342 = tpu.memref_squeeze %dma_wait3A_341 : memref<1x1x40xi32, #tpu.memory_space<hbm>> -> memref<40xi32, #tpu.memory_space<hbm>>
      %dma_wait3A_343 = arith.constant 0 : i32
      %dma_wait3A_344 = tpu.memref_slice %arg6[%add3A, %add3A_333, %dma_wait3A_343] : memref<32x250x40xi32, #tpu.memory_space<hbm>> -> memref<1x1x40xi32, #tpu.memory_space<hbm>>
      %dma_wait3A_345 = tpu.memref_squeeze %dma_wait3A_344 : memref<1x1x40xi32, #tpu.memory_space<hbm>> -> memref<40xi32, #tpu.memory_space<hbm>>
      tpu.wait_dma2 semaphore(%arg27 : memref<!tpu.dma_semaphore, #tpu.memory_space<semaphore_mem>>) src(%dma_wait3A_345 : memref<40xi32, #tpu.memory_space<hbm>>) dst(%arg16 : memref<40xi32, #tpu.memory_space<vmem>>)
      %add3A_346 = arith.constant 1 : i32
      %add3A_347 = arith.addi %add3A_304, %add3A_346 : i32
      %mul3A_348 = arith.constant 250 : i32
      %mul3A_349 = arith.muli %add3A, %mul3A_348 : i32
      %add3A_350 = arith.addi %mul3A_349, %add3A_347 : i32
      %mul3A_351 = arith.constant 40 : i32
      %mul3A_352 = arith.muli %add3A_350, %mul3A_351 : i32
      %dma_start3A_353 = arith.constant 0 : i32
      %dma_start3A_354 = arith.constant 0 : i32
      %dma_start3A_355 = tpu.memref_slice %arg3[%dma_start3A_353, %dma_start3A_354] : memref<10000x128xf32, #tpu.memory_space<hbm>> -> memref<10000x128xf32, #tpu.memory_space<hbm>>
      tpu.enqueue_indirect_dma source(%dma_start3A_355 : memref<10000x128xf32, #tpu.memory_space<hbm>>) target(%arg18 : memref<40x128xf32, #tpu.memory_space<vmem>>) offsets(%arg12 : memref<40xi32, #tpu.memory_space<vmem>>) semaphore(%arg29 : memref<!tpu.dma_semaphore, #tpu.memory_space<semaphore_mem>>)
      %dma_start3A_356 = arith.constant 0 : i32
      %dma_start3A_357 = arith.constant 0 : i32
      %dma_start3A_358 = tpu.memref_slice %arg4[%dma_start3A_356, %dma_start3A_357] : memref<10000x128xf32, #tpu.memory_space<hbm>> -> memref<10000x128xf32, #tpu.memory_space<hbm>>
      tpu.enqueue_indirect_dma source(%dma_start3A_358 : memref<10000x128xf32, #tpu.memory_space<hbm>>) target(%arg20 : memref<40x128xf32, #tpu.memory_space<vmem>>) offsets(%arg16 : memref<40xi32, #tpu.memory_space<vmem>>) semaphore(%arg29 : memref<!tpu.dma_semaphore, #tpu.memory_space<semaphore_mem>>)
      %dma_start3A_359 = arith.constant 0 : i32
      %dma_start3A_360 = tpu.memref_slice %arg2[%mul3A_352, %dma_start3A_359] : memref<320000x64xi32, #tpu.memory_space<hbm>> -> memref<40x64xi32, #tpu.memory_space<hbm>>
      %dma_start3A_361 = arith.constant 0 : i32
      %dma_start3A_362 = tpu.memref_slice %arg2[%mul3A_352, %dma_start3A_361] : memref<320000x64xi32, #tpu.memory_space<hbm>> -> memref<40x64xi32, #tpu.memory_space<hbm>>
      tpu.enqueue_dma source(%dma_start3A_362 : memref<40x64xi32, #tpu.memory_space<hbm>>) target(%arg22 : memref<40x64xi32, #tpu.memory_space<vmem>>) target_semaphore(%arg29 : memref<!tpu.dma_semaphore, #tpu.memory_space<semaphore_mem>>)
      %mul3A_363 = arith.constant 250 : i32
      %mul3A_364 = arith.muli %add3A, %mul3A_363 : i32
      %add3A_365 = arith.addi %mul3A_364, %add3A_304 : i32
      %mul3A_366 = arith.constant 40 : i32
      %mul3A_367 = arith.muli %add3A_365, %mul3A_366 : i32
      %dma_wait3A_368 = arith.constant 0 : i32
      %dma_wait3A_369 = arith.constant 0 : i32
      %dma_wait3A_370 = tpu.memref_slice %arg3[%dma_wait3A_368, %dma_wait3A_369] : memref<10000x128xf32, #tpu.memory_space<hbm>> -> memref<10000x128xf32, #tpu.memory_space<hbm>>
      tpu.wait_indirect_dma semaphore(%arg30 : memref<!tpu.dma_semaphore, #tpu.memory_space<semaphore_mem>>) src(%dma_wait3A_370 : memref<10000x128xf32, #tpu.memory_space<hbm>>) dst(%arg19 : memref<40x128xf32, #tpu.memory_space<vmem>>)
      %dma_wait3A_371 = arith.constant 0 : i32
      %dma_wait3A_372 = arith.constant 0 : i32
      %dma_wait3A_373 = tpu.memref_slice %arg4[%dma_wait3A_371, %dma_wait3A_372] : memref<10000x128xf32, #tpu.memory_space<hbm>> -> memref<10000x128xf32, #tpu.memory_space<hbm>>
      tpu.wait_indirect_dma semaphore(%arg30 : memref<!tpu.dma_semaphore, #tpu.memory_space<semaphore_mem>>) src(%dma_wait3A_373 : memref<10000x128xf32, #tpu.memory_space<hbm>>) dst(%arg21 : memref<40x128xf32, #tpu.memory_space<vmem>>)
      %dma_wait3A_374 = arith.constant 0 : i32
      %dma_wait3A_375 = tpu.memref_slice %arg2[%mul3A_367, %dma_wait3A_374] : memref<320000x64xi32, #tpu.memory_space<hbm>> -> memref<40x64xi32, #tpu.memory_space<hbm>>
      %dma_wait3A_376 = arith.constant 0 : i32
      %dma_wait3A_377 = tpu.memref_slice %arg2[%mul3A_367, %dma_wait3A_376] : memref<320000x64xi32, #tpu.memory_space<hbm>> -> memref<40x64xi32, #tpu.memory_space<hbm>>
      tpu.wait_dma2 semaphore(%arg30 : memref<!tpu.dma_semaphore, #tpu.memory_space<semaphore_mem>>) src(%dma_wait3A_377 : memref<40x64xi32, #tpu.memory_space<hbm>>) dst(%arg23 : memref<40x64xi32, #tpu.memory_space<vmem>>)
      %broadcast_in_dim3A_378 = arith.constant -65536 : i32
      %broadcast_in_dim3A_379 = vector.broadcast %broadcast_in_dim3A_378 : i32 to vector<16xi32>
      %scan3A_380 = arith.constant 0 : i32
      %scan3A_381 = arith.constant 0 : i32
      %scan3A_382 = arith.constant 40 : i32
      %scan3A_383 = arith.addi %scan3A_381, %scan3A_382 : i32
      %scan3A_384 = arith.constant 1 : i32
      scf.for %scan3A_594 = %scan3A_381 to %scan3A_383 step %scan3A_384  : i32 {
        %get3A = arith.index_cast %scan3A_594 : i32 to index
        %get3A_595 = arith.constant 0 : index
        %get3A_596 = tpu.vector_load %arg23[%get3A, %get3A_595] {strides = array<i32>} : memref<40x64xi32, #tpu.memory_space<vmem>>, vector<1x16xi32>,
        %get3A_597 = vector.shape_cast %get3A_596 : vector<1x16xi32> to vector<16xi32>
        %shift_left3A = arith.constant 16 : i32
        %shift_left3A_598 = vector.broadcast %shift_left3A : i32 to vector<16xi32>
        %shift_left3A_599 = arith.shli %get3A_597, %shift_left3A_598 : vector<16xi32>
        %bitcast_convert_type3A = tpu.bitcast %shift_left3A_599 : vector<16xi32> -> vector<16xf32>
        %and3A = arith.andi %get3A_597, %broadcast_in_dim3A_379 : vector<16xi32>
        %bitcast_convert_type3A_600 = tpu.bitcast %and3A : vector<16xi32> -> vector<16xf32>
        %get3A_601 = arith.index_cast %scan3A_594 : i32 to index
        %get3A_602 = arith.constant 0 : index
        %get3A_603 = tpu.vector_load %arg19[%get3A_601, %get3A_602] {strides = array<i32>} : memref<40x128xf32, #tpu.memory_space<vmem>>, vector<1x16xf32>,
        %get3A_604 = vector.shape_cast %get3A_603 : vector<1x16xf32> to vector<16xf32>
        %get3A_605 = arith.index_cast %scan3A_594 : i32 to index
        %get3A_606 = arith.constant 0 : index
        %get3A_607 = tpu.vector_load %arg21[%get3A_605, %get3A_606] {strides = array<i32>} : memref<40x128xf32, #tpu.memory_space<vmem>>, vector<1x16xf32>,
        %get3A_608 = vector.shape_cast %get3A_607 : vector<1x16xf32> to vector<16xf32>
        %add3A_609 = arith.addf %get3A_604, %get3A_608 : vector<16xf32>
        %add3A_610 = arith.addf %add3A_609, %bitcast_convert_type3A : vector<16xf32>
        %swap3A = arith.index_cast %scan3A_594 : i32 to index
        %swap3A_611 = arith.constant 0 : index
        %swap3A_612 = tpu.vector_load %arg19[%swap3A, %swap3A_611] {strides = array<i32>} : memref<40x128xf32, #tpu.memory_space<vmem>>, vector<1x16xf32>,
        %swap3A_613 = vector.shape_cast %swap3A_612 : vector<1x16xf32> to vector<16xf32>
        %swap3A_614 = vector.shape_cast %add3A_610 : vector<16xf32> to vector<1x16xf32>
        tpu.vector_store %arg19[%swap3A, %swap3A_611], %swap3A_614 {strides = array<i32>} : memref<40x128xf32, #tpu.memory_space<vmem>>, vector<1x16xf32>,
        %get3A_615 = arith.index_cast %scan3A_594 : i32 to index
        %get3A_616 = arith.constant 16 : index
        %get3A_617 = tpu.vector_load %arg19[%get3A_615, %get3A_616] {strides = array<i32>} : memref<40x128xf32, #tpu.memory_space<vmem>>, vector<1x16xf32>,
        %get3A_618 = vector.shape_cast %get3A_617 : vector<1x16xf32> to vector<16xf32>
        %get3A_619 = arith.index_cast %scan3A_594 : i32 to index
        %get3A_620 = arith.constant 16 : index
        %get3A_621 = tpu.vector_load %arg21[%get3A_619, %get3A_620] {strides = array<i32>} : memref<40x128xf32, #tpu.memory_space<vmem>>, vector<1x16xf32>,
        %get3A_622 = vector.shape_cast %get3A_621 : vector<1x16xf32> to vector<16xf32>
        %add3A_623 = arith.addf %get3A_618, %get3A_622 : vector<16xf32>
        %add3A_624 = arith.addf %add3A_623, %bitcast_convert_type3A_600 : vector<16xf32>
        %swap3A_625 = arith.index_cast %scan3A_594 : i32 to index
        %swap3A_626 = arith.constant 16 : index
        %swap3A_627 = tpu.vector_load %arg19[%swap3A_625, %swap3A_626] {strides = array<i32>} : memref<40x128xf32, #tpu.memory_space<vmem>>, vector<1x16xf32>,
        %swap3A_628 = vector.shape_cast %swap3A_627 : vector<1x16xf32> to vector<16xf32>
        %swap3A_629 = vector.shape_cast %add3A_624 : vector<16xf32> to vector<1x16xf32>
        tpu.vector_store %arg19[%swap3A_625, %swap3A_626], %swap3A_629 {strides = array<i32>} : memref<40x128xf32, #tpu.memory_space<vmem>>, vector<1x16xf32>,
        %get3A_630 = arith.index_cast %scan3A_594 : i32 to index
        %get3A_631 = arith.constant 16 : index
        %get3A_632 = tpu.vector_load %arg23[%get3A_630, %get3A_631] {strides = array<i32>} : memref<40x64xi32, #tpu.memory_space<vmem>>, vector<1x16xi32>,
        %get3A_633 = vector.shape_cast %get3A_632 : vector<1x16xi32> to vector<16xi32>
        %shift_left3A_634 = arith.constant 16 : i32
        %shift_left3A_635 = vector.broadcast %shift_left3A_634 : i32 to vector<16xi32>
        %shift_left3A_636 = arith.shli %get3A_633, %shift_left3A_635 : vector<16xi32>
        %bitcast_convert_type3A_637 = tpu.bitcast %shift_left3A_636 : vector<16xi32> -> vector<16xf32>
        %and3A_638 = arith.andi %get3A_633, %broadcast_in_dim3A_379 : vector<16xi32>
        %bitcast_convert_type3A_639 = tpu.bitcast %and3A_638 : vector<16xi32> -> vector<16xf32>
        %get3A_640 = arith.index_cast %scan3A_594 : i32 to index
        %get3A_641 = arith.constant 32 : index
        %get3A_642 = tpu.vector_load %arg19[%get3A_640, %get3A_641] {strides = array<i32>} : memref<40x128xf32, #tpu.memory_space<vmem>>, vector<1x16xf32>,
        %get3A_643 = vector.shape_cast %get3A_642 : vector<1x16xf32> to vector<16xf32>
        %get3A_644 = arith.index_cast %scan3A_594 : i32 to index
        %get3A_645 = arith.constant 32 : index
        %get3A_646 = tpu.vector_load %arg21[%get3A_644, %get3A_645] {strides = array<i32>} : memref<40x128xf32, #tpu.memory_space<vmem>>, vector<1x16xf32>,
        %get3A_647 = vector.shape_cast %get3A_646 : vector<1x16xf32> to vector<16xf32>
        %add3A_648 = arith.addf %get3A_643, %get3A_647 : vector<16xf32>
        %add3A_649 = arith.addf %add3A_648, %bitcast_convert_type3A_637 : vector<16xf32>
        %swap3A_650 = arith.index_cast %scan3A_594 : i32 to index
        %swap3A_651 = arith.constant 32 : index
        %swap3A_652 = tpu.vector_load %arg19[%swap3A_650, %swap3A_651] {strides = array<i32>} : memref<40x128xf32, #tpu.memory_space<vmem>>, vector<1x16xf32>,
        %swap3A_653 = vector.shape_cast %swap3A_652 : vector<1x16xf32> to vector<16xf32>
        %swap3A_654 = vector.shape_cast %add3A_649 : vector<16xf32> to vector<1x16xf32>
        tpu.vector_store %arg19[%swap3A_650, %swap3A_651], %swap3A_654 {strides = array<i32>} : memref<40x128xf32, #tpu.memory_space<vmem>>, vector<1x16xf32>,
        %get3A_655 = arith.index_cast %scan3A_594 : i32 to index
        %get3A_656 = arith.constant 48 : index
        %get3A_657 = tpu.vector_load %arg19[%get3A_655, %get3A_656] {strides = array<i32>} : memref<40x128xf32, #tpu.memory_space<vmem>>, vector<1x16xf32>,
        %get3A_658 = vector.shape_cast %get3A_657 : vector<1x16xf32> to vector<16xf32>
        %get3A_659 = arith.index_cast %scan3A_594 : i32 to index
        %get3A_660 = arith.constant 48 : index
        %get3A_661 = tpu.vector_load %arg21[%get3A_659, %get3A_660] {strides = array<i32>} : memref<40x128xf32, #tpu.memory_space<vmem>>, vector<1x16xf32>,
        %get3A_662 = vector.shape_cast %get3A_661 : vector<1x16xf32> to vector<16xf32>
        %add3A_663 = arith.addf %get3A_658, %get3A_662 : vector<16xf32>
        %add3A_664 = arith.addf %add3A_663, %bitcast_convert_type3A_639 : vector<16xf32>
        %swap3A_665 = arith.index_cast %scan3A_594 : i32 to index
        %swap3A_666 = arith.constant 48 : index
        %swap3A_667 = tpu.vector_load %arg19[%swap3A_665, %swap3A_666] {strides = array<i32>} : memref<40x128xf32, #tpu.memory_space<vmem>>, vector<1x16xf32>,
        %swap3A_668 = vector.shape_cast %swap3A_667 : vector<1x16xf32> to vector<16xf32>
        %swap3A_669 = vector.shape_cast %add3A_664 : vector<16xf32> to vector<1x16xf32>
        tpu.vector_store %arg19[%swap3A_665, %swap3A_666], %swap3A_669 {strides = array<i32>} : memref<40x128xf32, #tpu.memory_space<vmem>>, vector<1x16xf32>,
        %get3A_670 = arith.index_cast %scan3A_594 : i32 to index
        %get3A_671 = arith.constant 32 : index
        %get3A_672 = tpu.vector_load %arg23[%get3A_670, %get3A_671] {strides = array<i32>} : memref<40x64xi32, #tpu.memory_space<vmem>>, vector<1x16xi32>,
        %get3A_673 = vector.shape_cast %get3A_672 : vector<1x16xi32> to vector<16xi32>
        %shift_left3A_674 = arith.constant 16 : i32
        %shift_left3A_675 = vector.broadcast %shift_left3A_674 : i32 to vector<16xi32>
        %shift_left3A_676 = arith.shli %get3A_673, %shift_left3A_675 : vector<16xi32>
        %bitcast_convert_type3A_677 = tpu.bitcast %shift_left3A_676 : vector<16xi32> -> vector<16xf32>
        %and3A_678 = arith.andi %get3A_673, %broadcast_in_dim3A_379 : vector<16xi32>
        %bitcast_convert_type3A_679 = tpu.bitcast %and3A_678 : vector<16xi32> -> vector<16xf32>
        %get3A_680 = arith.index_cast %scan3A_594 : i32 to index
        %get3A_681 = arith.constant 64 : index
        %get3A_682 = tpu.vector_load %arg19[%get3A_680, %get3A_681] {strides = array<i32>} : memref<40x128xf32, #tpu.memory_space<vmem>>, vector<1x16xf32>,
        %get3A_683 = vector.shape_cast %get3A_682 : vector<1x16xf32> to vector<16xf32>
        %get3A_684 = arith.index_cast %scan3A_594 : i32 to index
        %get3A_685 = arith.constant 64 : index
        %get3A_686 = tpu.vector_load %arg21[%get3A_684, %get3A_685] {strides = array<i32>} : memref<40x128xf32, #tpu.memory_space<vmem>>, vector<1x16xf32>,
        %get3A_687 = vector.shape_cast %get3A_686 : vector<1x16xf32> to vector<16xf32>
        %add3A_688 = arith.addf %get3A_683, %get3A_687 : vector<16xf32>
        %add3A_689 = arith.addf %add3A_688, %bitcast_convert_type3A_677 : vector<16xf32>
        %swap3A_690 = arith.index_cast %scan3A_594 : i32 to index
        %swap3A_691 = arith.constant 64 : index
        %swap3A_692 = tpu.vector_load %arg19[%swap3A_690, %swap3A_691] {strides = array<i32>} : memref<40x128xf32, #tpu.memory_space<vmem>>, vector<1x16xf32>,
        %swap3A_693 = vector.shape_cast %swap3A_692 : vector<1x16xf32> to vector<16xf32>
        %swap3A_694 = vector.shape_cast %add3A_689 : vector<16xf32> to vector<1x16xf32>
        tpu.vector_store %arg19[%swap3A_690, %swap3A_691], %swap3A_694 {strides = array<i32>} : memref<40x128xf32, #tpu.memory_space<vmem>>, vector<1x16xf32>,
        %get3A_695 = arith.index_cast %scan3A_594 : i32 to index
        %get3A_696 = arith.constant 80 : index
        %get3A_697 = tpu.vector_load %arg19[%get3A_695, %get3A_696] {strides = array<i32>} : memref<40x128xf32, #tpu.memory_space<vmem>>, vector<1x16xf32>,
        %get3A_698 = vector.shape_cast %get3A_697 : vector<1x16xf32> to vector<16xf32>
        %get3A_699 = arith.index_cast %scan3A_594 : i32 to index
        %get3A_700 = arith.constant 80 : index
        %get3A_701 = tpu.vector_load %arg21[%get3A_699, %get3A_700] {strides = array<i32>} : memref<40x128xf32, #tpu.memory_space<vmem>>, vector<1x16xf32>,
        %get3A_702 = vector.shape_cast %get3A_701 : vector<1x16xf32> to vector<16xf32>
        %add3A_703 = arith.addf %get3A_698, %get3A_702 : vector<16xf32>
        %add3A_704 = arith.addf %add3A_703, %bitcast_convert_type3A_679 : vector<16xf32>
        %swap3A_705 = arith.index_cast %scan3A_594 : i32 to index
        %swap3A_706 = arith.constant 80 : index
        %swap3A_707 = tpu.vector_load %arg19[%swap3A_705, %swap3A_706] {strides = array<i32>} : memref<40x128xf32, #tpu.memory_space<vmem>>, vector<1x16xf32>,
        %swap3A_708 = vector.shape_cast %swap3A_707 : vector<1x16xf32> to vector<16xf32>
        %swap3A_709 = vector.shape_cast %add3A_704 : vector<16xf32> to vector<1x16xf32>
        tpu.vector_store %arg19[%swap3A_705, %swap3A_706], %swap3A_709 {strides = array<i32>} : memref<40x128xf32, #tpu.memory_space<vmem>>, vector<1x16xf32>,
        %get3A_710 = arith.index_cast %scan3A_594 : i32 to index
        %get3A_711 = arith.constant 48 : index
        %get3A_712 = tpu.vector_load %arg23[%get3A_710, %get3A_711] {strides = array<i32>} : memref<40x64xi32, #tpu.memory_space<vmem>>, vector<1x16xi32>,
        %get3A_713 = vector.shape_cast %get3A_712 : vector<1x16xi32> to vector<16xi32>
        %shift_left3A_714 = arith.constant 16 : i32
        %shift_left3A_715 = vector.broadcast %shift_left3A_714 : i32 to vector<16xi32>
        %shift_left3A_716 = arith.shli %get3A_713, %shift_left3A_715 : vector<16xi32>
        %bitcast_convert_type3A_717 = tpu.bitcast %shift_left3A_716 : vector<16xi32> -> vector<16xf32>
        %and3A_718 = arith.andi %get3A_713, %broadcast_in_dim3A_379 : vector<16xi32>
        %bitcast_convert_type3A_719 = tpu.bitcast %and3A_718 : vector<16xi32> -> vector<16xf32>
        %get3A_720 = arith.index_cast %scan3A_594 : i32 to index
        %get3A_721 = arith.constant 96 : index
        %get3A_722 = tpu.vector_load %arg19[%get3A_720, %get3A_721] {strides = array<i32>} : memref<40x128xf32, #tpu.memory_space<vmem>>, vector<1x16xf32>,
        %get3A_723 = vector.shape_cast %get3A_722 : vector<1x16xf32> to vector<16xf32>
        %get3A_724 = arith.index_cast %scan3A_594 : i32 to index
        %get3A_725 = arith.constant 96 : index
        %get3A_726 = tpu.vector_load %arg21[%get3A_724, %get3A_725] {strides = array<i32>} : memref<40x128xf32, #tpu.memory_space<vmem>>, vector<1x16xf32>,
        %get3A_727 = vector.shape_cast %get3A_726 : vector<1x16xf32> to vector<16xf32>
        %add3A_728 = arith.addf %get3A_723, %get3A_727 : vector<16xf32>
        %add3A_729 = arith.addf %add3A_728, %bitcast_convert_type3A_717 : vector<16xf32>
        %swap3A_730 = arith.index_cast %scan3A_594 : i32 to index
        %swap3A_731 = arith.constant 96 : index
        %swap3A_732 = tpu.vector_load %arg19[%swap3A_730, %swap3A_731] {strides = array<i32>} : memref<40x128xf32, #tpu.memory_space<vmem>>, vector<1x16xf32>,
        %swap3A_733 = vector.shape_cast %swap3A_732 : vector<1x16xf32> to vector<16xf32>
        %swap3A_734 = vector.shape_cast %add3A_729 : vector<16xf32> to vector<1x16xf32>
        tpu.vector_store %arg19[%swap3A_730, %swap3A_731], %swap3A_734 {strides = array<i32>} : memref<40x128xf32, #tpu.memory_space<vmem>>, vector<1x16xf32>,
        %get3A_735 = arith.index_cast %scan3A_594 : i32 to index
        %get3A_736 = arith.constant 112 : index
        %get3A_737 = tpu.vector_load %arg19[%get3A_735, %get3A_736] {strides = array<i32>} : memref<40x128xf32, #tpu.memory_space<vmem>>, vector<1x16xf32>,
        %get3A_738 = vector.shape_cast %get3A_737 : vector<1x16xf32> to vector<16xf32>
        %get3A_739 = arith.index_cast %scan3A_594 : i32 to index
        %get3A_740 = arith.constant 112 : index
        %get3A_741 = tpu.vector_load %arg21[%get3A_739, %get3A_740] {strides = array<i32>} : memref<40x128xf32, #tpu.memory_space<vmem>>, vector<1x16xf32>,
        %get3A_742 = vector.shape_cast %get3A_741 : vector<1x16xf32> to vector<16xf32>
        %add3A_743 = arith.addf %get3A_738, %get3A_742 : vector<16xf32>
        %add3A_744 = arith.addf %add3A_743, %bitcast_convert_type3A_719 : vector<16xf32>
        %swap3A_745 = arith.index_cast %scan3A_594 : i32 to index
        %swap3A_746 = arith.constant 112 : index
        %swap3A_747 = tpu.vector_load %arg19[%swap3A_745, %swap3A_746] {strides = array<i32>} : memref<40x128xf32, #tpu.memory_space<vmem>>, vector<1x16xf32>,
        %swap3A_748 = vector.shape_cast %swap3A_747 : vector<1x16xf32> to vector<16xf32>
        %swap3A_749 = vector.shape_cast %add3A_744 : vector<16xf32> to vector<1x16xf32>
        tpu.vector_store %arg19[%swap3A_745, %swap3A_746], %swap3A_749 {strides = array<i32>} : memref<40x128xf32, #tpu.memory_space<vmem>>, vector<1x16xf32>,
      }
      %scan3A_385 = arith.constant 40 : i32
      %mul3A_386 = arith.constant 250 : i32
      %mul3A_387 = arith.muli %add3A, %mul3A_386 : i32
      %add3A_388 = arith.addi %mul3A_387, %add3A_304 : i32
      %mul3A_389 = arith.constant 40 : i32
      %mul3A_390 = arith.muli %add3A_388, %mul3A_389 : i32
      %dma_start3A_391 = arith.constant 0 : i32
      %dma_start3A_392 = tpu.memref_slice %arg8[%mul3A_390, %dma_start3A_391] : memref<320000x128xf32, #tpu.memory_space<hbm>> -> memref<40x128xf32, #tpu.memory_space<hbm>>
      %dma_start3A_393 = arith.constant 0 : i32
      %dma_start3A_394 = tpu.memref_slice %arg8[%mul3A_390, %dma_start3A_393] : memref<320000x128xf32, #tpu.memory_space<hbm>> -> memref<40x128xf32, #tpu.memory_space<hbm>>
      tpu.enqueue_dma source(%arg19 : memref<40x128xf32, #tpu.memory_space<vmem>>) target(%dma_start3A_394 : memref<40x128xf32, #tpu.memory_space<hbm>>) target_semaphore(%arg32 : memref<!tpu.dma_semaphore, #tpu.memory_space<semaphore_mem>>)
      %dma_start3A_395 = arith.constant 0 : i32
      %dma_start3A_396 = arith.constant 0 : i32
      %dma_start3A_397 = tpu.memref_slice %arg24[%dma_start3A_395, %dma_start3A_396] : memref<10000x128xf32, #tpu.memory_space<vmem_shared>> -> memref<10000x128xf32, #tpu.memory_space<vmem_shared>>
      tpu.enqueue_indirect_dma source(%arg19 : memref<40x128xf32, #tpu.memory_space<vmem>>) target(%dma_start3A_397 : memref<10000x128xf32, #tpu.memory_space<vmem_shared>>) offsets(%arg15 : memref<40xi32, #tpu.memory_space<vmem>>) semaphore(%arg34 : memref<!tpu.dma_semaphore, #tpu.memory_space<semaphore_mem>>) {add = true}
      %mul3A_398 = arith.constant 4 : i32
      %mul3A_399 = arith.muli %mul3A_398, %scan3A_212 : i32
      %add3A_400 = arith.constant 2 : i32
      %add3A_401 = arith.addi %mul3A_399, %add3A_400 : i32
      %sub3A_402 = arith.constant 1 : i32
      %sub3A_403 = arith.subi %add3A_401, %sub3A_402 : i32
      %mul3A_404 = arith.constant 250 : i32
      %mul3A_405 = arith.muli %add3A, %mul3A_404 : i32
      %add3A_406 = arith.addi %mul3A_405, %sub3A_403 : i32
      %mul3A_407 = arith.constant 40 : i32
      %mul3A_408 = arith.muli %add3A_406, %mul3A_407 : i32
      %dma_wait3A_409 = arith.constant 0 : i32
      %dma_wait3A_410 = tpu.memref_slice %arg8[%mul3A_408, %dma_wait3A_409] : memref<320000x128xf32, #tpu.memory_space<hbm>> -> memref<40x128xf32, #tpu.memory_space<hbm>>
      %dma_wait3A_411 = arith.constant 0 : i32
      %dma_wait3A_412 = tpu.memref_slice %arg8[%mul3A_408, %dma_wait3A_411] : memref<320000x128xf32, #tpu.memory_space<hbm>> -> memref<40x128xf32, #tpu.memory_space<hbm>>
      tpu.wait_dma2 semaphore(%arg32 : memref<!tpu.dma_semaphore, #tpu.memory_space<semaphore_mem>>) src(%arg19 : memref<40x128xf32, #tpu.memory_space<vmem>>) dst(%dma_wait3A_412 : memref<40x128xf32, #tpu.memory_space<hbm>>)
      %dma_wait3A_413 = arith.constant 0 : i32
      %dma_wait3A_414 = arith.constant 0 : i32
      %dma_wait3A_415 = tpu.memref_slice %arg24[%dma_wait3A_413, %dma_wait3A_414] : memref<10000x128xf32, #tpu.memory_space<vmem_shared>> -> memref<10000x128xf32, #tpu.memory_space<vmem_shared>>
      tpu.wait_indirect_dma semaphore(%arg34 : memref<!tpu.dma_semaphore, #tpu.memory_space<semaphore_mem>>) src(%arg19 : memref<40x128xf32, #tpu.memory_space<vmem>>) dst(%dma_wait3A_415 : memref<10000x128xf32, #tpu.memory_space<vmem_shared>>)
      %add3A_416 = arith.constant 2 : i32
      %add3A_417 = arith.addi %add3A_401, %add3A_416 : i32
      %dma_start3A_418 = arith.constant 0 : i32
      %dma_start3A_419 = tpu.memref_slice %arg5[%add3A, %add3A_417, %dma_start3A_418] : memref<32x250x40xi32, #tpu.memory_space<hbm>> -> memref<1x1x40xi32, #tpu.memory_space<hbm>>
      %dma_start3A_420 = tpu.memref_squeeze %dma_start3A_419 : memref<1x1x40xi32, #tpu.memory_space<hbm>> -> memref<40xi32, #tpu.memory_space<hbm>>
      %dma_start3A_421 = arith.constant 0 : i32
      %dma_start3A_422 = tpu.memref_slice %arg5[%add3A, %add3A_417, %dma_start3A_421] : memref<32x250x40xi32, #tpu.memory_space<hbm>> -> memref<1x1x40xi32, #tpu.memory_space<hbm>>
      %dma_start3A_423 = tpu.memref_squeeze %dma_start3A_422 : memref<1x1x40xi32, #tpu.memory_space<hbm>> -> memref<40xi32, #tpu.memory_space<hbm>>
      tpu.enqueue_dma source(%dma_start3A_423 : memref<40xi32, #tpu.memory_space<hbm>>) target(%arg10 : memref<40xi32, #tpu.memory_space<vmem>>) target_semaphore(%arg25 : memref<!tpu.dma_semaphore, #tpu.memory_space<semaphore_mem>>)
      %dma_start3A_424 = arith.constant 0 : i32
      %dma_start3A_425 = tpu.memref_slice %arg6[%add3A, %add3A_417, %dma_start3A_424] : memref<32x250x40xi32, #tpu.memory_space<hbm>> -> memref<1x1x40xi32, #tpu.memory_space<hbm>>
      %dma_start3A_426 = tpu.memref_squeeze %dma_start3A_425 : memref<1x1x40xi32, #tpu.memory_space<hbm>> -> memref<40xi32, #tpu.memory_space<hbm>>
      %dma_start3A_427 = arith.constant 0 : i32
      %dma_start3A_428 = tpu.memref_slice %arg6[%add3A, %add3A_417, %dma_start3A_427] : memref<32x250x40xi32, #tpu.memory_space<hbm>> -> memref<1x1x40xi32, #tpu.memory_space<hbm>>
      %dma_start3A_429 = tpu.memref_squeeze %dma_start3A_428 : memref<1x1x40xi32, #tpu.memory_space<hbm>> -> memref<40xi32, #tpu.memory_space<hbm>>
      tpu.enqueue_dma source(%dma_start3A_429 : memref<40xi32, #tpu.memory_space<hbm>>) target(%arg14 : memref<40xi32, #tpu.memory_space<vmem>>) target_semaphore(%arg25 : memref<!tpu.dma_semaphore, #tpu.memory_space<semaphore_mem>>)
      %add3A_430 = arith.constant 1 : i32
      %add3A_431 = arith.addi %add3A_401, %add3A_430 : i32
      %dma_wait3A_432 = arith.constant 0 : i32
      %dma_wait3A_433 = tpu.memref_slice %arg5[%add3A, %add3A_431, %dma_wait3A_432] : memref<32x250x40xi32, #tpu.memory_space<hbm>> -> memref<1x1x40xi32, #tpu.memory_space<hbm>>
      %dma_wait3A_434 = tpu.memref_squeeze %dma_wait3A_433 : memref<1x1x40xi32, #tpu.memory_space<hbm>> -> memref<40xi32, #tpu.memory_space<hbm>>
      %dma_wait3A_435 = arith.constant 0 : i32
      %dma_wait3A_436 = tpu.memref_slice %arg5[%add3A, %add3A_431, %dma_wait3A_435] : memref<32x250x40xi32, #tpu.memory_space<hbm>> -> memref<1x1x40xi32, #tpu.memory_space<hbm>>
      %dma_wait3A_437 = tpu.memref_squeeze %dma_wait3A_436 : memref<1x1x40xi32, #tpu.memory_space<hbm>> -> memref<40xi32, #tpu.memory_space<hbm>>
      tpu.wait_dma2 semaphore(%arg28 : memref<!tpu.dma_semaphore, #tpu.memory_space<semaphore_mem>>) src(%dma_wait3A_437 : memref<40xi32, #tpu.memory_space<hbm>>) dst(%arg13 : memref<40xi32, #tpu.memory_space<vmem>>)
      %dma_wait3A_438 = arith.constant 0 : i32
      %dma_wait3A_439 = tpu.memref_slice %arg6[%add3A, %add3A_431, %dma_wait3A_438] : memref<32x250x40xi32, #tpu.memory_space<hbm>> -> memref<1x1x40xi32, #tpu.memory_space<hbm>>
      %dma_wait3A_440 = tpu.memref_squeeze %dma_wait3A_439 : memref<1x1x40xi32, #tpu.memory_space<hbm>> -> memref<40xi32, #tpu.memory_space<hbm>>
      %dma_wait3A_441 = arith.constant 0 : i32
      %dma_wait3A_442 = tpu.memref_slice %arg6[%add3A, %add3A_431, %dma_wait3A_441] : memref<32x250x40xi32, #tpu.memory_space<hbm>> -> memref<1x1x40xi32, #tpu.memory_space<hbm>>
      %dma_wait3A_443 = tpu.memref_squeeze %dma_wait3A_442 : memref<1x1x40xi32, #tpu.memory_space<hbm>> -> memref<40xi32, #tpu.memory_space<hbm>>
      tpu.wait_dma2 semaphore(%arg28 : memref<!tpu.dma_semaphore, #tpu.memory_space<semaphore_mem>>) src(%dma_wait3A_443 : memref<40xi32, #tpu.memory_space<hbm>>) dst(%arg17 : memref<40xi32, #tpu.memory_space<vmem>>)
      %add3A_444 = arith.constant 1 : i32
      %add3A_445 = arith.addi %add3A_401, %add3A_444 : i32
      %mul3A_446 = arith.constant 250 : i32
      %mul3A_447 = arith.muli %add3A, %mul3A_446 : i32
      %add3A_448 = arith.addi %mul3A_447, %add3A_445 : i32
      %mul3A_449 = arith.constant 40 : i32
      %mul3A_450 = arith.muli %add3A_448, %mul3A_449 : i32
      %dma_start3A_451 = arith.constant 0 : i32
      %dma_start3A_452 = arith.constant 0 : i32
      %dma_start3A_453 = tpu.memref_slice %arg3[%dma_start3A_451, %dma_start3A_452] : memref<10000x128xf32, #tpu.memory_space<hbm>> -> memref<10000x128xf32, #tpu.memory_space<hbm>>
      tpu.enqueue_indirect_dma source(%dma_start3A_453 : memref<10000x128xf32, #tpu.memory_space<hbm>>) target(%arg19 : memref<40x128xf32, #tpu.memory_space<vmem>>) offsets(%arg13 : memref<40xi32, #tpu.memory_space<vmem>>) semaphore(%arg30 : memref<!tpu.dma_semaphore, #tpu.memory_space<semaphore_mem>>)
      %dma_start3A_454 = arith.constant 0 : i32
      %dma_start3A_455 = arith.constant 0 : i32
      %dma_start3A_456 = tpu.memref_slice %arg4[%dma_start3A_454, %dma_start3A_455] : memref<10000x128xf32, #tpu.memory_space<hbm>> -> memref<10000x128xf32, #tpu.memory_space<hbm>>
      tpu.enqueue_indirect_dma source(%dma_start3A_456 : memref<10000x128xf32, #tpu.memory_space<hbm>>) target(%arg21 : memref<40x128xf32, #tpu.memory_space<vmem>>) offsets(%arg17 : memref<40xi32, #tpu.memory_space<vmem>>) semaphore(%arg30 : memref<!tpu.dma_semaphore, #tpu.memory_space<semaphore_mem>>)
      %dma_start3A_457 = arith.constant 0 : i32
      %dma_start3A_458 = tpu.memref_slice %arg2[%mul3A_450, %dma_start3A_457] : memref<320000x64xi32, #tpu.memory_space<hbm>> -> memref<40x64xi32, #tpu.memory_space<hbm>>
      %dma_start3A_459 = arith.constant 0 : i32
      %dma_start3A_460 = tpu.memref_slice %arg2[%mul3A_450, %dma_start3A_459] : memref<320000x64xi32, #tpu.memory_space<hbm>> -> memref<40x64xi32, #tpu.memory_space<hbm>>
      tpu.enqueue_dma source(%dma_start3A_460 : memref<40x64xi32, #tpu.memory_space<hbm>>) target(%arg23 : memref<40x64xi32, #tpu.memory_space<vmem>>) target_semaphore(%arg30 : memref<!tpu.dma_semaphore, #tpu.memory_space<semaphore_mem>>)
      %mul3A_461 = arith.constant 250 : i32
      %mul3A_462 = arith.muli %add3A, %mul3A_461 : i32
      %add3A_463 = arith.addi %mul3A_462, %add3A_401 : i32
      %mul3A_464 = arith.constant 40 : i32
      %mul3A_465 = arith.muli %add3A_463, %mul3A_464 : i32
      %dma_wait3A_466 = arith.constant 0 : i32
      %dma_wait3A_467 = arith.constant 0 : i32
      %dma_wait3A_468 = tpu.memref_slice %arg3[%dma_wait3A_466, %dma_wait3A_467] : memref<10000x128xf32, #tpu.memory_space<hbm>> -> memref<10000x128xf32, #tpu.memory_space<hbm>>
      tpu.wait_indirect_dma semaphore(%arg29 : memref<!tpu.dma_semaphore, #tpu.memory_space<semaphore_mem>>) src(%dma_wait3A_468 : memref<10000x128xf32, #tpu.memory_space<hbm>>) dst(%arg18 : memref<40x128xf32, #tpu.memory_space<vmem>>)
      %dma_wait3A_469 = arith.constant 0 : i32
      %dma_wait3A_470 = arith.constant 0 : i32
      %dma_wait3A_471 = tpu.memref_slice %arg4[%dma_wait3A_469, %dma_wait3A_470] : memref<10000x128xf32, #tpu.memory_space<hbm>> -> memref<10000x128xf32, #tpu.memory_space<hbm>>
      tpu.wait_indirect_dma semaphore(%arg29 : memref<!tpu.dma_semaphore, #tpu.memory_space<semaphore_mem>>) src(%dma_wait3A_471 : memref<10000x128xf32, #tpu.memory_space<hbm>>) dst(%arg20 : memref<40x128xf32, #tpu.memory_space<vmem>>)
      %dma_wait3A_472 = arith.constant 0 : i32
      %dma_wait3A_473 = tpu.memref_slice %arg2[%mul3A_465, %dma_wait3A_472] : memref<320000x64xi32, #tpu.memory_space<hbm>> -> memref<40x64xi32, #tpu.memory_space<hbm>>
      %dma_wait3A_474 = arith.constant 0 : i32
      %dma_wait3A_475 = tpu.memref_slice %arg2[%mul3A_465, %dma_wait3A_474] : memref<320000x64xi32, #tpu.memory_space<hbm>> -> memref<40x64xi32, #tpu.memory_space<hbm>>
      tpu.wait_dma2 semaphore(%arg29 : memref<!tpu.dma_semaphore, #tpu.memory_space<semaphore_mem>>) src(%dma_wait3A_475 : memref<40x64xi32, #tpu.memory_space<hbm>>) dst(%arg22 : memref<40x64xi32, #tpu.memory_space<vmem>>)
      %broadcast_in_dim3A_476 = arith.constant -65536 : i32
      %broadcast_in_dim3A_477 = vector.broadcast %broadcast_in_dim3A_476 : i32 to vector<16xi32>
      %scan3A_478 = arith.constant 0 : i32
      %scan3A_479 = arith.constant 0 : i32
      %scan3A_480 = arith.constant 40 : i32
      %scan3A_481 = arith.addi %scan3A_479, %scan3A_480 : i32
      %scan3A_482 = arith.constant 1 : i32
      scf.for %scan3A_594 = %scan3A_479 to %scan3A_481 step %scan3A_482  : i32 {
        %get3A = arith.index_cast %scan3A_594 : i32 to index
        %get3A_595 = arith.constant 0 : index
        %get3A_596 = tpu.vector_load %arg22[%get3A, %get3A_595] {strides = array<i32>} : memref<40x64xi32, #tpu.memory_space<vmem>>, vector<1x16xi32>,
        %get3A_597 = vector.shape_cast %get3A_596 : vector<1x16xi32> to vector<16xi32>
        %shift_left3A = arith.constant 16 : i32
        %shift_left3A_598 = vector.broadcast %shift_left3A : i32 to vector<16xi32>
        %shift_left3A_599 = arith.shli %get3A_597, %shift_left3A_598 : vector<16xi32>
        %bitcast_convert_type3A = tpu.bitcast %shift_left3A_599 : vector<16xi32> -> vector<16xf32>
        %and3A = arith.andi %get3A_597, %broadcast_in_dim3A_477 : vector<16xi32>
        %bitcast_convert_type3A_600 = tpu.bitcast %and3A : vector<16xi32> -> vector<16xf32>
        %get3A_601 = arith.index_cast %scan3A_594 : i32 to index
        %get3A_602 = arith.constant 0 : index
        %get3A_603 = tpu.vector_load %arg18[%get3A_601, %get3A_602] {strides = array<i32>} : memref<40x128xf32, #tpu.memory_space<vmem>>, vector<1x16xf32>,
        %get3A_604 = vector.shape_cast %get3A_603 : vector<1x16xf32> to vector<16xf32>
        %get3A_605 = arith.index_cast %scan3A_594 : i32 to index
        %get3A_606 = arith.constant 0 : index
        %get3A_607 = tpu.vector_load %arg20[%get3A_605, %get3A_606] {strides = array<i32>} : memref<40x128xf32, #tpu.memory_space<vmem>>, vector<1x16xf32>,
        %get3A_608 = vector.shape_cast %get3A_607 : vector<1x16xf32> to vector<16xf32>
        %add3A_609 = arith.addf %get3A_604, %get3A_608 : vector<16xf32>
        %add3A_610 = arith.addf %add3A_609, %bitcast_convert_type3A : vector<16xf32>
        %swap3A = arith.index_cast %scan3A_594 : i32 to index
        %swap3A_611 = arith.constant 0 : index
        %swap3A_612 = tpu.vector_load %arg18[%swap3A, %swap3A_611] {strides = array<i32>} : memref<40x128xf32, #tpu.memory_space<vmem>>, vector<1x16xf32>,
        %swap3A_613 = vector.shape_cast %swap3A_612 : vector<1x16xf32> to vector<16xf32>
        %swap3A_614 = vector.shape_cast %add3A_610 : vector<16xf32> to vector<1x16xf32>
        tpu.vector_store %arg18[%swap3A, %swap3A_611], %swap3A_614 {strides = array<i32>} : memref<40x128xf32, #tpu.memory_space<vmem>>, vector<1x16xf32>,
        %get3A_615 = arith.index_cast %scan3A_594 : i32 to index
        %get3A_616 = arith.constant 16 : index
        %get3A_617 = tpu.vector_load %arg18[%get3A_615, %get3A_616] {strides = array<i32>} : memref<40x128xf32, #tpu.memory_space<vmem>>, vector<1x16xf32>,
        %get3A_618 = vector.shape_cast %get3A_617 : vector<1x16xf32> to vector<16xf32>
        %get3A_619 = arith.index_cast %scan3A_594 : i32 to index
        %get3A_620 = arith.constant 16 : index
        %get3A_621 = tpu.vector_load %arg20[%get3A_619, %get3A_620] {strides = array<i32>} : memref<40x128xf32, #tpu.memory_space<vmem>>, vector<1x16xf32>,
        %get3A_622 = vector.shape_cast %get3A_621 : vector<1x16xf32> to vector<16xf32>
        %add3A_623 = arith.addf %get3A_618, %get3A_622 : vector<16xf32>
        %add3A_624 = arith.addf %add3A_623, %bitcast_convert_type3A_600 : vector<16xf32>
        %swap3A_625 = arith.index_cast %scan3A_594 : i32 to index
        %swap3A_626 = arith.constant 16 : index
        %swap3A_627 = tpu.vector_load %arg18[%swap3A_625, %swap3A_626] {strides = array<i32>} : memref<40x128xf32, #tpu.memory_space<vmem>>, vector<1x16xf32>,
        %swap3A_628 = vector.shape_cast %swap3A_627 : vector<1x16xf32> to vector<16xf32>
        %swap3A_629 = vector.shape_cast %add3A_624 : vector<16xf32> to vector<1x16xf32>
        tpu.vector_store %arg18[%swap3A_625, %swap3A_626], %swap3A_629 {strides = array<i32>} : memref<40x128xf32, #tpu.memory_space<vmem>>, vector<1x16xf32>,
        %get3A_630 = arith.index_cast %scan3A_594 : i32 to index
        %get3A_631 = arith.constant 16 : index
        %get3A_632 = tpu.vector_load %arg22[%get3A_630, %get3A_631] {strides = array<i32>} : memref<40x64xi32, #tpu.memory_space<vmem>>, vector<1x16xi32>,
        %get3A_633 = vector.shape_cast %get3A_632 : vector<1x16xi32> to vector<16xi32>
        %shift_left3A_634 = arith.constant 16 : i32
        %shift_left3A_635 = vector.broadcast %shift_left3A_634 : i32 to vector<16xi32>
        %shift_left3A_636 = arith.shli %get3A_633, %shift_left3A_635 : vector<16xi32>
        %bitcast_convert_type3A_637 = tpu.bitcast %shift_left3A_636 : vector<16xi32> -> vector<16xf32>
        %and3A_638 = arith.andi %get3A_633, %broadcast_in_dim3A_477 : vector<16xi32>
        %bitcast_convert_type3A_639 = tpu.bitcast %and3A_638 : vector<16xi32> -> vector<16xf32>
        %get3A_640 = arith.index_cast %scan3A_594 : i32 to index
        %get3A_641 = arith.constant 32 : index
        %get3A_642 = tpu.vector_load %arg18[%get3A_640, %get3A_641] {strides = array<i32>} : memref<40x128xf32, #tpu.memory_space<vmem>>, vector<1x16xf32>,
        %get3A_643 = vector.shape_cast %get3A_642 : vector<1x16xf32> to vector<16xf32>
        %get3A_644 = arith.index_cast %scan3A_594 : i32 to index
        %get3A_645 = arith.constant 32 : index
        %get3A_646 = tpu.vector_load %arg20[%get3A_644, %get3A_645] {strides = array<i32>} : memref<40x128xf32, #tpu.memory_space<vmem>>, vector<1x16xf32>,
        %get3A_647 = vector.shape_cast %get3A_646 : vector<1x16xf32> to vector<16xf32>
        %add3A_648 = arith.addf %get3A_643, %get3A_647 : vector<16xf32>
        %add3A_649 = arith.addf %add3A_648, %bitcast_convert_type3A_637 : vector<16xf32>
        %swap3A_650 = arith.index_cast %scan3A_594 : i32 to index
        %swap3A_651 = arith.constant 32 : index
        %swap3A_652 = tpu.vector_load %arg18[%swap3A_650, %swap3A_651] {strides = array<i32>} : memref<40x128xf32, #tpu.memory_space<vmem>>, vector<1x16xf32>,
        %swap3A_653 = vector.shape_cast %swap3A_652 : vector<1x16xf32> to vector<16xf32>
        %swap3A_654 = vector.shape_cast %add3A_649 : vector<16xf32> to vector<1x16xf32>
        tpu.vector_store %arg18[%swap3A_650, %swap3A_651], %swap3A_654 {strides = array<i32>} : memref<40x128xf32, #tpu.memory_space<vmem>>, vector<1x16xf32>,
        %get3A_655 = arith.index_cast %scan3A_594 : i32 to index
        %get3A_656 = arith.constant 48 : index
        %get3A_657 = tpu.vector_load %arg18[%get3A_655, %get3A_656] {strides = array<i32>} : memref<40x128xf32, #tpu.memory_space<vmem>>, vector<1x16xf32>,
        %get3A_658 = vector.shape_cast %get3A_657 : vector<1x16xf32> to vector<16xf32>
        %get3A_659 = arith.index_cast %scan3A_594 : i32 to index
        %get3A_660 = arith.constant 48 : index
        %get3A_661 = tpu.vector_load %arg20[%get3A_659, %get3A_660] {strides = array<i32>} : memref<40x128xf32, #tpu.memory_space<vmem>>, vector<1x16xf32>,
        %get3A_662 = vector.shape_cast %get3A_661 : vector<1x16xf32> to vector<16xf32>
        %add3A_663 = arith.addf %get3A_658, %get3A_662 : vector<16xf32>
        %add3A_664 = arith.addf %add3A_663, %bitcast_convert_type3A_639 : vector<16xf32>
        %swap3A_665 = arith.index_cast %scan3A_594 : i32 to index
        %swap3A_666 = arith.constant 48 : index
        %swap3A_667 = tpu.vector_load %arg18[%swap3A_665, %swap3A_666] {strides = array<i32>} : memref<40x128xf32, #tpu.memory_space<vmem>>, vector<1x16xf32>,
        %swap3A_668 = vector.shape_cast %swap3A_667 : vector<1x16xf32> to vector<16xf32>
        %swap3A_669 = vector.shape_cast %add3A_664 : vector<16xf32> to vector<1x16xf32>
        tpu.vector_store %arg18[%swap3A_665, %swap3A_666], %swap3A_669 {strides = array<i32>} : memref<40x128xf32, #tpu.memory_space<vmem>>, vector<1x16xf32>,
        %get3A_670 = arith.index_cast %scan3A_594 : i32 to index
        %get3A_671 = arith.constant 32 : index
        %get3A_672 = tpu.vector_load %arg22[%get3A_670, %get3A_671] {strides = array<i32>} : memref<40x64xi32, #tpu.memory_space<vmem>>, vector<1x16xi32>,
        %get3A_673 = vector.shape_cast %get3A_672 : vector<1x16xi32> to vector<16xi32>
        %shift_left3A_674 = arith.constant 16 : i32
        %shift_left3A_675 = vector.broadcast %shift_left3A_674 : i32 to vector<16xi32>
        %shift_left3A_676 = arith.shli %get3A_673, %shift_left3A_675 : vector<16xi32>
        %bitcast_convert_type3A_677 = tpu.bitcast %shift_left3A_676 : vector<16xi32> -> vector<16xf32>
        %and3A_678 = arith.andi %get3A_673, %broadcast_in_dim3A_477 : vector<16xi32>
        %bitcast_convert_type3A_679 = tpu.bitcast %and3A_678 : vector<16xi32> -> vector<16xf32>
        %get3A_680 = arith.index_cast %scan3A_594 : i32 to index
        %get3A_681 = arith.constant 64 : index
        %get3A_682 = tpu.vector_load %arg18[%get3A_680, %get3A_681] {strides = array<i32>} : memref<40x128xf32, #tpu.memory_space<vmem>>, vector<1x16xf32>,
        %get3A_683 = vector.shape_cast %get3A_682 : vector<1x16xf32> to vector<16xf32>
        %get3A_684 = arith.index_cast %scan3A_594 : i32 to index
        %get3A_685 = arith.constant 64 : index
        %get3A_686 = tpu.vector_load %arg20[%get3A_684, %get3A_685] {strides = array<i32>} : memref<40x128xf32, #tpu.memory_space<vmem>>, vector<1x16xf32>,
        %get3A_687 = vector.shape_cast %get3A_686 : vector<1x16xf32> to vector<16xf32>
        %add3A_688 = arith.addf %get3A_683, %get3A_687 : vector<16xf32>
        %add3A_689 = arith.addf %add3A_688, %bitcast_convert_type3A_677 : vector<16xf32>
        %swap3A_690 = arith.index_cast %scan3A_594 : i32 to index
        %swap3A_691 = arith.constant 64 : index
        %swap3A_692 = tpu.vector_load %arg18[%swap3A_690, %swap3A_691] {strides = array<i32>} : memref<40x128xf32, #tpu.memory_space<vmem>>, vector<1x16xf32>,
        %swap3A_693 = vector.shape_cast %swap3A_692 : vector<1x16xf32> to vector<16xf32>
        %swap3A_694 = vector.shape_cast %add3A_689 : vector<16xf32> to vector<1x16xf32>
        tpu.vector_store %arg18[%swap3A_690, %swap3A_691], %swap3A_694 {strides = array<i32>} : memref<40x128xf32, #tpu.memory_space<vmem>>, vector<1x16xf32>,
        %get3A_695 = arith.index_cast %scan3A_594 : i32 to index
        %get3A_696 = arith.constant 80 : index
        %get3A_697 = tpu.vector_load %arg18[%get3A_695, %get3A_696] {strides = array<i32>} : memref<40x128xf32, #tpu.memory_space<vmem>>, vector<1x16xf32>,
        %get3A_698 = vector.shape_cast %get3A_697 : vector<1x16xf32> to vector<16xf32>
        %get3A_699 = arith.index_cast %scan3A_594 : i32 to index
        %get3A_700 = arith.constant 80 : index
        %get3A_701 = tpu.vector_load %arg20[%get3A_699, %get3A_700] {strides = array<i32>} : memref<40x128xf32, #tpu.memory_space<vmem>>, vector<1x16xf32>,
        %get3A_702 = vector.shape_cast %get3A_701 : vector<1x16xf32> to vector<16xf32>
        %add3A_703 = arith.addf %get3A_698, %get3A_702 : vector<16xf32>
        %add3A_704 = arith.addf %add3A_703, %bitcast_convert_type3A_679 : vector<16xf32>
        %swap3A_705 = arith.index_cast %scan3A_594 : i32 to index
        %swap3A_706 = arith.constant 80 : index
        %swap3A_707 = tpu.vector_load %arg18[%swap3A_705, %swap3A_706] {strides = array<i32>} : memref<40x128xf32, #tpu.memory_space<vmem>>, vector<1x16xf32>,
        %swap3A_708 = vector.shape_cast %swap3A_707 : vector<1x16xf32> to vector<16xf32>
        %swap3A_709 = vector.shape_cast %add3A_704 : vector<16xf32> to vector<1x16xf32>
        tpu.vector_store %arg18[%swap3A_705, %swap3A_706], %swap3A_709 {strides = array<i32>} : memref<40x128xf32, #tpu.memory_space<vmem>>, vector<1x16xf32>,
        %get3A_710 = arith.index_cast %scan3A_594 : i32 to index
        %get3A_711 = arith.constant 48 : index
        %get3A_712 = tpu.vector_load %arg22[%get3A_710, %get3A_711] {strides = array<i32>} : memref<40x64xi32, #tpu.memory_space<vmem>>, vector<1x16xi32>,
        %get3A_713 = vector.shape_cast %get3A_712 : vector<1x16xi32> to vector<16xi32>
        %shift_left3A_714 = arith.constant 16 : i32
        %shift_left3A_715 = vector.broadcast %shift_left3A_714 : i32 to vector<16xi32>
        %shift_left3A_716 = arith.shli %get3A_713, %shift_left3A_715 : vector<16xi32>
        %bitcast_convert_type3A_717 = tpu.bitcast %shift_left3A_716 : vector<16xi32> -> vector<16xf32>
        %and3A_718 = arith.andi %get3A_713, %broadcast_in_dim3A_477 : vector<16xi32>
        %bitcast_convert_type3A_719 = tpu.bitcast %and3A_718 : vector<16xi32> -> vector<16xf32>
        %get3A_720 = arith.index_cast %scan3A_594 : i32 to index
        %get3A_721 = arith.constant 96 : index
        %get3A_722 = tpu.vector_load %arg18[%get3A_720, %get3A_721] {strides = array<i32>} : memref<40x128xf32, #tpu.memory_space<vmem>>, vector<1x16xf32>,
        %get3A_723 = vector.shape_cast %get3A_722 : vector<1x16xf32> to vector<16xf32>
        %get3A_724 = arith.index_cast %scan3A_594 : i32 to index
        %get3A_725 = arith.constant 96 : index
        %get3A_726 = tpu.vector_load %arg20[%get3A_724, %get3A_725] {strides = array<i32>} : memref<40x128xf32, #tpu.memory_space<vmem>>, vector<1x16xf32>,
        %get3A_727 = vector.shape_cast %get3A_726 : vector<1x16xf32> to vector<16xf32>
        %add3A_728 = arith.addf %get3A_723, %get3A_727 : vector<16xf32>
        %add3A_729 = arith.addf %add3A_728, %bitcast_convert_type3A_717 : vector<16xf32>
        %swap3A_730 = arith.index_cast %scan3A_594 : i32 to index
        %swap3A_731 = arith.constant 96 : index
        %swap3A_732 = tpu.vector_load %arg18[%swap3A_730, %swap3A_731] {strides = array<i32>} : memref<40x128xf32, #tpu.memory_space<vmem>>, vector<1x16xf32>,
        %swap3A_733 = vector.shape_cast %swap3A_732 : vector<1x16xf32> to vector<16xf32>
        %swap3A_734 = vector.shape_cast %add3A_729 : vector<16xf32> to vector<1x16xf32>
        tpu.vector_store %arg18[%swap3A_730, %swap3A_731], %swap3A_734 {strides = array<i32>} : memref<40x128xf32, #tpu.memory_space<vmem>>, vector<1x16xf32>,
        %get3A_735 = arith.index_cast %scan3A_594 : i32 to index
        %get3A_736 = arith.constant 112 : index
        %get3A_737 = tpu.vector_load %arg18[%get3A_735, %get3A_736] {strides = array<i32>} : memref<40x128xf32, #tpu.memory_space<vmem>>, vector<1x16xf32>,
        %get3A_738 = vector.shape_cast %get3A_737 : vector<1x16xf32> to vector<16xf32>
        %get3A_739 = arith.index_cast %scan3A_594 : i32 to index
        %get3A_740 = arith.constant 112 : index
        %get3A_741 = tpu.vector_load %arg20[%get3A_739, %get3A_740] {strides = array<i32>} : memref<40x128xf32, #tpu.memory_space<vmem>>, vector<1x16xf32>,
        %get3A_742 = vector.shape_cast %get3A_741 : vector<1x16xf32> to vector<16xf32>
        %add3A_743 = arith.addf %get3A_738, %get3A_742 : vector<16xf32>
        %add3A_744 = arith.addf %add3A_743, %bitcast_convert_type3A_719 : vector<16xf32>
        %swap3A_745 = arith.index_cast %scan3A_594 : i32 to index
        %swap3A_746 = arith.constant 112 : index
        %swap3A_747 = tpu.vector_load %arg18[%swap3A_745, %swap3A_746] {strides = array<i32>} : memref<40x128xf32, #tpu.memory_space<vmem>>, vector<1x16xf32>,
        %swap3A_748 = vector.shape_cast %swap3A_747 : vector<1x16xf32> to vector<16xf32>
        %swap3A_749 = vector.shape_cast %add3A_744 : vector<16xf32> to vector<1x16xf32>
        tpu.vector_store %arg18[%swap3A_745, %swap3A_746], %swap3A_749 {strides = array<i32>} : memref<40x128xf32, #tpu.memory_space<vmem>>, vector<1x16xf32>,
      }
      %scan3A_483 = arith.constant 40 : i32
      %mul3A_484 = arith.constant 250 : i32
      %mul3A_485 = arith.muli %add3A, %mul3A_484 : i32
      %add3A_486 = arith.addi %mul3A_485, %add3A_401 : i32
      %mul3A_487 = arith.constant 40 : i32
      %mul3A_488 = arith.muli %add3A_486, %mul3A_487 : i32
      %dma_start3A_489 = arith.constant 0 : i32
      %dma_start3A_490 = tpu.memref_slice %arg8[%mul3A_488, %dma_start3A_489] : memref<320000x128xf32, #tpu.memory_space<hbm>> -> memref<40x128xf32, #tpu.memory_space<hbm>>
      %dma_start3A_491 = arith.constant 0 : i32
      %dma_start3A_492 = tpu.memref_slice %arg8[%mul3A_488, %dma_start3A_491] : memref<320000x128xf32, #tpu.memory_space<hbm>> -> memref<40x128xf32, #tpu.memory_space<hbm>>
      tpu.enqueue_dma source(%arg18 : memref<40x128xf32, #tpu.memory_space<vmem>>) target(%dma_start3A_492 : memref<40x128xf32, #tpu.memory_space<hbm>>) target_semaphore(%arg31 : memref<!tpu.dma_semaphore, #tpu.memory_space<semaphore_mem>>)
      %dma_start3A_493 = arith.constant 0 : i32
      %dma_start3A_494 = arith.constant 0 : i32
      %dma_start3A_495 = tpu.memref_slice %arg24[%dma_start3A_493, %dma_start3A_494] : memref<10000x128xf32, #tpu.memory_space<vmem_shared>> -> memref<10000x128xf32, #tpu.memory_space<vmem_shared>>
      tpu.enqueue_indirect_dma source(%arg18 : memref<40x128xf32, #tpu.memory_space<vmem>>) target(%dma_start3A_495 : memref<10000x128xf32, #tpu.memory_space<vmem_shared>>) offsets(%arg16 : memref<40xi32, #tpu.memory_space<vmem>>) semaphore(%arg33 : memref<!tpu.dma_semaphore, #tpu.memory_space<semaphore_mem>>) {add = true}
      %mul3A_496 = arith.constant 4 : i32
      %mul3A_497 = arith.muli %mul3A_496, %scan3A_212 : i32
      %add3A_498 = arith.constant 3 : i32
      %add3A_499 = arith.addi %mul3A_497, %add3A_498 : i32
      %sub3A_500 = arith.constant 1 : i32
      %sub3A_501 = arith.subi %add3A_499, %sub3A_500 : i32
      %mul3A_502 = arith.constant 250 : i32
      %mul3A_503 = arith.muli %add3A, %mul3A_502 : i32
      %add3A_504 = arith.addi %mul3A_503, %sub3A_501 : i32
      %mul3A_505 = arith.constant 40 : i32
      %mul3A_506 = arith.muli %add3A_504, %mul3A_505 : i32
      %dma_wait3A_507 = arith.constant 0 : i32
      %dma_wait3A_508 = tpu.memref_slice %arg8[%mul3A_506, %dma_wait3A_507] : memref<320000x128xf32, #tpu.memory_space<hbm>> -> memref<40x128xf32, #tpu.memory_space<hbm>>
      %dma_wait3A_509 = arith.constant 0 : i32
      %dma_wait3A_510 = tpu.memref_slice %arg8[%mul3A_506, %dma_wait3A_509] : memref<320000x128xf32, #tpu.memory_space<hbm>> -> memref<40x128xf32, #tpu.memory_space<hbm>>
      tpu.wait_dma2 semaphore(%arg31 : memref<!tpu.dma_semaphore, #tpu.memory_space<semaphore_mem>>) src(%arg18 : memref<40x128xf32, #tpu.memory_space<vmem>>) dst(%dma_wait3A_510 : memref<40x128xf32, #tpu.memory_space<hbm>>)
      %dma_wait3A_511 = arith.constant 0 : i32
      %dma_wait3A_512 = arith.constant 0 : i32
      %dma_wait3A_513 = tpu.memref_slice %arg24[%dma_wait3A_511, %dma_wait3A_512] : memref<10000x128xf32, #tpu.memory_space<vmem_shared>> -> memref<10000x128xf32, #tpu.memory_space<vmem_shared>>
      tpu.wait_indirect_dma semaphore(%arg33 : memref<!tpu.dma_semaphore, #tpu.memory_space<semaphore_mem>>) src(%arg18 : memref<40x128xf32, #tpu.memory_space<vmem>>) dst(%dma_wait3A_513 : memref<10000x128xf32, #tpu.memory_space<vmem_shared>>)
      %add3A_514 = arith.constant 2 : i32
      %add3A_515 = arith.addi %add3A_499, %add3A_514 : i32
      %dma_start3A_516 = arith.constant 0 : i32
      %dma_start3A_517 = tpu.memref_slice %arg5[%add3A, %add3A_515, %dma_start3A_516] : memref<32x250x40xi32, #tpu.memory_space<hbm>> -> memref<1x1x40xi32, #tpu.memory_space<hbm>>
      %dma_start3A_518 = tpu.memref_squeeze %dma_start3A_517 : memref<1x1x40xi32, #tpu.memory_space<hbm>> -> memref<40xi32, #tpu.memory_space<hbm>>
      %dma_start3A_519 = arith.constant 0 : i32
      %dma_start3A_520 = tpu.memref_slice %arg5[%add3A, %add3A_515, %dma_start3A_519] : memref<32x250x40xi32, #tpu.memory_space<hbm>> -> memref<1x1x40xi32, #tpu.memory_space<hbm>>
      %dma_start3A_521 = tpu.memref_squeeze %dma_start3A_520 : memref<1x1x40xi32, #tpu.memory_space<hbm>> -> memref<40xi32, #tpu.memory_space<hbm>>
      tpu.enqueue_dma source(%dma_start3A_521 : memref<40xi32, #tpu.memory_space<hbm>>) target(%arg11 : memref<40xi32, #tpu.memory_space<vmem>>) target_semaphore(%arg26 : memref<!tpu.dma_semaphore, #tpu.memory_space<semaphore_mem>>)
      %dma_start3A_522 = arith.constant 0 : i32
      %dma_start3A_523 = tpu.memref_slice %arg6[%add3A, %add3A_515, %dma_start3A_522] : memref<32x250x40xi32, #tpu.memory_space<hbm>> -> memref<1x1x40xi32, #tpu.memory_space<hbm>>
      %dma_start3A_524 = tpu.memref_squeeze %dma_start3A_523 : memref<1x1x40xi32, #tpu.memory_space<hbm>> -> memref<40xi32, #tpu.memory_space<hbm>>
      %dma_start3A_525 = arith.constant 0 : i32
      %dma_start3A_526 = tpu.memref_slice %arg6[%add3A, %add3A_515, %dma_start3A_525] : memref<32x250x40xi32, #tpu.memory_space<hbm>> -> memref<1x1x40xi32, #tpu.memory_space<hbm>>
      %dma_start3A_527 = tpu.memref_squeeze %dma_start3A_526 : memref<1x1x40xi32, #tpu.memory_space<hbm>> -> memref<40xi32, #tpu.memory_space<hbm>>
      tpu.enqueue_dma source(%dma_start3A_527 : memref<40xi32, #tpu.memory_space<hbm>>) target(%arg15 : memref<40xi32, #tpu.memory_space<vmem>>) target_semaphore(%arg26 : memref<!tpu.dma_semaphore, #tpu.memory_space<semaphore_mem>>)
      %add3A_528 = arith.constant 1 : i32
      %add3A_529 = arith.addi %add3A_499, %add3A_528 : i32
      %dma_wait3A_530 = arith.constant 0 : i32
      %dma_wait3A_531 = tpu.memref_slice %arg5[%add3A, %add3A_529, %dma_wait3A_530] : memref<32x250x40xi32, #tpu.memory_space<hbm>> -> memref<1x1x40xi32, #tpu.memory_space<hbm>>
      %dma_wait3A_532 = tpu.memref_squeeze %dma_wait3A_531 : memref<1x1x40xi32, #tpu.memory_space<hbm>> -> memref<40xi32, #tpu.memory_space<hbm>>
      %dma_wait3A_533 = arith.constant 0 : i32
      %dma_wait3A_534 = tpu.memref_slice %arg5[%add3A, %add3A_529, %dma_wait3A_533] : memref<32x250x40xi32, #tpu.memory_space<hbm>> -> memref<1x1x40xi32, #tpu.memory_space<hbm>>
      %dma_wait3A_535 = tpu.memref_squeeze %dma_wait3A_534 : memref<1x1x40xi32, #tpu.memory_space<hbm>> -> memref<40xi32, #tpu.memory_space<hbm>>
      tpu.wait_dma2 semaphore(%arg25 : memref<!tpu.dma_semaphore, #tpu.memory_space<semaphore_mem>>) src(%dma_wait3A_535 : memref<40xi32, #tpu.memory_space<hbm>>) dst(%arg10 : memref<40xi32, #tpu.memory_space<vmem>>)
      %dma_wait3A_536 = arith.constant 0 : i32
      %dma_wait3A_537 = tpu.memref_slice %arg6[%add3A, %add3A_529, %dma_wait3A_536] : memref<32x250x40xi32, #tpu.memory_space<hbm>> -> memref<1x1x40xi32, #tpu.memory_space<hbm>>
      %dma_wait3A_538 = tpu.memref_squeeze %dma_wait3A_537 : memref<1x1x40xi32, #tpu.memory_space<hbm>> -> memref<40xi32, #tpu.memory_space<hbm>>
      %dma_wait3A_539 = arith.constant 0 : i32
      %dma_wait3A_540 = tpu.memref_slice %arg6[%add3A, %add3A_529, %dma_wait3A_539] : memref<32x250x40xi32, #tpu.memory_space<hbm>> -> memref<1x1x40xi32, #tpu.memory_space<hbm>>
      %dma_wait3A_541 = tpu.memref_squeeze %dma_wait3A_540 : memref<1x1x40xi32, #tpu.memory_space<hbm>> -> memref<40xi32, #tpu.memory_space<hbm>>
      tpu.wait_dma2 semaphore(%arg25 : memref<!tpu.dma_semaphore, #tpu.memory_space<semaphore_mem>>) src(%dma_wait3A_541 : memref<40xi32, #tpu.memory_space<hbm>>) dst(%arg14 : memref<40xi32, #tpu.memory_space<vmem>>)
      %add3A_542 = arith.constant 1 : i32
      %add3A_543 = arith.addi %add3A_499, %add3A_542 : i32
      %mul3A_544 = arith.constant 250 : i32
      %mul3A_545 = arith.muli %add3A, %mul3A_544 : i32
      %add3A_546 = arith.addi %mul3A_545, %add3A_543 : i32
      %mul3A_547 = arith.constant 40 : i32
      %mul3A_548 = arith.muli %add3A_546, %mul3A_547 : i32
      %dma_start3A_549 = arith.constant 0 : i32
      %dma_start3A_550 = arith.constant 0 : i32
      %dma_start3A_551 = tpu.memref_slice %arg3[%dma_start3A_549, %dma_start3A_550] : memref<10000x128xf32, #tpu.memory_space<hbm>> -> memref<10000x128xf32, #tpu.memory_space<hbm>>
      tpu.enqueue_indirect_dma source(%dma_start3A_551 : memref<10000x128xf32, #tpu.memory_space<hbm>>) target(%arg18 : memref<40x128xf32, #tpu.memory_space<vmem>>) offsets(%arg10 : memref<40xi32, #tpu.memory_space<vmem>>) semaphore(%arg29 : memref<!tpu.dma_semaphore, #tpu.memory_space<semaphore_mem>>)
      %dma_start3A_552 = arith.constant 0 : i32
      %dma_start3A_553 = arith.constant 0 : i32
      %dma_start3A_554 = tpu.memref_slice %arg4[%dma_start3A_552, %dma_start3A_553] : memref<10000x128xf32, #tpu.memory_space<hbm>> -> memref<10000x128xf32, #tpu.memory_space<hbm>>
      tpu.enqueue_indirect_dma source(%dma_start3A_554 : memref<10000x128xf32, #tpu.memory_space<hbm>>) target(%arg20 : memref<40x128xf32, #tpu.memory_space<vmem>>) offsets(%arg14 : memref<40xi32, #tpu.memory_space<vmem>>) semaphore(%arg29 : memref<!tpu.dma_semaphore, #tpu.memory_space<semaphore_mem>>)
      %dma_start3A_555 = arith.constant 0 : i32
      %dma_start3A_556 = tpu.memref_slice %arg2[%mul3A_548, %dma_start3A_555] : memref<320000x64xi32, #tpu.memory_space<hbm>> -> memref<40x64xi32, #tpu.memory_space<hbm>>
      %dma_start3A_557 = arith.constant 0 : i32
      %dma_start3A_558 = tpu.memref_slice %arg2[%mul3A_548, %dma_start3A_557] : memref<320000x64xi32, #tpu.memory_space<hbm>> -> memref<40x64xi32, #tpu.memory_space<hbm>>
      tpu.enqueue_dma source(%dma_start3A_558 : memref<40x64xi32, #tpu.memory_space<hbm>>) target(%arg22 : memref<40x64xi32, #tpu.memory_space<vmem>>) target_semaphore(%arg29 : memref<!tpu.dma_semaphore, #tpu.memory_space<semaphore_mem>>)
      %mul3A_559 = arith.constant 250 : i32
      %mul3A_560 = arith.muli %add3A, %mul3A_559 : i32
      %add3A_561 = arith.addi %mul3A_560, %add3A_499 : i32
      %mul3A_562 = arith.constant 40 : i32
      %mul3A_563 = arith.muli %add3A_561, %mul3A_562 : i32
      %dma_wait3A_564 = arith.constant 0 : i32
      %dma_wait3A_565 = arith.constant 0 : i32
      %dma_wait3A_566 = tpu.memref_slice %arg3[%dma_wait3A_564, %dma_wait3A_565] : memref<10000x128xf32, #tpu.memory_space<hbm>> -> memref<10000x128xf32, #tpu.memory_space<hbm>>
      tpu.wait_indirect_dma semaphore(%arg30 : memref<!tpu.dma_semaphore, #tpu.memory_space<semaphore_mem>>) src(%dma_wait3A_566 : memref<10000x128xf32, #tpu.memory_space<hbm>>) dst(%arg19 : memref<40x128xf32, #tpu.memory_space<vmem>>)
      %dma_wait3A_567 = arith.constant 0 : i32
      %dma_wait3A_568 = arith.constant 0 : i32
      %dma_wait3A_569 = tpu.memref_slice %arg4[%dma_wait3A_567, %dma_wait3A_568] : memref<10000x128xf32, #tpu.memory_space<hbm>> -> memref<10000x128xf32, #tpu.memory_space<hbm>>
      tpu.wait_indirect_dma semaphore(%arg30 : memref<!tpu.dma_semaphore, #tpu.memory_space<semaphore_mem>>) src(%dma_wait3A_569 : memref<10000x128xf32, #tpu.memory_space<hbm>>) dst(%arg21 : memref<40x128xf32, #tpu.memory_space<vmem>>)
      %dma_wait3A_570 = arith.constant 0 : i32
      %dma_wait3A_571 = tpu.memref_slice %arg2[%mul3A_563, %dma_wait3A_570] : memref<320000x64xi32, #tpu.memory_space<hbm>> -> memref<40x64xi32, #tpu.memory_space<hbm>>
      %dma_wait3A_572 = arith.constant 0 : i32
      %dma_wait3A_573 = tpu.memref_slice %arg2[%mul3A_563, %dma_wait3A_572] : memref<320000x64xi32, #tpu.memory_space<hbm>> -> memref<40x64xi32, #tpu.memory_space<hbm>>
      tpu.wait_dma2 semaphore(%arg30 : memref<!tpu.dma_semaphore, #tpu.memory_space<semaphore_mem>>) src(%dma_wait3A_573 : memref<40x64xi32, #tpu.memory_space<hbm>>) dst(%arg23 : memref<40x64xi32, #tpu.memory_space<vmem>>)
      %broadcast_in_dim3A_574 = arith.constant -65536 : i32
      %broadcast_in_dim3A_575 = vector.broadcast %broadcast_in_dim3A_574 : i32 to vector<16xi32>
      %scan3A_576 = arith.constant 0 : i32
      %scan3A_577 = arith.constant 0 : i32
      %scan3A_578 = arith.constant 40 : i32
      %scan3A_579 = arith.addi %scan3A_577, %scan3A_578 : i32
      %scan3A_580 = arith.constant 1 : i32
      scf.for %scan3A_594 = %scan3A_577 to %scan3A_579 step %scan3A_580  : i32 {
        %get3A = arith.index_cast %scan3A_594 : i32 to index
        %get3A_595 = arith.constant 0 : index
        %get3A_596 = tpu.vector_load %arg23[%get3A, %get3A_595] {strides = array<i32>} : memref<40x64xi32, #tpu.memory_space<vmem>>, vector<1x16xi32>,
        %get3A_597 = vector.shape_cast %get3A_596 : vector<1x16xi32> to vector<16xi32>
        %shift_left3A = arith.constant 16 : i32
        %shift_left3A_598 = vector.broadcast %shift_left3A : i32 to vector<16xi32>
        %shift_left3A_599 = arith.shli %get3A_597, %shift_left3A_598 : vector<16xi32>
        %bitcast_convert_type3A = tpu.bitcast %shift_left3A_599 : vector<16xi32> -> vector<16xf32>
        %and3A = arith.andi %get3A_597, %broadcast_in_dim3A_575 : vector<16xi32>
        %bitcast_convert_type3A_600 = tpu.bitcast %and3A : vector<16xi32> -> vector<16xf32>
        %get3A_601 = arith.index_cast %scan3A_594 : i32 to index
        %get3A_602 = arith.constant 0 : index
        %get3A_603 = tpu.vector_load %arg19[%get3A_601, %get3A_602] {strides = array<i32>} : memref<40x128xf32, #tpu.memory_space<vmem>>, vector<1x16xf32>,
        %get3A_604 = vector.shape_cast %get3A_603 : vector<1x16xf32> to vector<16xf32>
        %get3A_605 = arith.index_cast %scan3A_594 : i32 to index
        %get3A_606 = arith.constant 0 : index
        %get3A_607 = tpu.vector_load %arg21[%get3A_605, %get3A_606] {strides = array<i32>} : memref<40x128xf32, #tpu.memory_space<vmem>>, vector<1x16xf32>,
        %get3A_608 = vector.shape_cast %get3A_607 : vector<1x16xf32> to vector<16xf32>
        %add3A_609 = arith.addf %get3A_604, %get3A_608 : vector<16xf32>
        %add3A_610 = arith.addf %add3A_609, %bitcast_convert_type3A : vector<16xf32>
        %swap3A = arith.index_cast %scan3A_594 : i32 to index
        %swap3A_611 = arith.constant 0 : index
        %swap3A_612 = tpu.vector_load %arg19[%swap3A, %swap3A_611] {strides = array<i32>} : memref<40x128xf32, #tpu.memory_space<vmem>>, vector<1x16xf32>,
        %swap3A_613 = vector.shape_cast %swap3A_612 : vector<1x16xf32> to vector<16xf32>
        %swap3A_614 = vector.shape_cast %add3A_610 : vector<16xf32> to vector<1x16xf32>
        tpu.vector_store %arg19[%swap3A, %swap3A_611], %swap3A_614 {strides = array<i32>} : memref<40x128xf32, #tpu.memory_space<vmem>>, vector<1x16xf32>,
        %get3A_615 = arith.index_cast %scan3A_594 : i32 to index
        %get3A_616 = arith.constant 16 : index
        %get3A_617 = tpu.vector_load %arg19[%get3A_615, %get3A_616] {strides = array<i32>} : memref<40x128xf32, #tpu.memory_space<vmem>>, vector<1x16xf32>,
        %get3A_618 = vector.shape_cast %get3A_617 : vector<1x16xf32> to vector<16xf32>
        %get3A_619 = arith.index_cast %scan3A_594 : i32 to index
        %get3A_620 = arith.constant 16 : index
        %get3A_621 = tpu.vector_load %arg21[%get3A_619, %get3A_620] {strides = array<i32>} : memref<40x128xf32, #tpu.memory_space<vmem>>, vector<1x16xf32>,
        %get3A_622 = vector.shape_cast %get3A_621 : vector<1x16xf32> to vector<16xf32>
        %add3A_623 = arith.addf %get3A_618, %get3A_622 : vector<16xf32>
        %add3A_624 = arith.addf %add3A_623, %bitcast_convert_type3A_600 : vector<16xf32>
        %swap3A_625 = arith.index_cast %scan3A_594 : i32 to index
        %swap3A_626 = arith.constant 16 : index
        %swap3A_627 = tpu.vector_load %arg19[%swap3A_625, %swap3A_626] {strides = array<i32>} : memref<40x128xf32, #tpu.memory_space<vmem>>, vector<1x16xf32>,
        %swap3A_628 = vector.shape_cast %swap3A_627 : vector<1x16xf32> to vector<16xf32>
        %swap3A_629 = vector.shape_cast %add3A_624 : vector<16xf32> to vector<1x16xf32>
        tpu.vector_store %arg19[%swap3A_625, %swap3A_626], %swap3A_629 {strides = array<i32>} : memref<40x128xf32, #tpu.memory_space<vmem>>, vector<1x16xf32>,
        %get3A_630 = arith.index_cast %scan3A_594 : i32 to index
        %get3A_631 = arith.constant 16 : index
        %get3A_632 = tpu.vector_load %arg23[%get3A_630, %get3A_631] {strides = array<i32>} : memref<40x64xi32, #tpu.memory_space<vmem>>, vector<1x16xi32>,
        %get3A_633 = vector.shape_cast %get3A_632 : vector<1x16xi32> to vector<16xi32>
        %shift_left3A_634 = arith.constant 16 : i32
        %shift_left3A_635 = vector.broadcast %shift_left3A_634 : i32 to vector<16xi32>
        %shift_left3A_636 = arith.shli %get3A_633, %shift_left3A_635 : vector<16xi32>
        %bitcast_convert_type3A_637 = tpu.bitcast %shift_left3A_636 : vector<16xi32> -> vector<16xf32>
        %and3A_638 = arith.andi %get3A_633, %broadcast_in_dim3A_575 : vector<16xi32>
        %bitcast_convert_type3A_639 = tpu.bitcast %and3A_638 : vector<16xi32> -> vector<16xf32>
        %get3A_640 = arith.index_cast %scan3A_594 : i32 to index
        %get3A_641 = arith.constant 32 : index
        %get3A_642 = tpu.vector_load %arg19[%get3A_640, %get3A_641] {strides = array<i32>} : memref<40x128xf32, #tpu.memory_space<vmem>>, vector<1x16xf32>,
        %get3A_643 = vector.shape_cast %get3A_642 : vector<1x16xf32> to vector<16xf32>
        %get3A_644 = arith.index_cast %scan3A_594 : i32 to index
        %get3A_645 = arith.constant 32 : index
        %get3A_646 = tpu.vector_load %arg21[%get3A_644, %get3A_645] {strides = array<i32>} : memref<40x128xf32, #tpu.memory_space<vmem>>, vector<1x16xf32>,
        %get3A_647 = vector.shape_cast %get3A_646 : vector<1x16xf32> to vector<16xf32>
        %add3A_648 = arith.addf %get3A_643, %get3A_647 : vector<16xf32>
        %add3A_649 = arith.addf %add3A_648, %bitcast_convert_type3A_637 : vector<16xf32>
        %swap3A_650 = arith.index_cast %scan3A_594 : i32 to index
        %swap3A_651 = arith.constant 32 : index
        %swap3A_652 = tpu.vector_load %arg19[%swap3A_650, %swap3A_651] {strides = array<i32>} : memref<40x128xf32, #tpu.memory_space<vmem>>, vector<1x16xf32>,
        %swap3A_653 = vector.shape_cast %swap3A_652 : vector<1x16xf32> to vector<16xf32>
        %swap3A_654 = vector.shape_cast %add3A_649 : vector<16xf32> to vector<1x16xf32>
        tpu.vector_store %arg19[%swap3A_650, %swap3A_651], %swap3A_654 {strides = array<i32>} : memref<40x128xf32, #tpu.memory_space<vmem>>, vector<1x16xf32>,
        %get3A_655 = arith.index_cast %scan3A_594 : i32 to index
        %get3A_656 = arith.constant 48 : index
        %get3A_657 = tpu.vector_load %arg19[%get3A_655, %get3A_656] {strides = array<i32>} : memref<40x128xf32, #tpu.memory_space<vmem>>, vector<1x16xf32>,
        %get3A_658 = vector.shape_cast %get3A_657 : vector<1x16xf32> to vector<16xf32>
        %get3A_659 = arith.index_cast %scan3A_594 : i32 to index
        %get3A_660 = arith.constant 48 : index
        %get3A_661 = tpu.vector_load %arg21[%get3A_659, %get3A_660] {strides = array<i32>} : memref<40x128xf32, #tpu.memory_space<vmem>>, vector<1x16xf32>,
        %get3A_662 = vector.shape_cast %get3A_661 : vector<1x16xf32> to vector<16xf32>
        %add3A_663 = arith.addf %get3A_658, %get3A_662 : vector<16xf32>
        %add3A_664 = arith.addf %add3A_663, %bitcast_convert_type3A_639 : vector<16xf32>
        %swap3A_665 = arith.index_cast %scan3A_594 : i32 to index
        %swap3A_666 = arith.constant 48 : index
        %swap3A_667 = tpu.vector_load %arg19[%swap3A_665, %swap3A_666] {strides = array<i32>} : memref<40x128xf32, #tpu.memory_space<vmem>>, vector<1x16xf32>,
        %swap3A_668 = vector.shape_cast %swap3A_667 : vector<1x16xf32> to vector<16xf32>
        %swap3A_669 = vector.shape_cast %add3A_664 : vector<16xf32> to vector<1x16xf32>
        tpu.vector_store %arg19[%swap3A_665, %swap3A_666], %swap3A_669 {strides = array<i32>} : memref<40x128xf32, #tpu.memory_space<vmem>>, vector<1x16xf32>,
        %get3A_670 = arith.index_cast %scan3A_594 : i32 to index
        %get3A_671 = arith.constant 32 : index
        %get3A_672 = tpu.vector_load %arg23[%get3A_670, %get3A_671] {strides = array<i32>} : memref<40x64xi32, #tpu.memory_space<vmem>>, vector<1x16xi32>,
        %get3A_673 = vector.shape_cast %get3A_672 : vector<1x16xi32> to vector<16xi32>
        %shift_left3A_674 = arith.constant 16 : i32
        %shift_left3A_675 = vector.broadcast %shift_left3A_674 : i32 to vector<16xi32>
        %shift_left3A_676 = arith.shli %get3A_673, %shift_left3A_675 : vector<16xi32>
        %bitcast_convert_type3A_677 = tpu.bitcast %shift_left3A_676 : vector<16xi32> -> vector<16xf32>
        %and3A_678 = arith.andi %get3A_673, %broadcast_in_dim3A_575 : vector<16xi32>
        %bitcast_convert_type3A_679 = tpu.bitcast %and3A_678 : vector<16xi32> -> vector<16xf32>
        %get3A_680 = arith.index_cast %scan3A_594 : i32 to index
        %get3A_681 = arith.constant 64 : index
        %get3A_682 = tpu.vector_load %arg19[%get3A_680, %get3A_681] {strides = array<i32>} : memref<40x128xf32, #tpu.memory_space<vmem>>, vector<1x16xf32>,
        %get3A_683 = vector.shape_cast %get3A_682 : vector<1x16xf32> to vector<16xf32>
        %get3A_684 = arith.index_cast %scan3A_594 : i32 to index
        %get3A_685 = arith.constant 64 : index
        %get3A_686 = tpu.vector_load %arg21[%get3A_684, %get3A_685] {strides = array<i32>} : memref<40x128xf32, #tpu.memory_space<vmem>>, vector<1x16xf32>,
        %get3A_687 = vector.shape_cast %get3A_686 : vector<1x16xf32> to vector<16xf32>
        %add3A_688 = arith.addf %get3A_683, %get3A_687 : vector<16xf32>
        %add3A_689 = arith.addf %add3A_688, %bitcast_convert_type3A_677 : vector<16xf32>
        %swap3A_690 = arith.index_cast %scan3A_594 : i32 to index
        %swap3A_691 = arith.constant 64 : index
        %swap3A_692 = tpu.vector_load %arg19[%swap3A_690, %swap3A_691] {strides = array<i32>} : memref<40x128xf32, #tpu.memory_space<vmem>>, vector<1x16xf32>,
        %swap3A_693 = vector.shape_cast %swap3A_692 : vector<1x16xf32> to vector<16xf32>
        %swap3A_694 = vector.shape_cast %add3A_689 : vector<16xf32> to vector<1x16xf32>
        tpu.vector_store %arg19[%swap3A_690, %swap3A_691], %swap3A_694 {strides = array<i32>} : memref<40x128xf32, #tpu.memory_space<vmem>>, vector<1x16xf32>,
        %get3A_695 = arith.index_cast %scan3A_594 : i32 to index
        %get3A_696 = arith.constant 80 : index
        %get3A_697 = tpu.vector_load %arg19[%get3A_695, %get3A_696] {strides = array<i32>} : memref<40x128xf32, #tpu.memory_space<vmem>>, vector<1x16xf32>,
        %get3A_698 = vector.shape_cast %get3A_697 : vector<1x16xf32> to vector<16xf32>
        %get3A_699 = arith.index_cast %scan3A_594 : i32 to index
        %get3A_700 = arith.constant 80 : index
        %get3A_701 = tpu.vector_load %arg21[%get3A_699, %get3A_700] {strides = array<i32>} : memref<40x128xf32, #tpu.memory_space<vmem>>, vector<1x16xf32>,
        %get3A_702 = vector.shape_cast %get3A_701 : vector<1x16xf32> to vector<16xf32>
        %add3A_703 = arith.addf %get3A_698, %get3A_702 : vector<16xf32>
        %add3A_704 = arith.addf %add3A_703, %bitcast_convert_type3A_679 : vector<16xf32>
        %swap3A_705 = arith.index_cast %scan3A_594 : i32 to index
        %swap3A_706 = arith.constant 80 : index
        %swap3A_707 = tpu.vector_load %arg19[%swap3A_705, %swap3A_706] {strides = array<i32>} : memref<40x128xf32, #tpu.memory_space<vmem>>, vector<1x16xf32>,
        %swap3A_708 = vector.shape_cast %swap3A_707 : vector<1x16xf32> to vector<16xf32>
        %swap3A_709 = vector.shape_cast %add3A_704 : vector<16xf32> to vector<1x16xf32>
        tpu.vector_store %arg19[%swap3A_705, %swap3A_706], %swap3A_709 {strides = array<i32>} : memref<40x128xf32, #tpu.memory_space<vmem>>, vector<1x16xf32>,
        %get3A_710 = arith.index_cast %scan3A_594 : i32 to index
        %get3A_711 = arith.constant 48 : index
        %get3A_712 = tpu.vector_load %arg23[%get3A_710, %get3A_711] {strides = array<i32>} : memref<40x64xi32, #tpu.memory_space<vmem>>, vector<1x16xi32>,
        %get3A_713 = vector.shape_cast %get3A_712 : vector<1x16xi32> to vector<16xi32>
        %shift_left3A_714 = arith.constant 16 : i32
        %shift_left3A_715 = vector.broadcast %shift_left3A_714 : i32 to vector<16xi32>
        %shift_left3A_716 = arith.shli %get3A_713, %shift_left3A_715 : vector<16xi32>
        %bitcast_convert_type3A_717 = tpu.bitcast %shift_left3A_716 : vector<16xi32> -> vector<16xf32>
        %and3A_718 = arith.andi %get3A_713, %broadcast_in_dim3A_575 : vector<16xi32>
        %bitcast_convert_type3A_719 = tpu.bitcast %and3A_718 : vector<16xi32> -> vector<16xf32>
        %get3A_720 = arith.index_cast %scan3A_594 : i32 to index
        %get3A_721 = arith.constant 96 : index
        %get3A_722 = tpu.vector_load %arg19[%get3A_720, %get3A_721] {strides = array<i32>} : memref<40x128xf32, #tpu.memory_space<vmem>>, vector<1x16xf32>,
        %get3A_723 = vector.shape_cast %get3A_722 : vector<1x16xf32> to vector<16xf32>
        %get3A_724 = arith.index_cast %scan3A_594 : i32 to index
        %get3A_725 = arith.constant 96 : index
        %get3A_726 = tpu.vector_load %arg21[%get3A_724, %get3A_725] {strides = array<i32>} : memref<40x128xf32, #tpu.memory_space<vmem>>, vector<1x16xf32>,
        %get3A_727 = vector.shape_cast %get3A_726 : vector<1x16xf32> to vector<16xf32>
        %add3A_728 = arith.addf %get3A_723, %get3A_727 : vector<16xf32>
        %add3A_729 = arith.addf %add3A_728, %bitcast_convert_type3A_717 : vector<16xf32>
        %swap3A_730 = arith.index_cast %scan3A_594 : i32 to index
        %swap3A_731 = arith.constant 96 : index
        %swap3A_732 = tpu.vector_load %arg19[%swap3A_730, %swap3A_731] {strides = array<i32>} : memref<40x128xf32, #tpu.memory_space<vmem>>, vector<1x16xf32>,
        %swap3A_733 = vector.shape_cast %swap3A_732 : vector<1x16xf32> to vector<16xf32>
        %swap3A_734 = vector.shape_cast %add3A_729 : vector<16xf32> to vector<1x16xf32>
        tpu.vector_store %arg19[%swap3A_730, %swap3A_731], %swap3A_734 {strides = array<i32>} : memref<40x128xf32, #tpu.memory_space<vmem>>, vector<1x16xf32>,
        %get3A_735 = arith.index_cast %scan3A_594 : i32 to index
        %get3A_736 = arith.constant 112 : index
        %get3A_737 = tpu.vector_load %arg19[%get3A_735, %get3A_736] {strides = array<i32>} : memref<40x128xf32, #tpu.memory_space<vmem>>, vector<1x16xf32>,
        %get3A_738 = vector.shape_cast %get3A_737 : vector<1x16xf32> to vector<16xf32>
        %get3A_739 = arith.index_cast %scan3A_594 : i32 to index
        %get3A_740 = arith.constant 112 : index
        %get3A_741 = tpu.vector_load %arg21[%get3A_739, %get3A_740] {strides = array<i32>} : memref<40x128xf32, #tpu.memory_space<vmem>>, vector<1x16xf32>,
        %get3A_742 = vector.shape_cast %get3A_741 : vector<1x16xf32> to vector<16xf32>
        %add3A_743 = arith.addf %get3A_738, %get3A_742 : vector<16xf32>
        %add3A_744 = arith.addf %add3A_743, %bitcast_convert_type3A_719 : vector<16xf32>
        %swap3A_745 = arith.index_cast %scan3A_594 : i32 to index
        %swap3A_746 = arith.constant 112 : index
        %swap3A_747 = tpu.vector_load %arg19[%swap3A_745, %swap3A_746] {strides = array<i32>} : memref<40x128xf32, #tpu.memory_space<vmem>>, vector<1x16xf32>,
        %swap3A_748 = vector.shape_cast %swap3A_747 : vector<1x16xf32> to vector<16xf32>
        %swap3A_749 = vector.shape_cast %add3A_744 : vector<16xf32> to vector<1x16xf32>
        tpu.vector_store %arg19[%swap3A_745, %swap3A_746], %swap3A_749 {strides = array<i32>} : memref<40x128xf32, #tpu.memory_space<vmem>>, vector<1x16xf32>,
      }
      %scan3A_581 = arith.constant 40 : i32
      %mul3A_582 = arith.constant 250 : i32
      %mul3A_583 = arith.muli %add3A, %mul3A_582 : i32
      %add3A_584 = arith.addi %mul3A_583, %add3A_499 : i32
      %mul3A_585 = arith.constant 40 : i32
      %mul3A_586 = arith.muli %add3A_584, %mul3A_585 : i32
      %dma_start3A_587 = arith.constant 0 : i32
      %dma_start3A_588 = tpu.memref_slice %arg8[%mul3A_586, %dma_start3A_587] : memref<320000x128xf32, #tpu.memory_space<hbm>> -> memref<40x128xf32, #tpu.memory_space<hbm>>
      %dma_start3A_589 = arith.constant 0 : i32
      %dma_start3A_590 = tpu.memref_slice %arg8[%mul3A_586, %dma_start3A_589] : memref<320000x128xf32, #tpu.memory_space<hbm>> -> memref<40x128xf32, #tpu.memory_space<hbm>>
      tpu.enqueue_dma source(%arg19 : memref<40x128xf32, #tpu.memory_space<vmem>>) target(%dma_start3A_590 : memref<40x128xf32, #tpu.memory_space<hbm>>) target_semaphore(%arg32 : memref<!tpu.dma_semaphore, #tpu.memory_space<semaphore_mem>>)
      %dma_start3A_591 = arith.constant 0 : i32
      %dma_start3A_592 = arith.constant 0 : i32
      %dma_start3A_593 = tpu.memref_slice %arg24[%dma_start3A_591, %dma_start3A_592] : memref<10000x128xf32, #tpu.memory_space<vmem_shared>> -> memref<10000x128xf32, #tpu.memory_space<vmem_shared>>
      tpu.enqueue_indirect_dma source(%arg19 : memref<40x128xf32, #tpu.memory_space<vmem>>) target(%dma_start3A_593 : memref<10000x128xf32, #tpu.memory_space<vmem_shared>>) offsets(%arg17 : memref<40xi32, #tpu.memory_space<vmem>>) semaphore(%arg34 : memref<!tpu.dma_semaphore, #tpu.memory_space<semaphore_mem>>) {add = true}
    }
    %scan3A_63 = arith.constant 62 : i32
    %mul3A_64 = arith.constant 250 : i32
    %mul3A_65 = arith.muli %add3A, %mul3A_64 : i32
    %add3A_66 = arith.constant 247 : i32
    %add3A_67 = arith.addi %mul3A_65, %add3A_66 : i32
    %mul3A_68 = arith.constant 40 : i32
    %mul3A_69 = arith.muli %add3A_67, %mul3A_68 : i32
    %dma_wait3A_70 = arith.constant 0 : i32
    %dma_wait3A_71 = tpu.memref_slice %arg8[%mul3A_69, %dma_wait3A_70] : memref<320000x128xf32, #tpu.memory_space<hbm>> -> memref<40x128xf32, #tpu.memory_space<hbm>>
    %dma_wait3A_72 = arith.constant 0 : i32
    %dma_wait3A_73 = tpu.memref_slice %arg8[%mul3A_69, %dma_wait3A_72] : memref<320000x128xf32, #tpu.memory_space<hbm>> -> memref<40x128xf32, #tpu.memory_space<hbm>>
    tpu.wait_dma2 semaphore(%arg32 : memref<!tpu.dma_semaphore, #tpu.memory_space<semaphore_mem>>) src(%arg19 : memref<40x128xf32, #tpu.memory_space<vmem>>) dst(%dma_wait3A_73 : memref<40x128xf32, #tpu.memory_space<hbm>>)
    %dma_wait3A_74 = arith.constant 0 : i32
    %dma_wait3A_75 = arith.constant 0 : i32
    %dma_wait3A_76 = tpu.memref_slice %arg24[%dma_wait3A_74, %dma_wait3A_75] : memref<10000x128xf32, #tpu.memory_space<vmem_shared>> -> memref<10000x128xf32, #tpu.memory_space<vmem_shared>>
    tpu.wait_indirect_dma semaphore(%arg34 : memref<!tpu.dma_semaphore, #tpu.memory_space<semaphore_mem>>) src(%arg19 : memref<40x128xf32, #tpu.memory_space<vmem>>) dst(%dma_wait3A_76 : memref<10000x128xf32, #tpu.memory_space<vmem_shared>>)
    %dma_wait3A_77 = arith.constant 249 : i32
    %dma_wait3A_78 = arith.constant 0 : i32
    %dma_wait3A_79 = tpu.memref_slice %arg5[%add3A, %dma_wait3A_77, %dma_wait3A_78] : memref<32x250x40xi32, #tpu.memory_space<hbm>> -> memref<1x1x40xi32, #tpu.memory_space<hbm>>
    %dma_wait3A_80 = tpu.memref_squeeze %dma_wait3A_79 : memref<1x1x40xi32, #tpu.memory_space<hbm>> -> memref<40xi32, #tpu.memory_space<hbm>>
    %dma_wait3A_81 = arith.constant 0 : i32
    %dma_wait3A_82 = tpu.memref_slice %arg5[%add3A, %dma_wait3A_77, %dma_wait3A_81] : memref<32x250x40xi32, #tpu.memory_space<hbm>> -> memref<1x1x40xi32, #tpu.memory_space<hbm>>
    %dma_wait3A_83 = tpu.memref_squeeze %dma_wait3A_82 : memref<1x1x40xi32, #tpu.memory_space<hbm>> -> memref<40xi32, #tpu.memory_space<hbm>>
    tpu.wait_dma2 semaphore(%arg26 : memref<!tpu.dma_semaphore, #tpu.memory_space<semaphore_mem>>) src(%dma_wait3A_83 : memref<40xi32, #tpu.memory_space<hbm>>) dst(%arg11 : memref<40xi32, #tpu.memory_space<vmem>>)
    %dma_wait3A_84 = arith.constant 249 : i32
    %dma_wait3A_85 = arith.constant 0 : i32
    %dma_wait3A_86 = tpu.memref_slice %arg6[%add3A, %dma_wait3A_84, %dma_wait3A_85] : memref<32x250x40xi32, #tpu.memory_space<hbm>> -> memref<1x1x40xi32, #tpu.memory_space<hbm>>
    %dma_wait3A_87 = tpu.memref_squeeze %dma_wait3A_86 : memref<1x1x40xi32, #tpu.memory_space<hbm>> -> memref<40xi32, #tpu.memory_space<hbm>>
    %dma_wait3A_88 = arith.constant 0 : i32
    %dma_wait3A_89 = tpu.memref_slice %arg6[%add3A, %dma_wait3A_84, %dma_wait3A_88] : memref<32x250x40xi32, #tpu.memory_space<hbm>> -> memref<1x1x40xi32, #tpu.memory_space<hbm>>
    %dma_wait3A_90 = tpu.memref_squeeze %dma_wait3A_89 : memref<1x1x40xi32, #tpu.memory_space<hbm>> -> memref<40xi32, #tpu.memory_space<hbm>>
    tpu.wait_dma2 semaphore(%arg26 : memref<!tpu.dma_semaphore, #tpu.memory_space<semaphore_mem>>) src(%dma_wait3A_90 : memref<40xi32, #tpu.memory_space<hbm>>) dst(%arg15 : memref<40xi32, #tpu.memory_space<vmem>>)
    %mul3A_91 = arith.constant 250 : i32
    %mul3A_92 = arith.muli %add3A, %mul3A_91 : i32
    %add3A_93 = arith.constant 249 : i32
    %add3A_94 = arith.addi %mul3A_92, %add3A_93 : i32
    %mul3A_95 = arith.constant 40 : i32
    %mul3A_96 = arith.muli %add3A_94, %mul3A_95 : i32
    %dma_start3A_97 = arith.constant 0 : i32
    %dma_start3A_98 = arith.constant 0 : i32
    %dma_start3A_99 = tpu.memref_slice %arg3[%dma_start3A_97, %dma_start3A_98] : memref<10000x128xf32, #tpu.memory_space<hbm>> -> memref<10000x128xf32, #tpu.memory_space<hbm>>
    tpu.enqueue_indirect_dma source(%dma_start3A_99 : memref<10000x128xf32, #tpu.memory_space<hbm>>) target(%arg19 : memref<40x128xf32, #tpu.memory_space<vmem>>) offsets(%arg11 : memref<40xi32, #tpu.memory_space<vmem>>) semaphore(%arg30 : memref<!tpu.dma_semaphore, #tpu.memory_space<semaphore_mem>>)
    %dma_start3A_100 = arith.constant 0 : i32
    %dma_start3A_101 = arith.constant 0 : i32
    %dma_start3A_102 = tpu.memref_slice %arg4[%dma_start3A_100, %dma_start3A_101] : memref<10000x128xf32, #tpu.memory_space<hbm>> -> memref<10000x128xf32, #tpu.memory_space<hbm>>
    tpu.enqueue_indirect_dma source(%dma_start3A_102 : memref<10000x128xf32, #tpu.memory_space<hbm>>) target(%arg21 : memref<40x128xf32, #tpu.memory_space<vmem>>) offsets(%arg15 : memref<40xi32, #tpu.memory_space<vmem>>) semaphore(%arg30 : memref<!tpu.dma_semaphore, #tpu.memory_space<semaphore_mem>>)
    %dma_start3A_103 = arith.constant 0 : i32
    %dma_start3A_104 = tpu.memref_slice %arg2[%mul3A_96, %dma_start3A_103] : memref<320000x64xi32, #tpu.memory_space<hbm>> -> memref<40x64xi32, #tpu.memory_space<hbm>>
    %dma_start3A_105 = arith.constant 0 : i32
    %dma_start3A_106 = tpu.memref_slice %arg2[%mul3A_96, %dma_start3A_105] : memref<320000x64xi32, #tpu.memory_space<hbm>> -> memref<40x64xi32, #tpu.memory_space<hbm>>
    tpu.enqueue_dma source(%dma_start3A_106 : memref<40x64xi32, #tpu.memory_space<hbm>>) target(%arg23 : memref<40x64xi32, #tpu.memory_space<vmem>>) target_semaphore(%arg30 : memref<!tpu.dma_semaphore, #tpu.memory_space<semaphore_mem>>)
    %mul3A_107 = arith.constant 250 : i32
    %mul3A_108 = arith.muli %add3A, %mul3A_107 : i32
    %add3A_109 = arith.constant 248 : i32
    %add3A_110 = arith.addi %mul3A_108, %add3A_109 : i32
    %mul3A_111 = arith.constant 40 : i32
    %mul3A_112 = arith.muli %add3A_110, %mul3A_111 : i32
    %dma_wait3A_113 = arith.constant 0 : i32
    %dma_wait3A_114 = arith.constant 0 : i32
    %dma_wait3A_115 = tpu.memref_slice %arg3[%dma_wait3A_113, %dma_wait3A_114] : memref<10000x128xf32, #tpu.memory_space<hbm>> -> memref<10000x128xf32, #tpu.memory_space<hbm>>
    tpu.wait_indirect_dma semaphore(%arg29 : memref<!tpu.dma_semaphore, #tpu.memory_space<semaphore_mem>>) src(%dma_wait3A_115 : memref<10000x128xf32, #tpu.memory_space<hbm>>) dst(%arg18 : memref<40x128xf32, #tpu.memory_space<vmem>>)
    %dma_wait3A_116 = arith.constant 0 : i32
    %dma_wait3A_117 = arith.constant 0 : i32
    %dma_wait3A_118 = tpu.memref_slice %arg4[%dma_wait3A_116, %dma_wait3A_117] : memref<10000x128xf32, #tpu.memory_space<hbm>> -> memref<10000x128xf32, #tpu.memory_space<hbm>>
    tpu.wait_indirect_dma semaphore(%arg29 : memref<!tpu.dma_semaphore, #tpu.memory_space<semaphore_mem>>) src(%dma_wait3A_118 : memref<10000x128xf32, #tpu.memory_space<hbm>>) dst(%arg20 : memref<40x128xf32, #tpu.memory_space<vmem>>)
    %dma_wait3A_119 = arith.constant 0 : i32
    %dma_wait3A_120 = tpu.memref_slice %arg2[%mul3A_112, %dma_wait3A_119] : memref<320000x64xi32, #tpu.memory_space<hbm>> -> memref<40x64xi32, #tpu.memory_space<hbm>>
    %dma_wait3A_121 = arith.constant 0 : i32
    %dma_wait3A_122 = tpu.memref_slice %arg2[%mul3A_112, %dma_wait3A_121] : memref<320000x64xi32, #tpu.memory_space<hbm>> -> memref<40x64xi32, #tpu.memory_space<hbm>>
    tpu.wait_dma2 semaphore(%arg29 : memref<!tpu.dma_semaphore, #tpu.memory_space<semaphore_mem>>) src(%dma_wait3A_122 : memref<40x64xi32, #tpu.memory_space<hbm>>) dst(%arg22 : memref<40x64xi32, #tpu.memory_space<vmem>>)
    %broadcast_in_dim3A = arith.constant -65536 : i32
    %broadcast_in_dim3A_123 = vector.broadcast %broadcast_in_dim3A : i32 to vector<16xi32>
    %scan3A_124 = arith.constant 0 : i32
    %scan3A_125 = arith.constant 0 : i32
    %scan3A_126 = arith.constant 40 : i32
    %scan3A_127 = arith.addi %scan3A_125, %scan3A_126 : i32
    %scan3A_128 = arith.constant 1 : i32
    scf.for %scan3A_212 = %scan3A_125 to %scan3A_127 step %scan3A_128  : i32 {
      %get3A = arith.index_cast %scan3A_212 : i32 to index
      %get3A_213 = arith.constant 0 : index
      %get3A_214 = tpu.vector_load %arg22[%get3A, %get3A_213] {strides = array<i32>} : memref<40x64xi32, #tpu.memory_space<vmem>>, vector<1x16xi32>,
      %get3A_215 = vector.shape_cast %get3A_214 : vector<1x16xi32> to vector<16xi32>
      %shift_left3A = arith.constant 16 : i32
      %shift_left3A_216 = vector.broadcast %shift_left3A : i32 to vector<16xi32>
      %shift_left3A_217 = arith.shli %get3A_215, %shift_left3A_216 : vector<16xi32>
      %bitcast_convert_type3A = tpu.bitcast %shift_left3A_217 : vector<16xi32> -> vector<16xf32>
      %and3A = arith.andi %get3A_215, %broadcast_in_dim3A_123 : vector<16xi32>
      %bitcast_convert_type3A_218 = tpu.bitcast %and3A : vector<16xi32> -> vector<16xf32>
      %get3A_219 = arith.index_cast %scan3A_212 : i32 to index
      %get3A_220 = arith.constant 0 : index
      %get3A_221 = tpu.vector_load %arg18[%get3A_219, %get3A_220] {strides = array<i32>} : memref<40x128xf32, #tpu.memory_space<vmem>>, vector<1x16xf32>,
      %get3A_222 = vector.shape_cast %get3A_221 : vector<1x16xf32> to vector<16xf32>
      %get3A_223 = arith.index_cast %scan3A_212 : i32 to index
      %get3A_224 = arith.constant 0 : index
      %get3A_225 = tpu.vector_load %arg20[%get3A_223, %get3A_224] {strides = array<i32>} : memref<40x128xf32, #tpu.memory_space<vmem>>, vector<1x16xf32>,
      %get3A_226 = vector.shape_cast %get3A_225 : vector<1x16xf32> to vector<16xf32>
      %add3A_227 = arith.addf %get3A_222, %get3A_226 : vector<16xf32>
      %add3A_228 = arith.addf %add3A_227, %bitcast_convert_type3A : vector<16xf32>
      %swap3A = arith.index_cast %scan3A_212 : i32 to index
      %swap3A_229 = arith.constant 0 : index
      %swap3A_230 = tpu.vector_load %arg18[%swap3A, %swap3A_229] {strides = array<i32>} : memref<40x128xf32, #tpu.memory_space<vmem>>, vector<1x16xf32>,
      %swap3A_231 = vector.shape_cast %swap3A_230 : vector<1x16xf32> to vector<16xf32>
      %swap3A_232 = vector.shape_cast %add3A_228 : vector<16xf32> to vector<1x16xf32>
      tpu.vector_store %arg18[%swap3A, %swap3A_229], %swap3A_232 {strides = array<i32>} : memref<40x128xf32, #tpu.memory_space<vmem>>, vector<1x16xf32>,
      %get3A_233 = arith.index_cast %scan3A_212 : i32 to index
      %get3A_234 = arith.constant 16 : index
      %get3A_235 = tpu.vector_load %arg18[%get3A_233, %get3A_234] {strides = array<i32>} : memref<40x128xf32, #tpu.memory_space<vmem>>, vector<1x16xf32>,
      %get3A_236 = vector.shape_cast %get3A_235 : vector<1x16xf32> to vector<16xf32>
      %get3A_237 = arith.index_cast %scan3A_212 : i32 to index
      %get3A_238 = arith.constant 16 : index
      %get3A_239 = tpu.vector_load %arg20[%get3A_237, %get3A_238] {strides = array<i32>} : memref<40x128xf32, #tpu.memory_space<vmem>>, vector<1x16xf32>,
      %get3A_240 = vector.shape_cast %get3A_239 : vector<1x16xf32> to vector<16xf32>
      %add3A_241 = arith.addf %get3A_236, %get3A_240 : vector<16xf32>
      %add3A_242 = arith.addf %add3A_241, %bitcast_convert_type3A_218 : vector<16xf32>
      %swap3A_243 = arith.index_cast %scan3A_212 : i32 to index
      %swap3A_244 = arith.constant 16 : index
      %swap3A_245 = tpu.vector_load %arg18[%swap3A_243, %swap3A_244] {strides = array<i32>} : memref<40x128xf32, #tpu.memory_space<vmem>>, vector<1x16xf32>,
      %swap3A_246 = vector.shape_cast %swap3A_245 : vector<1x16xf32> to vector<16xf32>
      %swap3A_247 = vector.shape_cast %add3A_242 : vector<16xf32> to vector<1x16xf32>
      tpu.vector_store %arg18[%swap3A_243, %swap3A_244], %swap3A_247 {strides = array<i32>} : memref<40x128xf32, #tpu.memory_space<vmem>>, vector<1x16xf32>,
      %get3A_248 = arith.index_cast %scan3A_212 : i32 to index
      %get3A_249 = arith.constant 16 : index
      %get3A_250 = tpu.vector_load %arg22[%get3A_248, %get3A_249] {strides = array<i32>} : memref<40x64xi32, #tpu.memory_space<vmem>>, vector<1x16xi32>,
      %get3A_251 = vector.shape_cast %get3A_250 : vector<1x16xi32> to vector<16xi32>
      %shift_left3A_252 = arith.constant 16 : i32
      %shift_left3A_253 = vector.broadcast %shift_left3A_252 : i32 to vector<16xi32>
      %shift_left3A_254 = arith.shli %get3A_251, %shift_left3A_253 : vector<16xi32>
      %bitcast_convert_type3A_255 = tpu.bitcast %shift_left3A_254 : vector<16xi32> -> vector<16xf32>
      %and3A_256 = arith.andi %get3A_251, %broadcast_in_dim3A_123 : vector<16xi32>
      %bitcast_convert_type3A_257 = tpu.bitcast %and3A_256 : vector<16xi32> -> vector<16xf32>
      %get3A_258 = arith.index_cast %scan3A_212 : i32 to index
      %get3A_259 = arith.constant 32 : index
      %get3A_260 = tpu.vector_load %arg18[%get3A_258, %get3A_259] {strides = array<i32>} : memref<40x128xf32, #tpu.memory_space<vmem>>, vector<1x16xf32>,
      %get3A_261 = vector.shape_cast %get3A_260 : vector<1x16xf32> to vector<16xf32>
      %get3A_262 = arith.index_cast %scan3A_212 : i32 to index
      %get3A_263 = arith.constant 32 : index
      %get3A_264 = tpu.vector_load %arg20[%get3A_262, %get3A_263] {strides = array<i32>} : memref<40x128xf32, #tpu.memory_space<vmem>>, vector<1x16xf32>,
      %get3A_265 = vector.shape_cast %get3A_264 : vector<1x16xf32> to vector<16xf32>
      %add3A_266 = arith.addf %get3A_261, %get3A_265 : vector<16xf32>
      %add3A_267 = arith.addf %add3A_266, %bitcast_convert_type3A_255 : vector<16xf32>
      %swap3A_268 = arith.index_cast %scan3A_212 : i32 to index
      %swap3A_269 = arith.constant 32 : index
      %swap3A_270 = tpu.vector_load %arg18[%swap3A_268, %swap3A_269] {strides = array<i32>} : memref<40x128xf32, #tpu.memory_space<vmem>>, vector<1x16xf32>,
      %swap3A_271 = vector.shape_cast %swap3A_270 : vector<1x16xf32> to vector<16xf32>
      %swap3A_272 = vector.shape_cast %add3A_267 : vector<16xf32> to vector<1x16xf32>
      tpu.vector_store %arg18[%swap3A_268, %swap3A_269], %swap3A_272 {strides = array<i32>} : memref<40x128xf32, #tpu.memory_space<vmem>>, vector<1x16xf32>,
      %get3A_273 = arith.index_cast %scan3A_212 : i32 to index
      %get3A_274 = arith.constant 48 : index
      %get3A_275 = tpu.vector_load %arg18[%get3A_273, %get3A_274] {strides = array<i32>} : memref<40x128xf32, #tpu.memory_space<vmem>>, vector<1x16xf32>,
      %get3A_276 = vector.shape_cast %get3A_275 : vector<1x16xf32> to vector<16xf32>
      %get3A_277 = arith.index_cast %scan3A_212 : i32 to index
      %get3A_278 = arith.constant 48 : index
      %get3A_279 = tpu.vector_load %arg20[%get3A_277, %get3A_278] {strides = array<i32>} : memref<40x128xf32, #tpu.memory_space<vmem>>, vector<1x16xf32>,
      %get3A_280 = vector.shape_cast %get3A_279 : vector<1x16xf32> to vector<16xf32>
      %add3A_281 = arith.addf %get3A_276, %get3A_280 : vector<16xf32>
      %add3A_282 = arith.addf %add3A_281, %bitcast_convert_type3A_257 : vector<16xf32>
      %swap3A_283 = arith.index_cast %scan3A_212 : i32 to index
      %swap3A_284 = arith.constant 48 : index
      %swap3A_285 = tpu.vector_load %arg18[%swap3A_283, %swap3A_284] {strides = array<i32>} : memref<40x128xf32, #tpu.memory_space<vmem>>, vector<1x16xf32>,
      %swap3A_286 = vector.shape_cast %swap3A_285 : vector<1x16xf32> to vector<16xf32>
      %swap3A_287 = vector.shape_cast %add3A_282 : vector<16xf32> to vector<1x16xf32>
      tpu.vector_store %arg18[%swap3A_283, %swap3A_284], %swap3A_287 {strides = array<i32>} : memref<40x128xf32, #tpu.memory_space<vmem>>, vector<1x16xf32>,
      %get3A_288 = arith.index_cast %scan3A_212 : i32 to index
      %get3A_289 = arith.constant 32 : index
      %get3A_290 = tpu.vector_load %arg22[%get3A_288, %get3A_289] {strides = array<i32>} : memref<40x64xi32, #tpu.memory_space<vmem>>, vector<1x16xi32>,
      %get3A_291 = vector.shape_cast %get3A_290 : vector<1x16xi32> to vector<16xi32>
      %shift_left3A_292 = arith.constant 16 : i32
      %shift_left3A_293 = vector.broadcast %shift_left3A_292 : i32 to vector<16xi32>
      %shift_left3A_294 = arith.shli %get3A_291, %shift_left3A_293 : vector<16xi32>
      %bitcast_convert_type3A_295 = tpu.bitcast %shift_left3A_294 : vector<16xi32> -> vector<16xf32>
      %and3A_296 = arith.andi %get3A_291, %broadcast_in_dim3A_123 : vector<16xi32>
      %bitcast_convert_type3A_297 = tpu.bitcast %and3A_296 : vector<16xi32> -> vector<16xf32>
      %get3A_298 = arith.index_cast %scan3A_212 : i32 to index
      %get3A_299 = arith.constant 64 : index
      %get3A_300 = tpu.vector_load %arg18[%get3A_298, %get3A_299] {strides = array<i32>} : memref<40x128xf32, #tpu.memory_space<vmem>>, vector<1x16xf32>,
      %get3A_301 = vector.shape_cast %get3A_300 : vector<1x16xf32> to vector<16xf32>
      %get3A_302 = arith.index_cast %scan3A_212 : i32 to index
      %get3A_303 = arith.constant 64 : index
      %get3A_304 = tpu.vector_load %arg20[%get3A_302, %get3A_303] {strides = array<i32>} : memref<40x128xf32, #tpu.memory_space<vmem>>, vector<1x16xf32>,
      %get3A_305 = vector.shape_cast %get3A_304 : vector<1x16xf32> to vector<16xf32>
      %add3A_306 = arith.addf %get3A_301, %get3A_305 : vector<16xf32>
      %add3A_307 = arith.addf %add3A_306, %bitcast_convert_type3A_295 : vector<16xf32>
      %swap3A_308 = arith.index_cast %scan3A_212 : i32 to index
      %swap3A_309 = arith.constant 64 : index
      %swap3A_310 = tpu.vector_load %arg18[%swap3A_308, %swap3A_309] {strides = array<i32>} : memref<40x128xf32, #tpu.memory_space<vmem>>, vector<1x16xf32>,
      %swap3A_311 = vector.shape_cast %swap3A_310 : vector<1x16xf32> to vector<16xf32>
      %swap3A_312 = vector.shape_cast %add3A_307 : vector<16xf32> to vector<1x16xf32>
      tpu.vector_store %arg18[%swap3A_308, %swap3A_309], %swap3A_312 {strides = array<i32>} : memref<40x128xf32, #tpu.memory_space<vmem>>, vector<1x16xf32>,
      %get3A_313 = arith.index_cast %scan3A_212 : i32 to index
      %get3A_314 = arith.constant 80 : index
      %get3A_315 = tpu.vector_load %arg18[%get3A_313, %get3A_314] {strides = array<i32>} : memref<40x128xf32, #tpu.memory_space<vmem>>, vector<1x16xf32>,
      %get3A_316 = vector.shape_cast %get3A_315 : vector<1x16xf32> to vector<16xf32>
      %get3A_317 = arith.index_cast %scan3A_212 : i32 to index
      %get3A_318 = arith.constant 80 : index
      %get3A_319 = tpu.vector_load %arg20[%get3A_317, %get3A_318] {strides = array<i32>} : memref<40x128xf32, #tpu.memory_space<vmem>>, vector<1x16xf32>,
      %get3A_320 = vector.shape_cast %get3A_319 : vector<1x16xf32> to vector<16xf32>
      %add3A_321 = arith.addf %get3A_316, %get3A_320 : vector<16xf32>
      %add3A_322 = arith.addf %add3A_321, %bitcast_convert_type3A_297 : vector<16xf32>
      %swap3A_323 = arith.index_cast %scan3A_212 : i32 to index
      %swap3A_324 = arith.constant 80 : index
      %swap3A_325 = tpu.vector_load %arg18[%swap3A_323, %swap3A_324] {strides = array<i32>} : memref<40x128xf32, #tpu.memory_space<vmem>>, vector<1x16xf32>,
      %swap3A_326 = vector.shape_cast %swap3A_325 : vector<1x16xf32> to vector<16xf32>
      %swap3A_327 = vector.shape_cast %add3A_322 : vector<16xf32> to vector<1x16xf32>
      tpu.vector_store %arg18[%swap3A_323, %swap3A_324], %swap3A_327 {strides = array<i32>} : memref<40x128xf32, #tpu.memory_space<vmem>>, vector<1x16xf32>,
      %get3A_328 = arith.index_cast %scan3A_212 : i32 to index
      %get3A_329 = arith.constant 48 : index
      %get3A_330 = tpu.vector_load %arg22[%get3A_328, %get3A_329] {strides = array<i32>} : memref<40x64xi32, #tpu.memory_space<vmem>>, vector<1x16xi32>,
      %get3A_331 = vector.shape_cast %get3A_330 : vector<1x16xi32> to vector<16xi32>
      %shift_left3A_332 = arith.constant 16 : i32
      %shift_left3A_333 = vector.broadcast %shift_left3A_332 : i32 to vector<16xi32>
      %shift_left3A_334 = arith.shli %get3A_331, %shift_left3A_333 : vector<16xi32>
      %bitcast_convert_type3A_335 = tpu.bitcast %shift_left3A_334 : vector<16xi32> -> vector<16xf32>
      %and3A_336 = arith.andi %get3A_331, %broadcast_in_dim3A_123 : vector<16xi32>
      %bitcast_convert_type3A_337 = tpu.bitcast %and3A_336 : vector<16xi32> -> vector<16xf32>
      %get3A_338 = arith.index_cast %scan3A_212 : i32 to index
      %get3A_339 = arith.constant 96 : index
      %get3A_340 = tpu.vector_load %arg18[%get3A_338, %get3A_339] {strides = array<i32>} : memref<40x128xf32, #tpu.memory_space<vmem>>, vector<1x16xf32>,
      %get3A_341 = vector.shape_cast %get3A_340 : vector<1x16xf32> to vector<16xf32>
      %get3A_342 = arith.index_cast %scan3A_212 : i32 to index
      %get3A_343 = arith.constant 96 : index
      %get3A_344 = tpu.vector_load %arg20[%get3A_342, %get3A_343] {strides = array<i32>} : memref<40x128xf32, #tpu.memory_space<vmem>>, vector<1x16xf32>,
      %get3A_345 = vector.shape_cast %get3A_344 : vector<1x16xf32> to vector<16xf32>
      %add3A_346 = arith.addf %get3A_341, %get3A_345 : vector<16xf32>
      %add3A_347 = arith.addf %add3A_346, %bitcast_convert_type3A_335 : vector<16xf32>
      %swap3A_348 = arith.index_cast %scan3A_212 : i32 to index
      %swap3A_349 = arith.constant 96 : index
      %swap3A_350 = tpu.vector_load %arg18[%swap3A_348, %swap3A_349] {strides = array<i32>} : memref<40x128xf32, #tpu.memory_space<vmem>>, vector<1x16xf32>,
      %swap3A_351 = vector.shape_cast %swap3A_350 : vector<1x16xf32> to vector<16xf32>
      %swap3A_352 = vector.shape_cast %add3A_347 : vector<16xf32> to vector<1x16xf32>
      tpu.vector_store %arg18[%swap3A_348, %swap3A_349], %swap3A_352 {strides = array<i32>} : memref<40x128xf32, #tpu.memory_space<vmem>>, vector<1x16xf32>,
      %get3A_353 = arith.index_cast %scan3A_212 : i32 to index
      %get3A_354 = arith.constant 112 : index
      %get3A_355 = tpu.vector_load %arg18[%get3A_353, %get3A_354] {strides = array<i32>} : memref<40x128xf32, #tpu.memory_space<vmem>>, vector<1x16xf32>,
      %get3A_356 = vector.shape_cast %get3A_355 : vector<1x16xf32> to vector<16xf32>
      %get3A_357 = arith.index_cast %scan3A_212 : i32 to index
      %get3A_358 = arith.constant 112 : index
      %get3A_359 = tpu.vector_load %arg20[%get3A_357, %get3A_358] {strides = array<i32>} : memref<40x128xf32, #tpu.memory_space<vmem>>, vector<1x16xf32>,
      %get3A_360 = vector.shape_cast %get3A_359 : vector<1x16xf32> to vector<16xf32>
      %add3A_361 = arith.addf %get3A_356, %get3A_360 : vector<16xf32>
      %add3A_362 = arith.addf %add3A_361, %bitcast_convert_type3A_337 : vector<16xf32>
      %swap3A_363 = arith.index_cast %scan3A_212 : i32 to index
      %swap3A_364 = arith.constant 112 : index
      %swap3A_365 = tpu.vector_load %arg18[%swap3A_363, %swap3A_364] {strides = array<i32>} : memref<40x128xf32, #tpu.memory_space<vmem>>, vector<1x16xf32>,
      %swap3A_366 = vector.shape_cast %swap3A_365 : vector<1x16xf32> to vector<16xf32>
      %swap3A_367 = vector.shape_cast %add3A_362 : vector<16xf32> to vector<1x16xf32>
      tpu.vector_store %arg18[%swap3A_363, %swap3A_364], %swap3A_367 {strides = array<i32>} : memref<40x128xf32, #tpu.memory_space<vmem>>, vector<1x16xf32>,
    }
    %scan3A_129 = arith.constant 40 : i32
    %mul3A_130 = arith.constant 250 : i32
    %mul3A_131 = arith.muli %add3A, %mul3A_130 : i32
    %add3A_132 = arith.constant 248 : i32
    %add3A_133 = arith.addi %mul3A_131, %add3A_132 : i32
    %mul3A_134 = arith.constant 40 : i32
    %mul3A_135 = arith.muli %add3A_133, %mul3A_134 : i32
    %dma_start3A_136 = arith.constant 0 : i32
    %dma_start3A_137 = tpu.memref_slice %arg8[%mul3A_135, %dma_start3A_136] : memref<320000x128xf32, #tpu.memory_space<hbm>> -> memref<40x128xf32, #tpu.memory_space<hbm>>
    %dma_start3A_138 = arith.constant 0 : i32
    %dma_start3A_139 = tpu.memref_slice %arg8[%mul3A_135, %dma_start3A_138] : memref<320000x128xf32, #tpu.memory_space<hbm>> -> memref<40x128xf32, #tpu.memory_space<hbm>>
    tpu.enqueue_dma source(%arg18 : memref<40x128xf32, #tpu.memory_space<vmem>>) target(%dma_start3A_139 : memref<40x128xf32, #tpu.memory_space<hbm>>) target_semaphore(%arg31 : memref<!tpu.dma_semaphore, #tpu.memory_space<semaphore_mem>>)
    %dma_start3A_140 = arith.constant 0 : i32
    %dma_start3A_141 = arith.constant 0 : i32
    %dma_start3A_142 = tpu.memref_slice %arg24[%dma_start3A_140, %dma_start3A_141] : memref<10000x128xf32, #tpu.memory_space<vmem_shared>> -> memref<10000x128xf32, #tpu.memory_space<vmem_shared>>
    tpu.enqueue_indirect_dma source(%arg18 : memref<40x128xf32, #tpu.memory_space<vmem>>) target(%dma_start3A_142 : memref<10000x128xf32, #tpu.memory_space<vmem_shared>>) offsets(%arg14 : memref<40xi32, #tpu.memory_space<vmem>>) semaphore(%arg33 : memref<!tpu.dma_semaphore, #tpu.memory_space<semaphore_mem>>) {add = true}
    %mul3A_143 = arith.constant 250 : i32
    %mul3A_144 = arith.muli %add3A, %mul3A_143 : i32
    %add3A_145 = arith.constant 248 : i32
    %add3A_146 = arith.addi %mul3A_144, %add3A_145 : i32
    %mul3A_147 = arith.constant 40 : i32
    %mul3A_148 = arith.muli %add3A_146, %mul3A_147 : i32
    %dma_wait3A_149 = arith.constant 0 : i32
    %dma_wait3A_150 = tpu.memref_slice %arg8[%mul3A_148, %dma_wait3A_149] : memref<320000x128xf32, #tpu.memory_space<hbm>> -> memref<40x128xf32, #tpu.memory_space<hbm>>
    %dma_wait3A_151 = arith.constant 0 : i32
    %dma_wait3A_152 = tpu.memref_slice %arg8[%mul3A_148, %dma_wait3A_151] : memref<320000x128xf32, #tpu.memory_space<hbm>> -> memref<40x128xf32, #tpu.memory_space<hbm>>
    tpu.wait_dma2 semaphore(%arg31 : memref<!tpu.dma_semaphore, #tpu.memory_space<semaphore_mem>>) src(%arg18 : memref<40x128xf32, #tpu.memory_space<vmem>>) dst(%dma_wait3A_152 : memref<40x128xf32, #tpu.memory_space<hbm>>)
    %dma_wait3A_153 = arith.constant 0 : i32
    %dma_wait3A_154 = arith.constant 0 : i32
    %dma_wait3A_155 = tpu.memref_slice %arg24[%dma_wait3A_153, %dma_wait3A_154] : memref<10000x128xf32, #tpu.memory_space<vmem_shared>> -> memref<10000x128xf32, #tpu.memory_space<vmem_shared>>
    tpu.wait_indirect_dma semaphore(%arg33 : memref<!tpu.dma_semaphore, #tpu.memory_space<semaphore_mem>>) src(%arg18 : memref<40x128xf32, #tpu.memory_space<vmem>>) dst(%dma_wait3A_155 : memref<10000x128xf32, #tpu.memory_space<vmem_shared>>)
    %mul3A_156 = arith.constant 250 : i32
    %mul3A_157 = arith.muli %add3A, %mul3A_156 : i32
    %add3A_158 = arith.constant 249 : i32
    %add3A_159 = arith.addi %mul3A_157, %add3A_158 : i32
    %mul3A_160 = arith.constant 40 : i32
    %mul3A_161 = arith.muli %add3A_159, %mul3A_160 : i32
    %dma_wait3A_162 = arith.constant 0 : i32
    %dma_wait3A_163 = arith.constant 0 : i32
    %dma_wait3A_164 = tpu.memref_slice %arg3[%dma_wait3A_162, %dma_wait3A_163] : memref<10000x128xf32, #tpu.memory_space<hbm>> -> memref<10000x128xf32, #tpu.memory_space<hbm>>
    tpu.wait_indirect_dma semaphore(%arg30 : memref<!tpu.dma_semaphore, #tpu.memory_space<semaphore_mem>>) src(%dma_wait3A_164 : memref<10000x128xf32, #tpu.memory_space<hbm>>) dst(%arg19 : memref<40x128xf32, #tpu.memory_space<vmem>>)
    %dma_wait3A_165 = arith.constant 0 : i32
    %dma_wait3A_166 = arith.constant 0 : i32
    %dma_wait3A_167 = tpu.memref_slice %arg4[%dma_wait3A_165, %dma_wait3A_166] : memref<10000x128xf32, #tpu.memory_space<hbm>> -> memref<10000x128xf32, #tpu.memory_space<hbm>>
    tpu.wait_indirect_dma semaphore(%arg30 : memref<!tpu.dma_semaphore, #tpu.memory_space<semaphore_mem>>) src(%dma_wait3A_167 : memref<10000x128xf32, #tpu.memory_space<hbm>>) dst(%arg21 : memref<40x128xf32, #tpu.memory_space<vmem>>)
    %dma_wait3A_168 = arith.constant 0 : i32
    %dma_wait3A_169 = tpu.memref_slice %arg2[%mul3A_161, %dma_wait3A_168] : memref<320000x64xi32, #tpu.memory_space<hbm>> -> memref<40x64xi32, #tpu.memory_space<hbm>>
    %dma_wait3A_170 = arith.constant 0 : i32
    %dma_wait3A_171 = tpu.memref_slice %arg2[%mul3A_161, %dma_wait3A_170] : memref<320000x64xi32, #tpu.memory_space<hbm>> -> memref<40x64xi32, #tpu.memory_space<hbm>>
    tpu.wait_dma2 semaphore(%arg30 : memref<!tpu.dma_semaphore, #tpu.memory_space<semaphore_mem>>) src(%dma_wait3A_171 : memref<40x64xi32, #tpu.memory_space<hbm>>) dst(%arg23 : memref<40x64xi32, #tpu.memory_space<vmem>>)
    %broadcast_in_dim3A_172 = arith.constant -65536 : i32
    %broadcast_in_dim3A_173 = vector.broadcast %broadcast_in_dim3A_172 : i32 to vector<16xi32>
    %scan3A_174 = arith.constant 0 : i32
    %scan3A_175 = arith.constant 0 : i32
    %scan3A_176 = arith.constant 40 : i32
    %scan3A_177 = arith.addi %scan3A_175, %scan3A_176 : i32
    %scan3A_178 = arith.constant 1 : i32
    scf.for %scan3A_212 = %scan3A_175 to %scan3A_177 step %scan3A_178  : i32 {
      %get3A = arith.index_cast %scan3A_212 : i32 to index
      %get3A_213 = arith.constant 0 : index
      %get3A_214 = tpu.vector_load %arg23[%get3A, %get3A_213] {strides = array<i32>} : memref<40x64xi32, #tpu.memory_space<vmem>>, vector<1x16xi32>,
      %get3A_215 = vector.shape_cast %get3A_214 : vector<1x16xi32> to vector<16xi32>
      %shift_left3A = arith.constant 16 : i32
      %shift_left3A_216 = vector.broadcast %shift_left3A : i32 to vector<16xi32>
      %shift_left3A_217 = arith.shli %get3A_215, %shift_left3A_216 : vector<16xi32>
      %bitcast_convert_type3A = tpu.bitcast %shift_left3A_217 : vector<16xi32> -> vector<16xf32>
      %and3A = arith.andi %get3A_215, %broadcast_in_dim3A_173 : vector<16xi32>
      %bitcast_convert_type3A_218 = tpu.bitcast %and3A : vector<16xi32> -> vector<16xf32>
      %get3A_219 = arith.index_cast %scan3A_212 : i32 to index
      %get3A_220 = arith.constant 0 : index
      %get3A_221 = tpu.vector_load %arg19[%get3A_219, %get3A_220] {strides = array<i32>} : memref<40x128xf32, #tpu.memory_space<vmem>>, vector<1x16xf32>,
      %get3A_222 = vector.shape_cast %get3A_221 : vector<1x16xf32> to vector<16xf32>
      %get3A_223 = arith.index_cast %scan3A_212 : i32 to index
      %get3A_224 = arith.constant 0 : index
      %get3A_225 = tpu.vector_load %arg21[%get3A_223, %get3A_224] {strides = array<i32>} : memref<40x128xf32, #tpu.memory_space<vmem>>, vector<1x16xf32>,
      %get3A_226 = vector.shape_cast %get3A_225 : vector<1x16xf32> to vector<16xf32>
      %add3A_227 = arith.addf %get3A_222, %get3A_226 : vector<16xf32>
      %add3A_228 = arith.addf %add3A_227, %bitcast_convert_type3A : vector<16xf32>
      %swap3A = arith.index_cast %scan3A_212 : i32 to index
      %swap3A_229 = arith.constant 0 : index
      %swap3A_230 = tpu.vector_load %arg19[%swap3A, %swap3A_229] {strides = array<i32>} : memref<40x128xf32, #tpu.memory_space<vmem>>, vector<1x16xf32>,
      %swap3A_231 = vector.shape_cast %swap3A_230 : vector<1x16xf32> to vector<16xf32>
      %swap3A_232 = vector.shape_cast %add3A_228 : vector<16xf32> to vector<1x16xf32>
      tpu.vector_store %arg19[%swap3A, %swap3A_229], %swap3A_232 {strides = array<i32>} : memref<40x128xf32, #tpu.memory_space<vmem>>, vector<1x16xf32>,
      %get3A_233 = arith.index_cast %scan3A_212 : i32 to index
      %get3A_234 = arith.constant 16 : index
      %get3A_235 = tpu.vector_load %arg19[%get3A_233, %get3A_234] {strides = array<i32>} : memref<40x128xf32, #tpu.memory_space<vmem>>, vector<1x16xf32>,
      %get3A_236 = vector.shape_cast %get3A_235 : vector<1x16xf32> to vector<16xf32>
      %get3A_237 = arith.index_cast %scan3A_212 : i32 to index
      %get3A_238 = arith.constant 16 : index
      %get3A_239 = tpu.vector_load %arg21[%get3A_237, %get3A_238] {strides = array<i32>} : memref<40x128xf32, #tpu.memory_space<vmem>>, vector<1x16xf32>,
      %get3A_240 = vector.shape_cast %get3A_239 : vector<1x16xf32> to vector<16xf32>
      %add3A_241 = arith.addf %get3A_236, %get3A_240 : vector<16xf32>
      %add3A_242 = arith.addf %add3A_241, %bitcast_convert_type3A_218 : vector<16xf32>
      %swap3A_243 = arith.index_cast %scan3A_212 : i32 to index
      %swap3A_244 = arith.constant 16 : index
      %swap3A_245 = tpu.vector_load %arg19[%swap3A_243, %swap3A_244] {strides = array<i32>} : memref<40x128xf32, #tpu.memory_space<vmem>>, vector<1x16xf32>,
      %swap3A_246 = vector.shape_cast %swap3A_245 : vector<1x16xf32> to vector<16xf32>
      %swap3A_247 = vector.shape_cast %add3A_242 : vector<16xf32> to vector<1x16xf32>
      tpu.vector_store %arg19[%swap3A_243, %swap3A_244], %swap3A_247 {strides = array<i32>} : memref<40x128xf32, #tpu.memory_space<vmem>>, vector<1x16xf32>,
      %get3A_248 = arith.index_cast %scan3A_212 : i32 to index
      %get3A_249 = arith.constant 16 : index
      %get3A_250 = tpu.vector_load %arg23[%get3A_248, %get3A_249] {strides = array<i32>} : memref<40x64xi32, #tpu.memory_space<vmem>>, vector<1x16xi32>,
      %get3A_251 = vector.shape_cast %get3A_250 : vector<1x16xi32> to vector<16xi32>
      %shift_left3A_252 = arith.constant 16 : i32
      %shift_left3A_253 = vector.broadcast %shift_left3A_252 : i32 to vector<16xi32>
      %shift_left3A_254 = arith.shli %get3A_251, %shift_left3A_253 : vector<16xi32>
      %bitcast_convert_type3A_255 = tpu.bitcast %shift_left3A_254 : vector<16xi32> -> vector<16xf32>
      %and3A_256 = arith.andi %get3A_251, %broadcast_in_dim3A_173 : vector<16xi32>
      %bitcast_convert_type3A_257 = tpu.bitcast %and3A_256 : vector<16xi32> -> vector<16xf32>
      %get3A_258 = arith.index_cast %scan3A_212 : i32 to index
      %get3A_259 = arith.constant 32 : index
      %get3A_260 = tpu.vector_load %arg19[%get3A_258, %get3A_259] {strides = array<i32>} : memref<40x128xf32, #tpu.memory_space<vmem>>, vector<1x16xf32>,
      %get3A_261 = vector.shape_cast %get3A_260 : vector<1x16xf32> to vector<16xf32>
      %get3A_262 = arith.index_cast %scan3A_212 : i32 to index
      %get3A_263 = arith.constant 32 : index
      %get3A_264 = tpu.vector_load %arg21[%get3A_262, %get3A_263] {strides = array<i32>} : memref<40x128xf32, #tpu.memory_space<vmem>>, vector<1x16xf32>,
      %get3A_265 = vector.shape_cast %get3A_264 : vector<1x16xf32> to vector<16xf32>
      %add3A_266 = arith.addf %get3A_261, %get3A_265 : vector<16xf32>
      %add3A_267 = arith.addf %add3A_266, %bitcast_convert_type3A_255 : vector<16xf32>
      %swap3A_268 = arith.index_cast %scan3A_212 : i32 to index
      %swap3A_269 = arith.constant 32 : index
      %swap3A_270 = tpu.vector_load %arg19[%swap3A_268, %swap3A_269] {strides = array<i32>} : memref<40x128xf32, #tpu.memory_space<vmem>>, vector<1x16xf32>,
      %swap3A_271 = vector.shape_cast %swap3A_270 : vector<1x16xf32> to vector<16xf32>
      %swap3A_272 = vector.shape_cast %add3A_267 : vector<16xf32> to vector<1x16xf32>
      tpu.vector_store %arg19[%swap3A_268, %swap3A_269], %swap3A_272 {strides = array<i32>} : memref<40x128xf32, #tpu.memory_space<vmem>>, vector<1x16xf32>,
      %get3A_273 = arith.index_cast %scan3A_212 : i32 to index
      %get3A_274 = arith.constant 48 : index
      %get3A_275 = tpu.vector_load %arg19[%get3A_273, %get3A_274] {strides = array<i32>} : memref<40x128xf32, #tpu.memory_space<vmem>>, vector<1x16xf32>,
      %get3A_276 = vector.shape_cast %get3A_275 : vector<1x16xf32> to vector<16xf32>
      %get3A_277 = arith.index_cast %scan3A_212 : i32 to index
      %get3A_278 = arith.constant 48 : index
      %get3A_279 = tpu.vector_load %arg21[%get3A_277, %get3A_278] {strides = array<i32>} : memref<40x128xf32, #tpu.memory_space<vmem>>, vector<1x16xf32>,
      %get3A_280 = vector.shape_cast %get3A_279 : vector<1x16xf32> to vector<16xf32>
      %add3A_281 = arith.addf %get3A_276, %get3A_280 : vector<16xf32>
      %add3A_282 = arith.addf %add3A_281, %bitcast_convert_type3A_257 : vector<16xf32>
      %swap3A_283 = arith.index_cast %scan3A_212 : i32 to index
      %swap3A_284 = arith.constant 48 : index
      %swap3A_285 = tpu.vector_load %arg19[%swap3A_283, %swap3A_284] {strides = array<i32>} : memref<40x128xf32, #tpu.memory_space<vmem>>, vector<1x16xf32>,
      %swap3A_286 = vector.shape_cast %swap3A_285 : vector<1x16xf32> to vector<16xf32>
      %swap3A_287 = vector.shape_cast %add3A_282 : vector<16xf32> to vector<1x16xf32>
      tpu.vector_store %arg19[%swap3A_283, %swap3A_284], %swap3A_287 {strides = array<i32>} : memref<40x128xf32, #tpu.memory_space<vmem>>, vector<1x16xf32>,
      %get3A_288 = arith.index_cast %scan3A_212 : i32 to index
      %get3A_289 = arith.constant 32 : index
      %get3A_290 = tpu.vector_load %arg23[%get3A_288, %get3A_289] {strides = array<i32>} : memref<40x64xi32, #tpu.memory_space<vmem>>, vector<1x16xi32>,
      %get3A_291 = vector.shape_cast %get3A_290 : vector<1x16xi32> to vector<16xi32>
      %shift_left3A_292 = arith.constant 16 : i32
      %shift_left3A_293 = vector.broadcast %shift_left3A_292 : i32 to vector<16xi32>
      %shift_left3A_294 = arith.shli %get3A_291, %shift_left3A_293 : vector<16xi32>
      %bitcast_convert_type3A_295 = tpu.bitcast %shift_left3A_294 : vector<16xi32> -> vector<16xf32>
      %and3A_296 = arith.andi %get3A_291, %broadcast_in_dim3A_173 : vector<16xi32>
      %bitcast_convert_type3A_297 = tpu.bitcast %and3A_296 : vector<16xi32> -> vector<16xf32>
      %get3A_298 = arith.index_cast %scan3A_212 : i32 to index
      %get3A_299 = arith.constant 64 : index
      %get3A_300 = tpu.vector_load %arg19[%get3A_298, %get3A_299] {strides = array<i32>} : memref<40x128xf32, #tpu.memory_space<vmem>>, vector<1x16xf32>,
      %get3A_301 = vector.shape_cast %get3A_300 : vector<1x16xf32> to vector<16xf32>
      %get3A_302 = arith.index_cast %scan3A_212 : i32 to index
      %get3A_303 = arith.constant 64 : index
      %get3A_304 = tpu.vector_load %arg21[%get3A_302, %get3A_303] {strides = array<i32>} : memref<40x128xf32, #tpu.memory_space<vmem>>, vector<1x16xf32>,
      %get3A_305 = vector.shape_cast %get3A_304 : vector<1x16xf32> to vector<16xf32>
      %add3A_306 = arith.addf %get3A_301, %get3A_305 : vector<16xf32>
      %add3A_307 = arith.addf %add3A_306, %bitcast_convert_type3A_295 : vector<16xf32>
      %swap3A_308 = arith.index_cast %scan3A_212 : i32 to index
      %swap3A_309 = arith.constant 64 : index
      %swap3A_310 = tpu.vector_load %arg19[%swap3A_308, %swap3A_309] {strides = array<i32>} : memref<40x128xf32, #tpu.memory_space<vmem>>, vector<1x16xf32>,
      %swap3A_311 = vector.shape_cast %swap3A_310 : vector<1x16xf32> to vector<16xf32>
      %swap3A_312 = vector.shape_cast %add3A_307 : vector<16xf32> to vector<1x16xf32>
      tpu.vector_store %arg19[%swap3A_308, %swap3A_309], %swap3A_312 {strides = array<i32>} : memref<40x128xf32, #tpu.memory_space<vmem>>, vector<1x16xf32>,
      %get3A_313 = arith.index_cast %scan3A_212 : i32 to index
      %get3A_314 = arith.constant 80 : index
      %get3A_315 = tpu.vector_load %arg19[%get3A_313, %get3A_314] {strides = array<i32>} : memref<40x128xf32, #tpu.memory_space<vmem>>, vector<1x16xf32>,
      %get3A_316 = vector.shape_cast %get3A_315 : vector<1x16xf32> to vector<16xf32>
      %get3A_317 = arith.index_cast %scan3A_212 : i32 to index
      %get3A_318 = arith.constant 80 : index
      %get3A_319 = tpu.vector_load %arg21[%get3A_317, %get3A_318] {strides = array<i32>} : memref<40x128xf32, #tpu.memory_space<vmem>>, vector<1x16xf32>,
      %get3A_320 = vector.shape_cast %get3A_319 : vector<1x16xf32> to vector<16xf32>
      %add3A_321 = arith.addf %get3A_316, %get3A_320 : vector<16xf32>
      %add3A_322 = arith.addf %add3A_321, %bitcast_convert_type3A_297 : vector<16xf32>
      %swap3A_323 = arith.index_cast %scan3A_212 : i32 to index
      %swap3A_324 = arith.constant 80 : index
      %swap3A_325 = tpu.vector_load %arg19[%swap3A_323, %swap3A_324] {strides = array<i32>} : memref<40x128xf32, #tpu.memory_space<vmem>>, vector<1x16xf32>,
      %swap3A_326 = vector.shape_cast %swap3A_325 : vector<1x16xf32> to vector<16xf32>
      %swap3A_327 = vector.shape_cast %add3A_322 : vector<16xf32> to vector<1x16xf32>
      tpu.vector_store %arg19[%swap3A_323, %swap3A_324], %swap3A_327 {strides = array<i32>} : memref<40x128xf32, #tpu.memory_space<vmem>>, vector<1x16xf32>,
      %get3A_328 = arith.index_cast %scan3A_212 : i32 to index
      %get3A_329 = arith.constant 48 : index
      %get3A_330 = tpu.vector_load %arg23[%get3A_328, %get3A_329] {strides = array<i32>} : memref<40x64xi32, #tpu.memory_space<vmem>>, vector<1x16xi32>,
      %get3A_331 = vector.shape_cast %get3A_330 : vector<1x16xi32> to vector<16xi32>
      %shift_left3A_332 = arith.constant 16 : i32
      %shift_left3A_333 = vector.broadcast %shift_left3A_332 : i32 to vector<16xi32>
      %shift_left3A_334 = arith.shli %get3A_331, %shift_left3A_333 : vector<16xi32>
      %bitcast_convert_type3A_335 = tpu.bitcast %shift_left3A_334 : vector<16xi32> -> vector<16xf32>
      %and3A_336 = arith.andi %get3A_331, %broadcast_in_dim3A_173 : vector<16xi32>
      %bitcast_convert_type3A_337 = tpu.bitcast %and3A_336 : vector<16xi32> -> vector<16xf32>
      %get3A_338 = arith.index_cast %scan3A_212 : i32 to index
      %get3A_339 = arith.constant 96 : index
      %get3A_340 = tpu.vector_load %arg19[%get3A_338, %get3A_339] {strides = array<i32>} : memref<40x128xf32, #tpu.memory_space<vmem>>, vector<1x16xf32>,
      %get3A_341 = vector.shape_cast %get3A_340 : vector<1x16xf32> to vector<16xf32>
      %get3A_342 = arith.index_cast %scan3A_212 : i32 to index
      %get3A_343 = arith.constant 96 : index
      %get3A_344 = tpu.vector_load %arg21[%get3A_342, %get3A_343] {strides = array<i32>} : memref<40x128xf32, #tpu.memory_space<vmem>>, vector<1x16xf32>,
      %get3A_345 = vector.shape_cast %get3A_344 : vector<1x16xf32> to vector<16xf32>
      %add3A_346 = arith.addf %get3A_341, %get3A_345 : vector<16xf32>
      %add3A_347 = arith.addf %add3A_346, %bitcast_convert_type3A_335 : vector<16xf32>
      %swap3A_348 = arith.index_cast %scan3A_212 : i32 to index
      %swap3A_349 = arith.constant 96 : index
      %swap3A_350 = tpu.vector_load %arg19[%swap3A_348, %swap3A_349] {strides = array<i32>} : memref<40x128xf32, #tpu.memory_space<vmem>>, vector<1x16xf32>,
      %swap3A_351 = vector.shape_cast %swap3A_350 : vector<1x16xf32> to vector<16xf32>
      %swap3A_352 = vector.shape_cast %add3A_347 : vector<16xf32> to vector<1x16xf32>
      tpu.vector_store %arg19[%swap3A_348, %swap3A_349], %swap3A_352 {strides = array<i32>} : memref<40x128xf32, #tpu.memory_space<vmem>>, vector<1x16xf32>,
      %get3A_353 = arith.index_cast %scan3A_212 : i32 to index
      %get3A_354 = arith.constant 112 : index
      %get3A_355 = tpu.vector_load %arg19[%get3A_353, %get3A_354] {strides = array<i32>} : memref<40x128xf32, #tpu.memory_space<vmem>>, vector<1x16xf32>,
      %get3A_356 = vector.shape_cast %get3A_355 : vector<1x16xf32> to vector<16xf32>
      %get3A_357 = arith.index_cast %scan3A_212 : i32 to index
      %get3A_358 = arith.constant 112 : index
      %get3A_359 = tpu.vector_load %arg21[%get3A_357, %get3A_358] {strides = array<i32>} : memref<40x128xf32, #tpu.memory_space<vmem>>, vector<1x16xf32>,
      %get3A_360 = vector.shape_cast %get3A_359 : vector<1x16xf32> to vector<16xf32>
      %add3A_361 = arith.addf %get3A_356, %get3A_360 : vector<16xf32>
      %add3A_362 = arith.addf %add3A_361, %bitcast_convert_type3A_337 : vector<16xf32>
      %swap3A_363 = arith.index_cast %scan3A_212 : i32 to index
      %swap3A_364 = arith.constant 112 : index
      %swap3A_365 = tpu.vector_load %arg19[%swap3A_363, %swap3A_364] {strides = array<i32>} : memref<40x128xf32, #tpu.memory_space<vmem>>, vector<1x16xf32>,
      %swap3A_366 = vector.shape_cast %swap3A_365 : vector<1x16xf32> to vector<16xf32>
      %swap3A_367 = vector.shape_cast %add3A_362 : vector<16xf32> to vector<1x16xf32>
      tpu.vector_store %arg19[%swap3A_363, %swap3A_364], %swap3A_367 {strides = array<i32>} : memref<40x128xf32, #tpu.memory_space<vmem>>, vector<1x16xf32>,
    }
    %scan3A_179 = arith.constant 40 : i32
    %mul3A_180 = arith.constant 250 : i32
    %mul3A_181 = arith.muli %add3A, %mul3A_180 : i32
    %add3A_182 = arith.constant 249 : i32
    %add3A_183 = arith.addi %mul3A_181, %add3A_182 : i32
    %mul3A_184 = arith.constant 40 : i32
    %mul3A_185 = arith.muli %add3A_183, %mul3A_184 : i32
    %dma_start3A_186 = arith.constant 0 : i32
    %dma_start3A_187 = tpu.memref_slice %arg8[%mul3A_185, %dma_start3A_186] : memref<320000x128xf32, #tpu.memory_space<hbm>> -> memref<40x128xf32, #tpu.memory_space<hbm>>
    %dma_start3A_188 = arith.constant 0 : i32
    %dma_start3A_189 = tpu.memref_slice %arg8[%mul3A_185, %dma_start3A_188] : memref<320000x128xf32, #tpu.memory_space<hbm>> -> memref<40x128xf32, #tpu.memory_space<hbm>>
    tpu.enqueue_dma source(%arg19 : memref<40x128xf32, #tpu.memory_space<vmem>>) target(%dma_start3A_189 : memref<40x128xf32, #tpu.memory_space<hbm>>) target_semaphore(%arg32 : memref<!tpu.dma_semaphore, #tpu.memory_space<semaphore_mem>>)
    %dma_start3A_190 = arith.constant 0 : i32
    %dma_start3A_191 = arith.constant 0 : i32
    %dma_start3A_192 = tpu.memref_slice %arg24[%dma_start3A_190, %dma_start3A_191] : memref<10000x128xf32, #tpu.memory_space<vmem_shared>> -> memref<10000x128xf32, #tpu.memory_space<vmem_shared>>
    tpu.enqueue_indirect_dma source(%arg19 : memref<40x128xf32, #tpu.memory_space<vmem>>) target(%dma_start3A_192 : memref<10000x128xf32, #tpu.memory_space<vmem_shared>>) offsets(%arg15 : memref<40xi32, #tpu.memory_space<vmem>>) semaphore(%arg34 : memref<!tpu.dma_semaphore, #tpu.memory_space<semaphore_mem>>) {add = true}
    %mul3A_193 = arith.constant 250 : i32
    %mul3A_194 = arith.muli %add3A, %mul3A_193 : i32
    %add3A_195 = arith.constant 249 : i32
    %add3A_196 = arith.addi %mul3A_194, %add3A_195 : i32
    %mul3A_197 = arith.constant 40 : i32
    %mul3A_198 = arith.muli %add3A_196, %mul3A_197 : i32
    %dma_wait3A_199 = arith.constant 0 : i32
    %dma_wait3A_200 = tpu.memref_slice %arg8[%mul3A_198, %dma_wait3A_199] : memref<320000x128xf32, #tpu.memory_space<hbm>> -> memref<40x128xf32, #tpu.memory_space<hbm>>
    %dma_wait3A_201 = arith.constant 0 : i32
    %dma_wait3A_202 = tpu.memref_slice %arg8[%mul3A_198, %dma_wait3A_201] : memref<320000x128xf32, #tpu.memory_space<hbm>> -> memref<40x128xf32, #tpu.memory_space<hbm>>
    tpu.wait_dma2 semaphore(%arg32 : memref<!tpu.dma_semaphore, #tpu.memory_space<semaphore_mem>>) src(%arg19 : memref<40x128xf32, #tpu.memory_space<vmem>>) dst(%dma_wait3A_202 : memref<40x128xf32, #tpu.memory_space<hbm>>)
    %dma_wait3A_203 = arith.constant 0 : i32
    %dma_wait3A_204 = arith.constant 0 : i32
    %dma_wait3A_205 = tpu.memref_slice %arg24[%dma_wait3A_203, %dma_wait3A_204] : memref<10000x128xf32, #tpu.memory_space<vmem_shared>> -> memref<10000x128xf32, #tpu.memory_space<vmem_shared>>
    tpu.wait_indirect_dma semaphore(%arg34 : memref<!tpu.dma_semaphore, #tpu.memory_space<semaphore_mem>>) src(%arg19 : memref<40x128xf32, #tpu.memory_space<vmem>>) dst(%dma_wait3A_205 : memref<10000x128xf32, #tpu.memory_space<vmem_shared>>)
    %barrier3A_206 = arith.constant 0 : index
    tpu.barrier barrier_id(%barrier3A_206)
    %eq3A_207 = arith.constant 0 : i32
    %eq3A_208 = arith.cmpi eq, %arg1, %eq3A_207 : i32
    %convert_element_type3A_209 = arith.extui %eq3A_208 : i1 to i32
    %cond3A_210 = arith.constant 0 : i32
    %cond3A_211 = arith.cmpi ne, %convert_element_type3A_209, %cond3A_210 : i32
    scf.if %cond3A_211 {
      "tpu.region"() ({
        %run_scoped3A = tpu.sem_alloc : memref<!tpu.dma_semaphore, #tpu.memory_space<semaphore_mem>>
        %dma_start3A_212 = arith.constant 0 : i32
        %dma_start3A_213 = arith.constant 0 : i32
        %dma_start3A_214 = tpu.memref_slice %arg9[%arg0, %dma_start3A_212, %dma_start3A_213] : memref<2x10000x128xf32, #tpu.memory_space<hbm>> -> memref<1x10000x128xf32, #tpu.memory_space<hbm>>
        %dma_start3A_215 = tpu.memref_squeeze %dma_start3A_214 : memref<1x10000x128xf32, #tpu.memory_space<hbm>> -> memref<10000x128xf32, #tpu.memory_space<hbm>>
        tpu.enqueue_dma source(%arg24 : memref<10000x128xf32, #tpu.memory_space<vmem_shared>>) target(%dma_start3A_215 : memref<10000x128xf32, #tpu.memory_space<hbm>>) target_semaphore(%run_scoped3A : memref<!tpu.dma_semaphore, #tpu.memory_space<semaphore_mem>>)
        %dma_wait3A_216 = arith.constant 0 : i32
        %dma_wait3A_217 = arith.constant 0 : i32
        %dma_wait3A_218 = tpu.memref_slice %arg9[%arg0, %dma_wait3A_216, %dma_wait3A_217] : memref<2x10000x128xf32, #tpu.memory_space<hbm>> -> memref<1x10000x128xf32, #tpu.memory_space<hbm>>
        %dma_wait3A_219 = tpu.memref_squeeze %dma_wait3A_218 : memref<1x10000x128xf32, #tpu.memory_space<hbm>> -> memref<10000x128xf32, #tpu.memory_space<hbm>>
        tpu.wait_dma2 semaphore(%run_scoped3A : memref<!tpu.dma_semaphore, #tpu.memory_space<semaphore_mem>>) src(%arg24 : memref<10000x128xf32, #tpu.memory_space<vmem_shared>>) dst(%dma_wait3A_219 : memref<10000x128xf32, #tpu.memory_space<hbm>>)
        tpu.yield
      }) : () -> ()
    } else {
    }
    return
  }
}

module attributes {stable_mosaic.version = 14 : i64} {
  func.func @_ebase_body(%arg0: i32, %arg1: memref<8000x16xf32, #tpu.memory_space<vmem>>, %arg2: memref<16x64xf32, #tpu.memory_space<vmem>>, %arg3: memref<16x64xf32, #tpu.memory_space<vmem>>, %arg4: memref<8000x64xi32, #tpu.memory_space<vmem>>) attributes {dimension_semantics = [#tpu.dimension_semantics<arbitrary>], iteration_bounds = array<i64: 40>, scalar_prefetch = 0 : i64, scratch_operands = 0 : i64, tpu.core_type = #tpu.core_type<tc>, window_params = [{transform_indices = @transform_0, window_bounds = array<i64: 8000, 16>}, {pipeline_mode = #tpu.pipeline_mode<synchronous>, transform_indices = @transform_1, window_bounds = array<i64: 16, 64>}, {pipeline_mode = #tpu.pipeline_mode<synchronous>, transform_indices = @transform_2, window_bounds = array<i64: 16, 64>}, {transform_indices = @transform_3, window_bounds = array<i64: 8000, 64>}]} {
    %get3A = arith.constant 0 : index
    %get3A_0 = arith.constant 0 : index
    %get3A_1 = vector.load %arg1[%get3A, %get3A_0] : memref<8000x16xf32, #tpu.memory_space<vmem>>, vector<8000x16xf32>
    %get3A_2 = arith.constant 0 : index
    %get3A_3 = arith.constant 0 : index
    %get3A_4 = vector.load %arg2[%get3A_2, %get3A_3] : memref<16x64xf32, #tpu.memory_space<vmem>>, vector<16x64xf32>
    %dot_general3A = arith.constant dense<0.000000e+00> : vector<8000x64xf32>
    %dot_general3A_5 = tpu.matmul %get3A_1, %get3A_4, %dot_general3A {dimension_numbers = #tpu.dot_dimension_numbers<[1], [0], [0], [1], [0, 0, 1, 1], [], []>, transpose_lhs_hint = false} : vector<8000x16xf32>, vector<16x64xf32>, vector<8000x64xf32> -> vector<8000x64xf32>
    %get3A_6 = arith.constant 0 : index
    %get3A_7 = arith.constant 0 : index
    %get3A_8 = vector.load %arg3[%get3A_6, %get3A_7] : memref<16x64xf32, #tpu.memory_space<vmem>>, vector<16x64xf32>
    %dot_general3A_9 = arith.constant dense<0.000000e+00> : vector<8000x64xf32>
    %dot_general3A_10 = tpu.matmul %get3A_1, %get3A_8, %dot_general3A_9 {dimension_numbers = #tpu.dot_dimension_numbers<[1], [0], [0], [1], [0, 0, 1, 1], [], []>, transpose_lhs_hint = false} : vector<8000x16xf32>, vector<16x64xf32>, vector<8000x64xf32> -> vector<8000x64xf32>
    %bitcast_convert_type3A = tpu.bitcast %dot_general3A_5 : vector<8000x64xf32> -> vector<8000x64xi32>
    %add3A = arith.constant 32768 : i32
    %add3A_11 = vector.broadcast %add3A : i32 to vector<8000x64xi32>
    %add3A_12 = arith.addi %bitcast_convert_type3A, %add3A_11 : vector<8000x64xi32>
    %and3A = arith.constant -65536 : i32
    %and3A_13 = vector.broadcast %and3A : i32 to vector<8000x64xi32>
    %and3A_14 = arith.andi %add3A_12, %and3A_13 : vector<8000x64xi32>
    %bitcast_convert_type3A_15 = tpu.bitcast %dot_general3A_10 : vector<8000x64xf32> -> vector<8000x64xi32>
    %add3A_16 = arith.constant 32768 : i32
    %add3A_17 = vector.broadcast %add3A_16 : i32 to vector<8000x64xi32>
    %add3A_18 = arith.addi %bitcast_convert_type3A_15, %add3A_17 : vector<8000x64xi32>
    %and3A_19 = arith.constant -65536 : i32
    %and3A_20 = vector.broadcast %and3A_19 : i32 to vector<8000x64xi32>
    %and3A_21 = arith.andi %add3A_18, %and3A_20 : vector<8000x64xi32>
    %shift_right_logical3A = arith.constant 16 : i32
    %shift_right_logical3A_22 = vector.broadcast %shift_right_logical3A : i32 to vector<8000x64xi32>
    %shift_right_logical3A_23 = arith.shrui %and3A_14, %shift_right_logical3A_22 : vector<8000x64xi32>
    %or3A = arith.ori %and3A_21, %shift_right_logical3A_23 : vector<8000x64xi32>
    %bitcast_convert_type3A_24 = tpu.bitcast %or3A : vector<8000x64xi32> -> vector<8000x64xi32>
    %swap3A = arith.constant 0 : index
    %swap3A_25 = arith.constant 0 : index
    %swap3A_26 = vector.load %arg4[%swap3A, %swap3A_25] : memref<8000x64xi32, #tpu.memory_space<vmem>>, vector<8000x64xi32>
    tpu.vector_store %arg4[%swap3A, %swap3A_25], %bitcast_convert_type3A_24 {strides = array<i32>} : memref<8000x64xi32, #tpu.memory_space<vmem>>, vector<8000x64xi32>,
    return
  }
  func.func @transform_0(%arg0: i32) -> (i32, i32) {
    %c0_i32 = arith.constant 0 : i32
    %c0_i32_0 = arith.constant 0 : i32
    return %arg0, %c0_i32 : i32, i32
  }
  func.func @transform_1(%arg0: i32) -> (i32, i32) {
    %c0_i32 = arith.constant 0 : i32
    %c0_i32_0 = arith.constant 0 : i32
    %c0_i32_1 = arith.constant 0 : i32
    return %c0_i32, %c0_i32_0 : i32, i32
  }
  func.func @transform_2(%arg0: i32) -> (i32, i32) {
    %c0_i32 = arith.constant 0 : i32
    %c0_i32_0 = arith.constant 0 : i32
    %c0_i32_1 = arith.constant 0 : i32
    return %c0_i32, %c0_i32_0 : i32, i32
  }
  func.func @transform_3(%arg0: i32) -> (i32, i32) {
    %c0_i32 = arith.constant 0 : i32
    %c0_i32_0 = arith.constant 0 : i32
    return %arg0, %c0_i32 : i32, i32
  }
}

module attributes {stable_mosaic.version = 14 : i64} {
  func.func @_tables_body(%arg0: memref<10000x128xf32, #tpu.memory_space<vmem>>, %arg1: memref<128x128xf32, #tpu.memory_space<vmem>>, %arg2: memref<128x128xf32, #tpu.memory_space<vmem>>, %arg3: memref<1x32xf32, #tpu.memory_space<vmem>>, %arg4: memref<32x128xf32, #tpu.memory_space<vmem>>, %arg5: memref<1x128xf32, #tpu.memory_space<vmem>>, %arg6: memref<10000x128xf32, #tpu.memory_space<vmem>>, %arg7: memref<10000x128xf32, #tpu.memory_space<vmem>>) attributes {dimension_semantics = [], scalar_prefetch = 0 : i64, scratch_operands = 0 : i64, tpu.core_type = #tpu.core_type<tc>} {
    %get3A = arith.constant 0 : index
    %get3A_0 = arith.constant 0 : index
    %get3A_1 = vector.load %arg0[%get3A, %get3A_0] : memref<10000x128xf32, #tpu.memory_space<vmem>>, vector<10000x128xf32>
    %get3A_2 = arith.constant 0 : index
    %get3A_3 = arith.constant 0 : index
    %get3A_4 = vector.load %arg1[%get3A_2, %get3A_3] : memref<128x128xf32, #tpu.memory_space<vmem>>, vector<128x128xf32>
    %dot_general3A = arith.constant dense<0.000000e+00> : vector<10000x128xf32>
    %dot_general3A_5 = tpu.matmul %get3A_1, %get3A_4, %dot_general3A {dimension_numbers = #tpu.dot_dimension_numbers<[1], [0], [0], [1], [0, 0, 1, 1], [], []>, transpose_lhs_hint = false} : vector<10000x128xf32>, vector<128x128xf32>, vector<10000x128xf32> -> vector<10000x128xf32>
    %swap3A = arith.constant 0 : index
    %swap3A_6 = arith.constant 0 : index
    %swap3A_7 = vector.load %arg6[%swap3A, %swap3A_6] : memref<10000x128xf32, #tpu.memory_space<vmem>>, vector<10000x128xf32>
    tpu.vector_store %arg6[%swap3A, %swap3A_6], %dot_general3A_5 {strides = array<i32>} : memref<10000x128xf32, #tpu.memory_space<vmem>>, vector<10000x128xf32>,
    %get3A_8 = arith.constant 0 : index
    %get3A_9 = arith.constant 0 : index
    %get3A_10 = vector.load %arg3[%get3A_8, %get3A_9] : memref<1x32xf32, #tpu.memory_space<vmem>>, vector<1x32xf32>
    %get3A_11 = arith.constant 0 : index
    %get3A_12 = arith.constant 0 : index
    %get3A_13 = vector.load %arg4[%get3A_11, %get3A_12] : memref<32x128xf32, #tpu.memory_space<vmem>>, vector<32x128xf32>
    %dot_general3A_14 = arith.constant dense<0.000000e+00> : vector<1x128xf32>
    %dot_general3A_15 = tpu.matmul %get3A_10, %get3A_13, %dot_general3A_14 {dimension_numbers = #tpu.dot_dimension_numbers<[1], [0], [0], [1], [0, 0, 1, 1], [], []>, transpose_lhs_hint = false} : vector<1x32xf32>, vector<32x128xf32>, vector<1x128xf32> -> vector<1x128xf32>
    %get3A_16 = arith.constant 0 : index
    %get3A_17 = arith.constant 0 : index
    %get3A_18 = vector.load %arg5[%get3A_16, %get3A_17] : memref<1x128xf32, #tpu.memory_space<vmem>>, vector<1x128xf32>
    %add3A = arith.addf %dot_general3A_15, %get3A_18 : vector<1x128xf32>
    %get3A_19 = arith.constant 0 : index
    %get3A_20 = arith.constant 0 : index
    %get3A_21 = vector.load %arg2[%get3A_19, %get3A_20] : memref<128x128xf32, #tpu.memory_space<vmem>>, vector<128x128xf32>
    %dot_general3A_22 = arith.constant dense<0.000000e+00> : vector<10000x128xf32>
    %dot_general3A_23 = tpu.matmul %get3A_1, %get3A_21, %dot_general3A_22 {dimension_numbers = #tpu.dot_dimension_numbers<[1], [0], [0], [1], [0, 0, 1, 1], [], []>, transpose_lhs_hint = false} : vector<10000x128xf32>, vector<128x128xf32>, vector<10000x128xf32> -> vector<10000x128xf32>
    %add3A_24 = vector.broadcast %add3A : vector<1x128xf32> to vector<10000x128xf32>
    %add3A_25 = arith.addf %dot_general3A_23, %add3A_24 : vector<10000x128xf32>
    %swap3A_26 = arith.constant 0 : index
    %swap3A_27 = arith.constant 0 : index
    %swap3A_28 = vector.load %arg7[%swap3A_26, %swap3A_27] : memref<10000x128xf32, #tpu.memory_space<vmem>>, vector<10000x128xf32>
    tpu.vector_store %arg7[%swap3A_26, %swap3A_27], %add3A_25 {strides = array<i32>} : memref<10000x128xf32, #tpu.memory_space<vmem>>, vector<10000x128xf32>,
    return
  }
}

module attributes {stable_mosaic.version = 14 : i64} {
  func.func @_final_body(%arg0: memref<2x10000x128xf32, #tpu.memory_space<vmem>>, %arg1: memref<10000x128xf32, #tpu.memory_space<vmem>>, %arg2: memref<1x32xf32, #tpu.memory_space<vmem>>, %arg3: memref<128x128xf32, #tpu.memory_space<vmem>>, %arg4: memref<128x128xf32, #tpu.memory_space<vmem>>, %arg5: memref<32x128xf32, #tpu.memory_space<vmem>>, %arg6: memref<1x128xf32, #tpu.memory_space<vmem>>, %arg7: memref<128x32xf32, #tpu.memory_space<vmem>>, %arg8: memref<128x32xf32, #tpu.memory_space<vmem>>, %arg9: memref<32x32xf32, #tpu.memory_space<vmem>>, %arg10: memref<1x32xf32, #tpu.memory_space<vmem>>, %arg11: memref<10000x128xf32, #tpu.memory_space<vmem>>, %arg12: memref<1x32xf32, #tpu.memory_space<vmem>>) attributes {dimension_semantics = [], scalar_prefetch = 0 : i64, scratch_operands = 0 : i64, tpu.core_type = #tpu.core_type<tc>} {
    %get3A = arith.constant 0 : index
    %get3A_0 = arith.constant 0 : index
    %get3A_1 = arith.constant 0 : index
    %get3A_2 = vector.load %arg0[%get3A, %get3A_0, %get3A_1] : memref<2x10000x128xf32, #tpu.memory_space<vmem>>, vector<1x10000x128xf32>
    %get3A_3 = vector.shape_cast %get3A_2 : vector<1x10000x128xf32> to vector<10000x128xf32>
    %get3A_4 = arith.constant 1 : index
    %get3A_5 = arith.constant 0 : index
    %get3A_6 = arith.constant 0 : index
    %get3A_7 = vector.load %arg0[%get3A_4, %get3A_5, %get3A_6] : memref<2x10000x128xf32, #tpu.memory_space<vmem>>, vector<1x10000x128xf32>
    %get3A_8 = vector.shape_cast %get3A_7 : vector<1x10000x128xf32> to vector<10000x128xf32>
    %add3A = arith.addf %get3A_3, %get3A_8 : vector<10000x128xf32>
    %get3A_9 = arith.constant 0 : index
    %get3A_10 = arith.constant 0 : index
    %get3A_11 = vector.load %arg2[%get3A_9, %get3A_10] : memref<1x32xf32, #tpu.memory_space<vmem>>, vector<1x32xf32>
    %get3A_12 = arith.constant 0 : index
    %get3A_13 = arith.constant 0 : index
    %get3A_14 = vector.load %arg3[%get3A_12, %get3A_13] : memref<128x128xf32, #tpu.memory_space<vmem>>, vector<128x128xf32>
    %dot_general3A = arith.constant dense<0.000000e+00> : vector<10000x128xf32>
    %dot_general3A_15 = tpu.matmul %add3A, %get3A_14, %dot_general3A {dimension_numbers = #tpu.dot_dimension_numbers<[1], [0], [0], [1], [0, 0, 1, 1], [], []>, transpose_lhs_hint = false} : vector<10000x128xf32>, vector<128x128xf32>, vector<10000x128xf32> -> vector<10000x128xf32>
    %get3A_16 = arith.constant 0 : index
    %get3A_17 = arith.constant 0 : index
    %get3A_18 = vector.load %arg1[%get3A_16, %get3A_17] : memref<10000x128xf32, #tpu.memory_space<vmem>>, vector<10000x128xf32>
    %get3A_19 = arith.constant 0 : index
    %get3A_20 = arith.constant 0 : index
    %get3A_21 = vector.load %arg4[%get3A_19, %get3A_20] : memref<128x128xf32, #tpu.memory_space<vmem>>, vector<128x128xf32>
    %dot_general3A_22 = arith.constant dense<0.000000e+00> : vector<10000x128xf32>
    %dot_general3A_23 = tpu.matmul %get3A_18, %get3A_21, %dot_general3A_22 {dimension_numbers = #tpu.dot_dimension_numbers<[1], [0], [0], [1], [0, 0, 1, 1], [], []>, transpose_lhs_hint = false} : vector<10000x128xf32>, vector<128x128xf32>, vector<10000x128xf32> -> vector<10000x128xf32>
    %add3A_24 = arith.addf %dot_general3A_15, %dot_general3A_23 : vector<10000x128xf32>
    %get3A_25 = arith.constant 0 : index
    %get3A_26 = arith.constant 0 : index
    %get3A_27 = vector.load %arg5[%get3A_25, %get3A_26] : memref<32x128xf32, #tpu.memory_space<vmem>>, vector<32x128xf32>
    %dot_general3A_28 = arith.constant dense<0.000000e+00> : vector<1x128xf32>
    %dot_general3A_29 = tpu.matmul %get3A_11, %get3A_27, %dot_general3A_28 {dimension_numbers = #tpu.dot_dimension_numbers<[1], [0], [0], [1], [0, 0, 1, 1], [], []>, transpose_lhs_hint = false} : vector<1x32xf32>, vector<32x128xf32>, vector<1x128xf32> -> vector<1x128xf32>
    %add3A_30 = vector.broadcast %dot_general3A_29 : vector<1x128xf32> to vector<10000x128xf32>
    %add3A_31 = arith.addf %add3A_24, %add3A_30 : vector<10000x128xf32>
    %get3A_32 = arith.constant 0 : index
    %get3A_33 = arith.constant 0 : index
    %get3A_34 = vector.load %arg6[%get3A_32, %get3A_33] : memref<1x128xf32, #tpu.memory_space<vmem>>, vector<1x128xf32>
    %add3A_35 = vector.broadcast %get3A_34 : vector<1x128xf32> to vector<10000x128xf32>
    %add3A_36 = arith.addf %add3A_31, %add3A_35 : vector<10000x128xf32>
    %swap3A = arith.constant 0 : index
    %swap3A_37 = arith.constant 0 : index
    %swap3A_38 = vector.load %arg11[%swap3A, %swap3A_37] : memref<10000x128xf32, #tpu.memory_space<vmem>>, vector<10000x128xf32>
    tpu.vector_store %arg11[%swap3A, %swap3A_37], %add3A_36 {strides = array<i32>} : memref<10000x128xf32, #tpu.memory_space<vmem>>, vector<10000x128xf32>,
    %reduce_sum3A = arith.constant dense<0.000000e+00> : vector<128xf32>
    %reduce_sum3A_39 = vector.multi_reduction <add>, %add3A, %reduce_sum3A [0] : vector<10000x128xf32> to vector<128xf32>
    %broadcast_in_dim3A = vector.shape_cast %reduce_sum3A_39 : vector<128xf32> to vector<1x128xf32>
    %reduce_sum3A_40 = arith.constant dense<0.000000e+00> : vector<128xf32>
    %reduce_sum3A_41 = vector.multi_reduction <add>, %add3A_36, %reduce_sum3A_40 [0] : vector<10000x128xf32> to vector<128xf32>
    %broadcast_in_dim3A_42 = vector.shape_cast %reduce_sum3A_41 : vector<128xf32> to vector<1x128xf32>
    %get3A_43 = arith.constant 0 : index
    %get3A_44 = arith.constant 0 : index
    %get3A_45 = vector.load %arg7[%get3A_43, %get3A_44] : memref<128x32xf32, #tpu.memory_space<vmem>>, vector<128x32xf32>
    %dot_general3A_46 = arith.constant dense<0.000000e+00> : vector<1x32xf32>
    %dot_general3A_47 = tpu.matmul %broadcast_in_dim3A, %get3A_45, %dot_general3A_46 {dimension_numbers = #tpu.dot_dimension_numbers<[1], [0], [0], [1], [0, 0, 1, 1], [], []>, transpose_lhs_hint = false} : vector<1x128xf32>, vector<128x32xf32>, vector<1x32xf32> -> vector<1x32xf32>
    %get3A_48 = arith.constant 0 : index
    %get3A_49 = arith.constant 0 : index
    %get3A_50 = vector.load %arg8[%get3A_48, %get3A_49] : memref<128x32xf32, #tpu.memory_space<vmem>>, vector<128x32xf32>
    %dot_general3A_51 = arith.constant dense<0.000000e+00> : vector<1x32xf32>
    %dot_general3A_52 = tpu.matmul %broadcast_in_dim3A_42, %get3A_50, %dot_general3A_51 {dimension_numbers = #tpu.dot_dimension_numbers<[1], [0], [0], [1], [0, 0, 1, 1], [], []>, transpose_lhs_hint = false} : vector<1x128xf32>, vector<128x32xf32>, vector<1x32xf32> -> vector<1x32xf32>
    %add3A_53 = arith.addf %dot_general3A_47, %dot_general3A_52 : vector<1x32xf32>
    %get3A_54 = arith.constant 0 : index
    %get3A_55 = arith.constant 0 : index
    %get3A_56 = vector.load %arg9[%get3A_54, %get3A_55] : memref<32x32xf32, #tpu.memory_space<vmem>>, vector<32x32xf32>
    %dot_general3A_57 = arith.constant dense<0.000000e+00> : vector<1x32xf32>
    %dot_general3A_58 = tpu.matmul %get3A_11, %get3A_56, %dot_general3A_57 {dimension_numbers = #tpu.dot_dimension_numbers<[1], [0], [0], [1], [0, 0, 1, 1], [], []>, transpose_lhs_hint = false} : vector<1x32xf32>, vector<32x32xf32>, vector<1x32xf32> -> vector<1x32xf32>
    %add3A_59 = arith.addf %add3A_53, %dot_general3A_58 : vector<1x32xf32>
    %get3A_60 = arith.constant 0 : index
    %get3A_61 = arith.constant 0 : index
    %get3A_62 = vector.load %arg10[%get3A_60, %get3A_61] : memref<1x32xf32, #tpu.memory_space<vmem>>, vector<1x32xf32>
    %add3A_63 = arith.addf %add3A_59, %get3A_62 : vector<1x32xf32>
    %swap3A_64 = arith.constant 0 : index
    %swap3A_65 = arith.constant 0 : index
    %swap3A_66 = vector.load %arg12[%swap3A_64, %swap3A_65] : memref<1x32xf32, #tpu.memory_space<vmem>>, vector<1x32xf32>
    tpu.vector_store %arg12[%swap3A_64, %swap3A_65], %add3A_63 {strides = array<i32>} : memref<1x32xf32, #tpu.memory_space<vmem>>, vector<1x32xf32>,
    return
  }
}

</mosaic_0001>

<sc_bundles>
// kernel: kernel.6.cloned.1.call-start
scs
__scs_entry_jumppad:
0x0: {  	(pc) =	sbr.rel $0x88, $3  }
0x1: {  	(tag) =	ssettag $0x0;
	lr =	simm.s32 $0x1  }
0x2: {  	[smem:$0x3F97] =	sst lr;
	_ =	strace $0xD0000000  }
0x3: {  	_ = 	snop  }
0x4: {  	_ = 	snop  }
0x5: {  	_ = 	snop  }
0x6: {  	_ = 	snop  }
0x7: {  	_ = 	snop  }
__scs_overlays_trampoline_lowered:
0x8: {  	[smem:$0x3FA6] =	sst s0  }
0x9: {  	[smem:$0x3FA7] =	sst s1  }
0xa: {  	[smem:$0x3FA8] =	sst s2  }
0xb: {  	[smem:$0x3FA9] =	sst s3  }
0xc: {  	[smem:$0x3FAA] =	sst s4  }
0xd: {  	[smem:$0x3FAB] =	sst s5  }
0xe: {  	[smem:$0x3FAC] =	sst s6  }
0xf: {  	[smem:$0x3FAD] =	sst s7  }
0x10: {  	[smem:$0x3FAE] =	sst s8  }
0x11: {  	[smem:$0x3FAF] =	sst s9;
	s0 =	simm.s32 @!p0 $0x0  }
0x12: {  	s1 =	sld [smem:$0x3F95];
	s0 =	simm.s32 @p0 $0x1  }
0x13: {  	[smem:$0x3FB0] =	sst s0;
	s0 =	simm.s32 @!p1 $0x0  }
0x14: {  	s2 =	sld [smem:$0x3F94];
	s0 =	simm.s32 @p1 $0x1  }
0x15: {  	[smem:$0x3FB1] =	sst s0;
	s0 =	simm.s32 @!p2 $0x0  }
0x16: {  	s3 =	sld [smem:$0x3FDB];
	s0 =	simm.s32 @p2 $0x1  }
0x17: {  	s4 =	simm.s32 $0x1BF5;
	[smem:$0x3FB3] =	sst s0  }
0x18: {  	s0 =	sld [smem:$0x3F96];
	_ =	swait.ge [sflag:s4], $0x0  }
0x19: {  	s7 =	sld [smem:$0x3F97]  }
0x1a: {  	s8 =	sadd.s32 $0xFFFFE003, lr  }
0x1b: {  	s9 =	sadd.s32 $0xFFFFFEF7, lr;
	s5 =	simm.s32 $0xFFFFFFFF;
	p2 =	slt.u32 s8, $0xFFFFF086  }
0x1c: {  	p1 =	slt.u32 s9, $0xF7A;
	s5 =	simm.s32 @!p2 $0x0  }
0x1d: {  	s5 =	simm.s32 @p1 $0x1;
	p0 =	seq.s32 s7, s2  }
0x1e: {  	s7 =	smul.u32 @!p0 $0xF7A, s2;
	p2 =	seq.s32 @!p0 s5, $0x0  }
0x1f: {  	s9 =	smul.u32 $0xF7A, s1;
	s8 =	simm.s32 @!p0 $0x1BF5;
	p2 =	por !p2, p0  }
0x20: {  	[sflag:s8] =	ssyncset.s32 @!p0 $0xFFFFF086;
	s6 =	sadd.s32 @!p0 s3, s7;
	s7 =	simm.s32 @!p0 $0x108  }
0x21: {  	s3 =	sadd.s32 s3, s9;
	s6 =	sadd.s32 @!p0 $0x88, s6;
	s7 =	simm.s32 @p2 $0x1082  }
0x22: {  	[simem:s7], [sflag:s8] =	dma.local @!p0 [hbm:s6], $0xF7A  }
0x23: {  	s9 =	sor.u32 $0xD0000000, s2;
	s6 =	simm.s32 $0x108;
	_ =	swait.ge @!p0 [sflag:s8], $0x0  }
0x24: {  	s3 =	sadd.s32 $0x88, s3;
	s6 =	simm.s32 @!p1 $0x1082;
	[sflag:s4] =	ssyncset.s32 $0xFFFFF086  }
0x25: {  	[simem:s6], [sflag:s4] =	dma.local [hbm:s3], $0xF7A  }
0x26: {  	[smem:$0x3F97] =	sst s1;
	(tag) =	ssettag s2;
	_ =	strace s9  }
0x27: {  	s1 =	sld [smem:$0x3FA7]  }
0x28: {  	s2 =	sld [smem:$0x3FA8]  }
0x29: {  	s4 =	sld [smem:$0x3FAA]  }
0x2a: {  	p0 =	seq.s32 s5, $0x0;
	s5 =	sld [smem:$0x3FAB]  }
0x2b: {  	s6 =	sld [smem:$0x3FAC]  }
0x2c: {  	s7 =	sld [smem:$0x3FAD]  }
0x2d: {  	s3 =	simm.s32 $0x108;
	s8 =	sld [smem:$0x3FAE]  }
0x2e: {  	s3 =	simm.s32 @!p0 $0x1082;
	s9 =	sld [smem:$0x3FAF]  }
0x2f: {  	lr =	sadd.s32 s0, s3;
	s0 =	sld [smem:$0x3FA6]  }
0x30: {  	s3 =	sld [smem:$0x3FA9]  }
0x31: {  	[smem:$0x3FB2] =	sst s10  }
0x32: {  	s10 =	sld [smem:$0x3FB0];
	_ =	sdelay $0x3  }
0x33: {  	p0 =	seq.s32 s10, $0x1;
	s10 =	sld [smem:$0x3FB2];
	_ =	sdelay $0x3  }
0x34: {  	[smem:$0x3FB2] =	sst s10  }
0x35: {  	s10 =	sld [smem:$0x3FB1];
	_ =	sdelay $0x3  }
0x36: {  	p1 =	seq.s32 s10, $0x1;
	s10 =	sld [smem:$0x3FB2];
	_ =	sdelay $0x3  }
0x37: {  	[smem:$0x3FB2] =	sst s10  }
0x38: {  	s10 =	sld [smem:$0x3FB3]  }
0x39: {  	_ = 	snop;
	(pc) =	sbr.ind lr, $3  }
0x3a: {  	_ = 	snop  }
0x3b: {  	_ = 	snop  }
0x3c: {  	p2 =	seq.s32 s10, $0x1;
	s10 =	sld [smem:$0x3FB2]  }
0x3d: {  	_ =	shalt  }
0x3e: {  	_ =	shalt  }
0x3f: {  	_ =	shalt  }
0x40: {  	_ =	shalt  }
0x41: {  	_ =	shalt  }
0x42: {  	_ =	shalt  }
0x43: {  	_ =	shalt  }
0x44: {  	_ =	shalt  }
0x45: {  	_ =	shalt  }
0x46: {  	_ =	shalt  }
0x47: {  	_ =	shalt  }
0x48: {  	_ =	shalt  }
0x49: {  	_ =	shalt  }
0x4a: {  	_ =	shalt  }
0x4b: {  	_ =	shalt  }
0x4c: {  	_ =	shalt  }
0x4d: {  	_ =	shalt  }
0x4e: {  	_ =	shalt  }
0x4f: {  	_ =	shalt  }
0x50: {  	_ =	shalt  }
0x51: {  	_ =	shalt  }
0x52: {  	_ =	shalt  }
0x53: {  	_ =	shalt  }
0x54: {  	_ =	shalt  }
0x55: {  	_ =	shalt  }
0x56: {  	_ =	shalt  }
0x57: {  	_ =	shalt  }
0x58: {  	_ =	shalt  }
0x59: {  	_ =	shalt  }
0x5a: {  	_ =	shalt  }
0x5b: {  	_ =	shalt  }
0x5c: {  	_ =	shalt  }
0x5d: {  	_ =	shalt  }
0x5e: {  	_ =	shalt  }
0x5f: {  	_ =	shalt  }
0x60: {  	_ =	shalt  }
0x61: {  	_ =	shalt  }
0x62: {  	_ =	shalt  }
0x63: {  	_ =	shalt  }
0x64: {  	_ =	shalt  }
0x65: {  	_ =	shalt  }
0x66: {  	_ =	shalt  }
0x67: {  	_ =	shalt  }
0x68: {  	_ =	shalt  }
0x69: {  	_ =	shalt  }
0x6a: {  	_ =	shalt  }
0x6b: {  	_ =	shalt  }
0x6c: {  	_ =	shalt  }
0x6d: {  	_ =	shalt  }
0x6e: {  	_ =	shalt  }
0x6f: {  	_ =	shalt  }
0x70: {  	_ =	shalt  }
0x71: {  	_ =	shalt  }
0x72: {  	_ =	shalt  }
0x73: {  	_ =	shalt  }
0x74: {  	_ =	shalt  }
0x75: {  	_ =	shalt  }
0x76: {  	_ =	shalt  }
0x77: {  	_ =	shalt  }
0x78: {  	_ =	shalt  }
0x79: {  	_ =	shalt  }
0x7a: {  	_ =	shalt  }
0x7b: {  	_ =	shalt  }
0x7c: {  	_ =	shalt  }
0x7d: {  	_ =	shalt  }
0x7e: {  	_ =	shalt  }
0x7f: {  	_ =	shalt  }
0x80: {  	_ =	shalt  }
0x81: {  	_ =	shalt  }
0x82: {  	_ =	shalt  }
0x83: {  	_ =	shalt  }
0x84: {  	_ =	shalt  }
0x85: {  	_ =	shalt  }
0x86: {  	_ =	shalt  }
0x87: {  	_ =	shalt  }
.Lfunc_end0:
.L_simem_size_0:
called_computation_lowered:
.L_overlay_start_0:
0x88: {  	s2 =	sld [smem:$0x3FD9]  }
0x89: {  	s3 =	sld [smem:$0x3FFE];
	_ =	sdelay $0x1  }
0x8a: {  	s1 =	srdreg.scid  }
0x8b: {  	s0 =	sand.u32 $0x1, s1  }
0x8c: {  	s14 =	sshll.u32 s0, $0xA;
	s2 =	sadd.s32 s3, s2  }
0x8d: {  	s2 =	sadd.s32 s2, s14  }
0x8e: {  	[smem:$0x3FBE] =	sst s2  }
0x8f: {  	_ = 	snop  }
0x90: {  	s2 =	sld [smem:$0x3FD0];
	_ =	sdelay $0x2  }
0x91: {  	s15 =	simm.s32 $0xA;
	s4 =	simm.s32 $0x10  }
0x92: {  	[smem:s4], [sflag:s15] =	dma.local [hbm:s2], $0x1  }
0x93: {  	_ =	swait.eq [sflag:s15], $0x1  }
0x94: {  	[sflag:s15] =	ssyncset.done $0x0  }
0x95: {  	s16 =	sld [smem:$0x10];
	[sflag:s15] =	ssyncadd.s32 $0xFFFFFFFF  }
0x96: {  	s17 =	sld [smem:$0x11];
	(tm) =	ssettm $0x1  }
0x97: {  	s18 =	sld [smem:$0x3FFB];
	_ =	sdelay $0x3  }
0x98: {  	_ =	strace s18  }
0x99: {  	s4 =	sld [smem:$0x3FFC];
	_ =	sdelay $0x3  }
0x9a: {  	_ =	strace s4  }
0x9b: {  	s4 =	sld [smem:$0x3FFD];
	_ =	sdelay $0x3  }
0x9c: {  	_ =	strace s4  }
0x9d: {  	_ =	strace $0x8FFFFFFF  }
0x9e: {  	s19 =	sld [smem:$0x3FDB];
	_ =	sdelay $0x1  }
0x9f: {  	s5 =	simm.s32 $_scs_section_size  }
0xa0: {  	s6 =	simm.s32 $_size__tile_overlayer_lowered;
	s7 =	simm.s32 $_tile_overlayer_lowered  }
0xa1: {  	s22 =	simm.s32 $0x1BFF;
	s21 =	sshll.u32 s7, $0x1;
	s4 =	sadd.s32 s5, s19  }
0xa2: {  	s8 =	simm.s32 $0x0;
	s20 =	sshll.u32 s6, $0x1;
	s6 =	sadd.s32 s21, s4  }
0xa3: {  	[timem:s8], [sflag:s22] =	dma.local [hbm:s6], s20  }
0xa4: {  	_ =	swait.ge [sflag:s22], s20  }
0xa5: {  	s5 =	ssub.s32 $0x0, s20;
	[sflag:s22] =	ssyncset.done $0x0  }
0xa6: {  	[sflag:s22] =	ssyncadd.s32 s5;
	_ =	sdelay $0x1  }
0xa7: {  	s23 =	simm.s32 $0x1B8B  }
0xa8: {  	_ =	swait.ge [sflag:s23], $0x1  }
0xa9: {  	[sflag:s23] =	ssyncset.done $0x0  }
0xaa: {  	s25 =	simm.s32 $0x1B8E;
	s24 =	sld [smem:$0x3FFE];
	[sflag:s23] =	ssyncadd.s32 $0xFFFFFFFF  }
0xab: {  	s26 =	simm.s32 $execute0_lowered;
	[smem:$0x3FD2] =	sst s25  }
0xac: {  	s6 =	sshll.u32 s26, $0x1;
	_ =	strace $0x80000046;
	[dreg:$0x1] =	wrdreg $0xFFFFFFFF  }
0xad: {  	s28 =	simm.s32 $_size_execute0_lowered;
	s4 =	sadd.s32 s4, s6;
	[dreg:$0x0] =	wrdreg $0x0  }
0xae: {  	s6 =	sshll.u32 s28, $0x1;
	[dreg:$0x2] =	wrdreg s4  }
0xaf: {  	[dreg:$0x3] =	wrdreg s6  }
0xb0: {  	[dreg:$0x4] =	wrdreg $0xC0  }
0xb1: {  	_ =	task [dreg:s8], $0x5FFFF  }
0xb2: {  	[dreg:$0x1] =	wrdreg $0xFFFFFFFF  }
0xb3: {  	[dreg:$0x0] =	wrdreg $0x60  }
0xb4: {  	[dreg:$0x2] =	wrdreg s24  }
0xb5: {  	[dreg:$0x3] =	wrdreg s16  }
0xb6: {  	[dreg:$0x4] =	wrdreg s17  }
0xb7: {  	[dreg:$0x5] =	wrdreg $0x7C000  }
0xb8: {  	[dreg:$0x6] =	wrdreg $0x9  }
0xb9: {  	_ =	task.clear_ibuf [dreg:s8], $0x7FFFF;
	_ =	strace $0x90000046  }
0xba: {  	s29 =	simm.s32 $0x9;
	_ =	strace $0x80000048  }
0xbb: {  	_ =	swait.ge [sflag:s29], $0x1  }
0xbc: {  	[sflag:s29] =	ssyncadd.s32 $0xFFFFFFFF  }
0xbd: {  	_ =	strace $0x90000048  }
0xbe: {  	_ =	sfence  }
0xbf: {  	s30 =	sld [smem:$0x0];
	_ =	sdelay $0x2  }
0xc0: {  	s31 =	sshll.u32 s1, $0xD;
	s1 =	sshrl.u32 s1, $0x2  }
0xc1: {  	s3 =	sand.u32 $0x4000, s31;
	s1 =	sadd.s32 s1, s30  }
0xc2: {  	s0 =	sor.u32 s3, s0;
	s1 =	sshll.u32 s1, $0x11  }
0xc3: {  	s0 =	sor.u32 s1, s0  }
0xc4: {  	s0 =	sadd.s32 $0x8F2B, s0  }
0xc5: {  	[sflag:s0] =	ssyncadd.remote.s32 $0x1  }
0xc6: {  	_ =	sfence.sel $0xFFFF  }
0xc7: {  	[dreg:$0x0] =	wrdreg $0xFFFFFFFF;
	(pc) =	sbr.abs _section_cstart, $3  }
0xc8: {  	[dreg:$0x1] =	wrdreg $0xFFFFFFFF  }
0xc9: {  	_ =	task.clear_ibuf [dreg:s8], $0x2FFFF;
	_ =	strace $0x9FFFFFFF  }
0xca: {  	(tm) =	ssettm $0x7FFFFFFF  }
0xcb: {  	_ =	shalt  }
tec
execute0_lowered:
.L_overlay_start_1:
0x0: {  	(tag) =	ssettag $0x1  }
0x1: {  	s0 =	rddreg [dreg:$0x0]  }
0x2: {  	s1 =	rddreg [dreg:$0x1]  }
0x3: {  	s2 =	rddreg [dreg:$0x2]  }
0x4: {  	s3 =	rddreg [dreg:$0x3];
	s21 =	simm.s32 $0x0;
	s4 =	srdreg.scid  }
0x5: {  	s9 =	stileid.u32;
	s28 =	simm.s32 $0x28;
	s29 =	simm.s32 $0x400  }
0x6: {  	s16 =	simm.s32 $0x5;
	[smem:$0x7FF] =	sst s21;
	s5 =	sadd.s32 $0x42E00, s0  }
0x7: {  	s6 =	sadd.s32 $0x524E00, s0;
	s7 =	sadd.s32 $0x2E00, s0;
	s8 =	sadd.s32 $0x22E00, s0  }
0x8: {  	s4 =	sand.u32 $0x1, s4;
	s12 =	sshll.u32 s9, $0x1;
	s13 =	sadd.s32 $0x54C000, s0  }
0x9: {  	p0 =	sne.s32 s9, $0x0;
	_ =	strace $0x80000047;
	s10 =	smul.u32 $0x27100, s4  }
0xa: {  	s11 =	ssub.s32 $0x2, s4;
	[dreg:$0x5] =	wrdreg s13;
	s4 =	sor.u32 s4, s12  }
0xb: {  	s17 =	sshrl.u32 s11, $0x1;
	s12 =	sshll.u32 s4, $0xC;
	s19 =	smul.u32 $0x138800, s4  }
0xc: {  	s15 =	smul.u32 $0x27100, s4;
	s0 =	sadd.s32 s10, s0;
	s18 =	sadd.s32 s7, s12  }
0xd: {  	s11 =	ssub.s32 s11, s17;
	s14 =	sadd.s32 s8, s12;
	[dreg:$0x6] =	wrdreg s18  }
0xe: {  	s10 =	sshll.u32 s4, $0xF;
	s12 =	sor.u32 $0x10, s12;
	[dreg:$0x7] =	wrdreg s14  }
0xf: {  	s20 =	sadd.s32 s7, s12;
	s14 =	smul.u32 $0xFA, s4;
	s22 =	sshrl.u32 s19, $0x3  }
0x10: {  	s12 =	sadd.s32 s8, s12;
	s23 =	sadd.s32 s5, s15;
	[dreg:$0x8] =	wrdreg s20  }
0x11: {  	s0 =	sadd.s32 $0x573200, s0;
	s31 =	smax.u32 s11, $0x1;
	[dreg:$0x9] =	wrdreg s12  }
0x12: {  	s11 =	simm.s32 $0x2;
	s18 =	simm.s32 $0x7;
	[dreg:$0xa] =	wrdreg s23  }
0x13: {  	s19 =	simm.s32 $0x9;
	s24 =	sadd.s32 $0x26E80, s22;
	[dreg:$0xf] =	wrdreg s0  }
0x14: {  	s4 =	sadd.s32 s2, s22;
	[dreg:$0x10] =	wrdreg s31;
	s23 =	simm.s32 $0x280  }
0x15: {  	s12 =	simm.s32 $0x1800;
	s22 =	simm.s32 $0x3;
	s25 =	sor.u32 $0x1, s14  }
0x16: {  	s20 =	simm.s32 $0x4;
	s26 =	sadd.s32 s5, s24;
	[dreg:$0xb] =	wrdreg s25  }
0x17: {  	s0 =	simm.s32 $0x0;
	s4 =	sadd.s32 $0x26C00, s4;
	[dreg:$0xc] =	wrdreg s26  }
0x18: {  	s30 =	sadd.s32 s2, s24;
	s24 =	simm.s32 $0x1;
	[dreg:$0xd] =	wrdreg s4  }
0x19: {  	[dreg:$0xe] =	wrdreg s30;
	s26 =	simm.s32 $0x80;
	s4 =	simm.s32 $0x6  }
.LBB2_1:
0x1a: {  	[dreg:$0x11] =	wrdreg s0  }
0x1b: {  	s0 =	sshrl.u32 @!p0 s3, $0x3;
	s13 =	rddreg [dreg:$0x5]  }
0x1c: {  	s9 =	simm.s32 @!p0 $0x1C0B;
	[dreg:$0x12] =	wrdreg s0  }
0x1d: {  	[spmem:s0], [sflag:s9] =	dma.local @!p0 [hbm:s13], $0x27100  }
0x1e: {  	s9 =	simm.s32 @!p0 $0xB  }
0x1f: {  	_ =	swait.ge @!p0 [sflag:s9], $0x27100  }
0x20: {  	[sflag:s9] =	ssyncset.done @!p0 $0x0  }
0x21: {  	s17 =	rddreg [dreg:$0x6];
	[sflag:s9] =	ssyncadd.s32 @!p0 $0xFFFD8F00  }
0x22: {  	[tilespmem:s21], [sflag:$0x1] =	stream.linear.gather [hbm4b:s17+s21], $0x80, $0x38;
	[tilespmem:$0x1B480] =	vst v63  }
0x23: {  	s31 =	simm.s32 $0x200;
	s25 =	rddreg [dreg:$0x7]  }
0x24: {  	[tilespmem:s31], [sflag:$0x1] =	stream.linear.gather [hbm4b:s25+s21], $0x80, $0x38;
	[tilespmem:$0x1B480] =	vst v63  }
0x25: {  	_ =	swait.ge [sflag:s24], $0x80  }
0x26: {  	[sflag:s24] =	ssyncset.done $0x0  }
0x27: {  	[sflag:s24] =	ssyncadd.s32 $0xFFFFFF80  }
0x28: {  	_ =	swait.ge [sflag:s24], $0x80  }
0x29: {  	[sflag:s24] =	ssyncset.done $0x0  }
0x2a: {  	s15 =	rddreg [dreg:$0x8];
	[sflag:s24] =	ssyncadd.s32 $0xFFFFFF80  }
0x2b: {  	[tilespmem:s26], [sflag:$0x2] =	stream.linear.gather [hbm4b:s15+s21], $0x80, $0x38;
	[tilespmem:$0x1B480] =	vst v63  }
0x2c: {  	s17 =	rddreg [dreg:$0x9]  }
0x2d: {  	[tilespmem:s23], [sflag:$0x2] =	stream.linear.gather [hbm4b:s17+s21], $0x80, $0x38;
	[tilespmem:$0x1B480] =	vst v63  }
0x2e: {  	_ = 	snop  }
0x2f: {  	[tilespmem:s29], [sflag:$0x5] =	stream.indirect.gather [hbm4b:s1+s28], $0x80, s21, s28, $0xb8;
	[tilespmem:$0x1B480] =	vst v63  }
0x30: {  	s23 =	simm.s32 $0x2C00  }
0x31: {  	[tilespmem:s23], [sflag:$0x5] =	stream.indirect.gather [hbm4b:s6+s28], $0x80, s31, s28, $0xb8;
	[tilespmem:$0x1B480] =	vst v63  }
0x32: {  	s25 =	rddreg [dreg:$0xa];
	s31 =	simm.s32 $0x5400  }
0x33: {  	[tilespmem:s31], [sflag:$0x5] =	stream.linear.gather [hbm4b:s25+s21], $0x1400, $0x38;
	[tilespmem:$0x1B480] =	vst v63  }
0x34: {  	s30 =	simm.s32 $0x0;
	s0 =	simm.s32 $0x280;
	[bflag:$0x0] =	sbarrier.arrive $0xFFFF  }
.LBB2_2:
0x35: {  	p1 =	seq.s32 s30, $0x0;
	s13 =	sshll.u32 s30, $0x2  }
0x36: {  	s9 =	simm.s32 @!p1 $0x8;
	s25 =	sor.u32 $0x2, s13  }
0x37: {  	s31 =	sshll.u32 s30, $0x9;
	_ =	swait.ge @!p1 [sflag:s9], $0x1400;
	s15 =	sshll.u32 s25, $0x7  }
0x38: {  	s21 =	sand.u32 $0x7C00, s31;
	[sflag:s9] =	ssyncset.done @!p1 $0x0;
	s23 =	sand.u32 $0x300, s15  }
0x39: {  	s15 =	simm.s32 @!p1 $0xA;
	[sflag:s9] =	ssyncadd.s32 @!p1 $0xFFFFEC00;
	s9 =	sor.u32 s23, s10  }
0x3a: {  	_ =	swait.ge @!p1 [sflag:s15], $0x1400;
	s9 =	sor.u32 s21, s9  }
0x3b: {  	s17 =	simm.s32 $0x100;
	[sflag:s15] =	ssyncset.done @!p1 $0x0;
	s9 =	sshrl.u32 s9, $0x3  }
0x3c: {  	s23 =	simm.s32 $0x0;
	[sflag:s15] =	ssyncadd.s32 @!p1 $0xFFFFEC00;
	s15 =	sadd.s32 s7, s9  }
0x3d: {  	[tilespmem:s17], [sflag:$0x3] =	stream.linear.gather [hbm4b:s15+s23], $0x80, $0x38;
	[tilespmem:$0x1B480] =	vst v63  }
0x3e: {  	s9 =	sadd.s32 s8, s9;
	s17 =	simm.s32 $0x300  }
0x3f: {  	[tilespmem:s17], [sflag:$0x3] =	stream.linear.gather [hbm4b:s9+s23], $0x80, $0x38;
	[tilespmem:$0x1B480] =	vst v63  }
0x40: {  	_ =	swait.ge [sflag:s11], $0x80  }
0x41: {  	[sflag:s11] =	ssyncset.done $0x0  }
0x42: {  	[sflag:s11] =	ssyncadd.s32 $0xFFFFFF80  }
0x43: {  	_ =	swait.ge [sflag:s11], $0x80  }
0x44: {  	[sflag:s11] =	ssyncset.done $0x0;
	s17 =	rddreg [dreg:$0xb]  }
0x45: {  	[sflag:s11] =	ssyncadd.s32 $0xFFFFFF80;
	s9 =	sadd.s32 s13, s17  }
0x46: {  	[tilespmem:s12], [sflag:$0x6] =	stream.indirect.gather [hbm4b:s1+s28], $0x80, s26, s28, $0xb8;
	[tilespmem:$0x1B480] =	vst v63  }
0x47: {  	s15 =	smul.u32 $0x280, s9;
	s26 =	simm.s32 $0x4000  }
0x48: {  	[tilespmem:s26], [sflag:$0x6] =	stream.indirect.gather [hbm4b:s6+s28], $0x80, s0, s28, $0xb8;
	[tilespmem:$0x1B480] =	vst v63  }
0x49: {  	s17 =	sadd.s32 s5, s15;
	s26 =	simm.s32 $0x6800  }
0x4a: {  	[tilespmem:s26], [sflag:$0x6] =	stream.linear.gather [hbm4b:s17+s23], $0x1400, $0x38;
	[tilespmem:$0x1B480] =	vst v63  }
0x4b: {  	_ =	swait.ge [sflag:s16], $0x1400  }
0x4c: {  	[sflag:s16] =	ssyncset.done $0x0  }
0x4d: {  	[sflag:s16] =	ssyncadd.s32 $0xFFFFEC00  }
0x4e: {  	_ =	swait.ge [sflag:s16], $0x1400  }
0x4f: {  	[sflag:s16] =	ssyncset.done $0x0  }
0x50: {  	[sflag:s16] =	ssyncadd.s32 $0xFFFFEC00  }
0x51: {  	_ =	swait.ge [sflag:s16], $0x1400  }
0x52: {  	[sflag:s16] =	ssyncset.done $0x0  }
0x53: {  	s9 =	simm.s32 $0x0;
	[sflag:s16] =	ssyncadd.s32 $0xFFFFEC00  }
0x54: {  	v2 =	vld [tilespmem:s9+$0x5400]  }
0x55: {  	v1 =	vld [tilespmem:s9+$0x5410]  }
0x56: {  	v3 =	vld [tilespmem:s9+$0x5420]  }
0x57: {  	v0 =	vld [tilespmem:s9+$0x5430]  }
0x58: {  	v10 =	vld [tilespmem:s9+$0x2C00]  }
0x59: {  	v15 =	vld [tilespmem:s9+$0x2C10]  }
0x5a: {  	v9 =	vld [tilespmem:s9+$0x2C20]  }
0x5b: {  	v8 =	vld [tilespmem:s9+$0x2C30]  }
0x5c: {  	v7 =	vld [tilespmem:s9+$0x2C40]  }
0x5d: {  	v6 =	vld [tilespmem:s9+$0x2C50]  }
0x5e: {  	v5 =	vld [tilespmem:s9+$0x2C60]  }
0x5f: {  	v4 =	vld [tilespmem:s9+$0x2C70]  }
0x60: {  	v16 =	vld [tilespmem:s9+$0x400]  }
0x61: {  	v18 =	vld [tilespmem:s9+$0x410]  }
0x62: {  	v14 =	vld [tilespmem:s9+$0x420]  }
0x63: {  	v13 =	vld [tilespmem:s9+$0x430]  }
0x64: {  	v12 =	vld [tilespmem:s9+$0x440]  }
0x65: {  	v11 =	vld [tilespmem:s9+$0x450];
	v16 =	vadd.f32 v10, v16  }
0x66: {  	s23 =	simm.s32 $0x200;
	v17 =	vshll.u32 v2, $0x10;
	v15 =	vadd.f32 v15, v18;
	v10 =	vld [tilespmem:s9+$0x460]  }
.LBB2_3:
0x67: {  	s26 =	sshra.s32 s23, $0x2;
	p1 =	sne.s32 s23, $0x4E00;
	v18 =	vand.u32 $0xFFFF0000, v2;
	v16 =	vadd.f32 v17, v16;
	v9 =	vadd.f32 v9, v14;
	v14 =	vld [tilespmem:s9+$0x470]  }
0x68: {  	v17 =	vshll.u32 v1, $0x10;
	v2 =	vld [tilespmem:s26+$0x5400];
	v15 =	vadd.f32 v18, v15;
	v8 =	vadd.f32 v8, v13  }
0x69: {  	v13 =	vand.u32 $0xFFFF0000, v1;
	[tilespmem:s9+$0x400] =	vst v16;
	v1 =	vld [tilespmem:s26+$0x5410];
	v9 =	vadd.f32 v17, v9;
	v7 =	vadd.f32 v7, v12  }
0x6a: {  	v12 =	vld [tilespmem:s26+$0x5420];
	[tilespmem:s9+$0x410] =	vst v15;
	v8 =	vadd.f32 v13, v8;
	v13 =	vshll.u32 v3, $0x10;
	v6 =	vadd.f32 v6, v11  }
0x6b: {  	v3 =	vand.u32 $0xFFFF0000, v3;
	v11 =	vld [tilespmem:s26+$0x5430];
	[tilespmem:s9+$0x420] =	vst v9;
	v7 =	vadd.f32 v13, v7;
	v5 =	vadd.f32 v5, v10  }
0x6c: {  	v10 =	vld [tilespmem:s26+$0x2C00];
	[tilespmem:s9+$0x430] =	vst v8;
	v13 =	vadd.f32 v3, v6;
	v6 =	vshll.u32 v0, $0x10;
	v4 =	vadd.f32 v4, v14  }
0x6d: {  	v0 =	vand.u32 $0xFFFF0000, v0;
	v15 =	vld [tilespmem:s26+$0x2C10];
	[tilespmem:s9+$0x440] =	vst v7;
	v5 =	vadd.f32 v6, v5  }
0x6e: {  	v9 =	vld [tilespmem:s26+$0x2C20];
	[tilespmem:s9+$0x450] =	vst v13;
	v4 =	vadd.f32 v0, v4  }
0x6f: {  	v8 =	vld [tilespmem:s26+$0x2C30];
	[tilespmem:s9+$0x460] =	vst v5;
	v3 =	vmov v12  }
0x70: {  	v7 =	vld [tilespmem:s26+$0x2C40];
	[tilespmem:s9+$0x470] =	vst v4;
	v0 =	vmov v11;
	s9 =	smov.u32 s26  }
0x71: {  	v6 =	vld [tilespmem:s9+$0x2C50]  }
0x72: {  	v5 =	vld [tilespmem:s9+$0x2C60]  }
0x73: {  	v4 =	vld [tilespmem:s9+$0x2C70]  }
0x74: {  	v11 =	vld [tilespmem:s9+$0x400]  }
0x75: {  	v18 =	vld [tilespmem:s9+$0x410]  }
.Ltmp0:
0x76: {  	v14 =	vld [tilespmem:s9+$0x420];
	(pc) =	sbr.rel @p1 .LBB2_3-.Ltmp0, $4  }
0x77: {  	v13 =	vld [tilespmem:s9+$0x430]  }
0x78: {  	v12 =	vld [tilespmem:s9+$0x440]  }
0x79: {  	v16 =	vadd.f32 v10, v11;
	v11 =	vld [tilespmem:s9+$0x450]  }
0x7a: {  	s23 =	sadd.s32 $0x200, s23;
	v17 =	vshll.u32 v2, $0x10;
	v15 =	vadd.f32 v15, v18;
	v10 =	vld [tilespmem:s9+$0x460]  }
0x7b: {  	v2 =	vand.u32 $0xFFFF0000, v2;
	v16 =	vadd.f32 v17, v16;
	v9 =	vadd.f32 v9, v14;
	v14 =	vld [tilespmem:s9+$0x470]  }
0x7c: {  	v2 =	vadd.f32 v2, v15;
	v15 =	vshll.u32 v1, $0x10;
	v8 =	vadd.f32 v8, v13  }
0x7d: {  	v1 =	vand.u32 $0xFFFF0000, v1;
	[tilespmem:s9+$0x400] =	vst v16;
	v9 =	vadd.f32 v15, v9;
	v7 =	vadd.f32 v7, v12  }
0x7e: {  	[tilespmem:s9+$0x410] =	vst v2;
	v1 =	vadd.f32 v1, v8;
	v2 =	vshll.u32 v3, $0x10;
	v6 =	vadd.f32 v6, v11  }
0x7f: {  	v3 =	vand.u32 $0xFFFF0000, v3;
	[tilespmem:s9+$0x420] =	vst v9;
	v2 =	vadd.f32 v2, v7;
	v5 =	vadd.f32 v5, v10  }
0x80: {  	[tilespmem:s9+$0x430] =	vst v1;
	v1 =	vadd.f32 v3, v6;
	v3 =	vshll.u32 v0, $0x10;
	v4 =	vadd.f32 v4, v14  }
0x81: {  	s23 =	sadd.s32 s14, s13;
	v0 =	vand.u32 $0xFFFF0000, v0;
	[tilespmem:s9+$0x440] =	vst v2;
	v2 =	vadd.f32 v3, v5  }
0x82: {  	s23 =	smul.u32 $0x280, s23;
	[tilespmem:s9+$0x450] =	vst v1;
	v0 =	vadd.f32 v0, v4  }
0x83: {  	[tilespmem:s9+$0x460] =	vst v2  }
0x84: {  	s26 =	sadd.s32 s2, s23;
	s23 =	simm.s32 $0x0;
	[tilespmem:s9+$0x470] =	vst v0  }
0x85: {  	[hbm4b:s26+s23] =	stream.linear.scatter [tilespmem:s29], [sflag:$0x7], $0x1400, $0x38;
	[tilespmem:$0x1B480] =	vst v63  }
0x86: {  	s17 =	simm.s32 $0x200;
	s9 =	sor.u32 $0x3, s13  }
0x87: {  	[spmem:s3] =	stream.indirect.scatter.add.f32 [tilespmem:s29], [sflag:$0x9], $0x80, s17, s28, $0xb8;
	[tilespmem:$0x1B480] =	vst v63  }
0x88: {  	s26 =	sshll.u32 s9, $0x7;
	_ =	swait.ge [sflag:s18], $0x1400  }
0x89: {  	s26 =	sand.u32 $0x380, s26;
	[sflag:s18] =	ssyncset.done $0x0  }
0x8a: {  	s26 =	sor.u32 s26, s10;
	[sflag:s18] =	ssyncadd.s32 $0xFFFFEC00  }
0x8b: {  	s21 =	sor.u32 s21, s26;
	_ =	swait.ge [sflag:s19], $0x1400  }
0x8c: {  	s21 =	sshrl.u32 s21, $0x3;
	[sflag:s19] =	ssyncset.done $0x0  }
0x8d: {  	s17 =	simm.s32 $0x180;
	s26 =	sadd.s32 s7, s21;
	[sflag:s19] =	ssyncadd.s32 $0xFFFFEC00  }
0x8e: {  	[tilespmem:s17], [sflag:$0x4] =	stream.linear.gather [hbm4b:s26+s23], $0x80, $0x38;
	[tilespmem:$0x1B480] =	vst v63  }
0x8f: {  	s21 =	sadd.s32 s8, s21;
	s26 =	simm.s32 $0x380  }
0x90: {  	[tilespmem:s26], [sflag:$0x4] =	stream.linear.gather [hbm4b:s21+s23], $0x80, $0x38;
	[tilespmem:$0x1B480] =	vst v63  }
0x91: {  	_ =	swait.ge [sflag:s22], $0x80  }
0x92: {  	[sflag:s22] =	ssyncset.done $0x0  }
0x93: {  	[sflag:s22] =	ssyncadd.s32 $0xFFFFFF80  }
0x94: {  	_ =	swait.ge [sflag:s22], $0x80  }
0x95: {  	[sflag:s22] =	ssyncset.done $0x0  }
0x96: {  	s21 =	simm.s32 $0x100;
	s26 =	sadd.s32 s14, s25;
	[sflag:s22] =	ssyncadd.s32 $0xFFFFFF80  }
0x97: {  	[tilespmem:s29], [sflag:$0x5] =	stream.indirect.gather [hbm4b:s1+s28], $0x80, s21, s28, $0xb8;
	[tilespmem:$0x1B480] =	vst v63  }
0x98: {  	s17 =	simm.s32 $0x2C00;
	s25 =	smul.u32 $0x280, s26;
	s26 =	simm.s32 $0x300  }
0x99: {  	[tilespmem:s17], [sflag:$0x5] =	stream.indirect.gather [hbm4b:s6+s28], $0x80, s26, s28, $0xb8;
	[tilespmem:$0x1B480] =	vst v63  }
0x9a: {  	s26 =	sadd.s32 s5, s25;
	s17 =	simm.s32 $0x5400  }
0x9b: {  	[tilespmem:s17], [sflag:$0x5] =	stream.linear.gather [hbm4b:s26+s23], $0x1400, $0x38;
	[tilespmem:$0x1B480] =	vst v63  }
0x9c: {  	_ =	swait.ge [sflag:s4], $0x1400  }
0x9d: {  	[sflag:s4] =	ssyncset.done $0x0  }
0x9e: {  	[sflag:s4] =	ssyncadd.s32 $0xFFFFEC00  }
0x9f: {  	_ =	swait.ge [sflag:s4], $0x1400  }
0xa0: {  	[sflag:s4] =	ssyncset.done $0x0  }
0xa1: {  	[sflag:s4] =	ssyncadd.s32 $0xFFFFEC00  }
0xa2: {  	_ =	swait.ge [sflag:s4], $0x1400  }
0xa3: {  	[sflag:s4] =	ssyncset.done $0x0  }
0xa4: {  	s21 =	simm.s32 $0x0;
	[sflag:s4] =	ssyncadd.s32 $0xFFFFEC00  }
0xa5: {  	v2 =	vld [tilespmem:s21+$0x6800]  }
0xa6: {  	v1 =	vld [tilespmem:s21+$0x6810]  }
0xa7: {  	v3 =	vld [tilespmem:s21+$0x6820]  }
0xa8: {  	v0 =	vld [tilespmem:s21+$0x6830]  }
0xa9: {  	v10 =	vld [tilespmem:s21+$0x4000]  }
0xaa: {  	v15 =	vld [tilespmem:s21+$0x4010]  }
0xab: {  	v9 =	vld [tilespmem:s21+$0x4020]  }
0xac: {  	v8 =	vld [tilespmem:s21+$0x4030]  }
0xad: {  	v7 =	vld [tilespmem:s21+$0x4040]  }
0xae: {  	v6 =	vld [tilespmem:s21+$0x4050]  }
0xaf: {  	v5 =	vld [tilespmem:s21+$0x4060]  }
0xb0: {  	v4 =	vld [tilespmem:s21+$0x4070]  }
0xb1: {  	v16 =	vld [tilespmem:s21+$0x1800]  }
0xb2: {  	v18 =	vld [tilespmem:s21+$0x1810]  }
0xb3: {  	v14 =	vld [tilespmem:s21+$0x1820]  }
0xb4: {  	v13 =	vld [tilespmem:s21+$0x1830]  }
0xb5: {  	v12 =	vld [tilespmem:s21+$0x1840]  }
0xb6: {  	v11 =	vld [tilespmem:s21+$0x1850];
	v16 =	vadd.f32 v10, v16  }
0xb7: {  	s23 =	simm.s32 $0x200;
	v17 =	vshll.u32 v2, $0x10;
	v15 =	vadd.f32 v15, v18;
	v10 =	vld [tilespmem:s21+$0x1860]  }
.LBB2_5:
0xb8: {  	s26 =	sshra.s32 s23, $0x2;
	p1 =	sne.s32 s23, $0x4E00;
	v18 =	vand.u32 $0xFFFF0000, v2;
	v16 =	vadd.f32 v17, v16;
	v9 =	vadd.f32 v9, v14;
	v14 =	vld [tilespmem:s21+$0x1870]  }
0xb9: {  	v17 =	vshll.u32 v1, $0x10;
	v2 =	vld [tilespmem:s26+$0x6800];
	v15 =	vadd.f32 v18, v15;
	v8 =	vadd.f32 v8, v13  }
0xba: {  	v13 =	vand.u32 $0xFFFF0000, v1;
	[tilespmem:s21+$0x1800] =	vst v16;
	v1 =	vld [tilespmem:s26+$0x6810];
	v9 =	vadd.f32 v17, v9;
	v7 =	vadd.f32 v7, v12  }
0xbb: {  	v12 =	vld [tilespmem:s26+$0x6820];
	[tilespmem:s21+$0x1810] =	vst v15;
	v8 =	vadd.f32 v13, v8;
	v13 =	vshll.u32 v3, $0x10;
	v6 =	vadd.f32 v6, v11  }
0xbc: {  	v3 =	vand.u32 $0xFFFF0000, v3;
	v11 =	vld [tilespmem:s26+$0x6830];
	[tilespmem:s21+$0x1820] =	vst v9;
	v7 =	vadd.f32 v13, v7;
	v5 =	vadd.f32 v5, v10  }
0xbd: {  	v10 =	vld [tilespmem:s26+$0x4000];
	[tilespmem:s21+$0x1830] =	vst v8;
	v13 =	vadd.f32 v3, v6;
	v6 =	vshll.u32 v0, $0x10;
	v4 =	vadd.f32 v4, v14  }
0xbe: {  	v0 =	vand.u32 $0xFFFF0000, v0;
	v15 =	vld [tilespmem:s26+$0x4010];
	[tilespmem:s21+$0x1840] =	vst v7;
	v5 =	vadd.f32 v6, v5  }
0xbf: {  	v9 =	vld [tilespmem:s26+$0x4020];
	[tilespmem:s21+$0x1850] =	vst v13;
	v4 =	vadd.f32 v0, v4  }
0xc0: {  	v8 =	vld [tilespmem:s26+$0x4030];
	[tilespmem:s21+$0x1860] =	vst v5;
	v3 =	vmov v12  }
0xc1: {  	v7 =	vld [tilespmem:s26+$0x4040];
	[tilespmem:s21+$0x1870] =	vst v4;
	v0 =	vmov v11;
	s21 =	smov.u32 s26  }
0xc2: {  	v6 =	vld [tilespmem:s21+$0x4050]  }
0xc3: {  	v5 =	vld [tilespmem:s21+$0x4060]  }
0xc4: {  	v4 =	vld [tilespmem:s21+$0x4070]  }
0xc5: {  	v11 =	vld [tilespmem:s21+$0x1800]  }
0xc6: {  	v18 =	vld [tilespmem:s21+$0x1810]  }
.Ltmp1:
0xc7: {  	v14 =	vld [tilespmem:s21+$0x1820];
	(pc) =	sbr.rel @p1 .LBB2_5-.Ltmp1, $4  }
0xc8: {  	v13 =	vld [tilespmem:s21+$0x1830]  }
0xc9: {  	v12 =	vld [tilespmem:s21+$0x1840]  }
0xca: {  	v16 =	vadd.f32 v10, v11;
	v11 =	vld [tilespmem:s21+$0x1850]  }
0xcb: {  	s23 =	sadd.s32 $0x200, s23;
	v17 =	vshll.u32 v2, $0x10;
	v15 =	vadd.f32 v15, v18;
	v10 =	vld [tilespmem:s21+$0x1860]  }
0xcc: {  	v2 =	vand.u32 $0xFFFF0000, v2;
	v16 =	vadd.f32 v17, v16;
	v9 =	vadd.f32 v9, v14;
	v14 =	vld [tilespmem:s21+$0x1870]  }
0xcd: {  	v2 =	vadd.f32 v2, v15;
	v15 =	vshll.u32 v1, $0x10;
	v8 =	vadd.f32 v8, v13  }
0xce: {  	v1 =	vand.u32 $0xFFFF0000, v1;
	[tilespmem:s21+$0x1800] =	vst v16;
	v9 =	vadd.f32 v15, v9;
	v7 =	vadd.f32 v7, v12  }
0xcf: {  	[tilespmem:s21+$0x1810] =	vst v2;
	v1 =	vadd.f32 v1, v8;
	v2 =	vshll.u32 v3, $0x10;
	v6 =	vadd.f32 v6, v11  }
0xd0: {  	v3 =	vand.u32 $0xFFFF0000, v3;
	[tilespmem:s21+$0x1820] =	vst v9;
	v2 =	vadd.f32 v2, v7;
	v5 =	vadd.f32 v5, v10  }
0xd1: {  	[tilespmem:s21+$0x1830] =	vst v1;
	v1 =	vadd.f32 v3, v6;
	v3 =	vshll.u32 v0, $0x10;
	v4 =	vadd.f32 v4, v14  }
0xd2: {  	v0 =	vand.u32 $0xFFFF0000, v0;
	[tilespmem:s21+$0x1840] =	vst v2;
	v2 =	vadd.f32 v3, v5  }
0xd3: {  	[tilespmem:s21+$0x1850] =	vst v1;
	v0 =	vadd.f32 v0, v4  }
0xd4: {  	[tilespmem:s21+$0x1860] =	vst v2  }
0xd5: {  	s15 =	sadd.s32 s2, s15;
	[tilespmem:s21+$0x1870] =	vst v0;
	s21 =	simm.s32 $0x0  }
0xd6: {  	[hbm4b:s15+s21] =	stream.linear.scatter [tilespmem:s12], [sflag:$0x8], $0x1400, $0x38;
	[tilespmem:$0x1B480] =	vst v63  }
0xd7: {  	s17 =	simm.s32 $0x8;
	s15 =	sadd.s32 $0x4, s13  }
0xd8: {  	[spmem:s3] =	stream.indirect.scatter.add.f32 [tilespmem:s12], [sflag:$0xA], $0x80, s0, s28, $0xb8;
	[tilespmem:$0x1B480] =	vst v63  }
0xd9: {  	s13 =	sshll.u32 s15, $0x7;
	_ =	swait.ge [sflag:s17], $0x1400  }
0xda: {  	s26 =	simm.s32 $0xA;
	s23 =	sand.u32 $0xFC00, s13;
	[sflag:s17] =	ssyncset.done $0x0  }
0xdb: {  	s13 =	sand.u32 $0x200, s13;
	s23 =	sadd.s32 s10, s23;
	[sflag:s17] =	ssyncadd.s32 $0xFFFFEC00  }
0xdc: {  	s13 =	sor.u32 s13, s23;
	_ =	swait.ge [sflag:s26], $0x1400  }
0xdd: {  	s13 =	sshrl.u32 s13, $0x3;
	[sflag:s26] =	ssyncset.done $0x0  }
0xde: {  	s17 =	sadd.s32 s7, s13;
	[sflag:s26] =	ssyncadd.s32 $0xFFFFEC00  }
0xdf: {  	[tilespmem:s21], [sflag:$0x1] =	stream.linear.gather [hbm4b:s17+s21], $0x80, $0x38;
	[tilespmem:$0x1B480] =	vst v63  }
0xe0: {  	s13 =	sadd.s32 s8, s13;
	s26 =	simm.s32 $0x200  }
0xe1: {  	[tilespmem:s26], [sflag:$0x1] =	stream.linear.gather [hbm4b:s13+s21], $0x80, $0x38;
	[tilespmem:$0x1B480] =	vst v63  }
0xe2: {  	_ =	swait.ge [sflag:s20], $0x80  }
0xe3: {  	[sflag:s20] =	ssyncset.done $0x0  }
0xe4: {  	[sflag:s20] =	ssyncadd.s32 $0xFFFFFF80  }
0xe5: {  	_ =	swait.ge [sflag:s20], $0x80  }
0xe6: {  	[sflag:s20] =	ssyncset.done $0x0  }
0xe7: {  	s9 =	sadd.s32 s14, s9;
	s17 =	simm.s32 $0x180;
	[sflag:s20] =	ssyncadd.s32 $0xFFFFFF80  }
0xe8: {  	[tilespmem:s12], [sflag:$0x6] =	stream.indirect.gather [hbm4b:s1+s28], $0x80, s17, s28, $0xb8;
	[tilespmem:$0x1B480] =	vst v63  }
0xe9: {  	s23 =	simm.s32 $0x4000;
	s13 =	smul.u32 $0x280, s9;
	s26 =	simm.s32 $0x380  }
0xea: {  	[tilespmem:s23], [sflag:$0x6] =	stream.indirect.gather [hbm4b:s6+s28], $0x80, s26, s28, $0xb8;
	[tilespmem:$0x1B480] =	vst v63  }
0xeb: {  	s23 =	sadd.s32 s5, s13;
	s26 =	simm.s32 $0x6800  }
0xec: {  	[tilespmem:s26], [sflag:$0x6] =	stream.linear.gather [hbm4b:s23+s21], $0x1400, $0x38;
	[tilespmem:$0x1B480] =	vst v63  }
0xed: {  	_ =	swait.ge [sflag:s16], $0x1400  }
0xee: {  	[sflag:s16] =	ssyncset.done $0x0  }
0xef: {  	[sflag:s16] =	ssyncadd.s32 $0xFFFFEC00  }
0xf0: {  	_ =	swait.ge [sflag:s16], $0x1400  }
0xf1: {  	[sflag:s16] =	ssyncset.done $0x0  }
0xf2: {  	[sflag:s16] =	ssyncadd.s32 $0xFFFFEC00  }
0xf3: {  	_ =	swait.ge [sflag:s16], $0x1400  }
0xf4: {  	[sflag:s16] =	ssyncset.done $0x0  }
0xf5: {  	s9 =	simm.s32 $0x0;
	[sflag:s16] =	ssyncadd.s32 $0xFFFFEC00  }
0xf6: {  	v2 =	vld [tilespmem:s9+$0x5400]  }
0xf7: {  	v1 =	vld [tilespmem:s9+$0x5410]  }
0xf8: {  	v3 =	vld [tilespmem:s9+$0x5420]  }
0xf9: {  	v0 =	vld [tilespmem:s9+$0x5430]  }
0xfa: {  	v10 =	vld [tilespmem:s9+$0x2C00]  }
0xfb: {  	v15 =	vld [tilespmem:s9+$0x2C10]  }
0xfc: {  	v9 =	vld [tilespmem:s9+$0x2C20]  }
0xfd: {  	v8 =	vld [tilespmem:s9+$0x2C30]  }
0xfe: {  	v7 =	vld [tilespmem:s9+$0x2C40]  }
0xff: {  	v6 =	vld [tilespmem:s9+$0x2C50]  }
0x100: {  	v5 =	vld [tilespmem:s9+$0x2C60]  }
0x101: {  	v4 =	vld [tilespmem:s9+$0x2C70]  }
0x102: {  	v16 =	vld [tilespmem:s9+$0x400]  }
0x103: {  	v18 =	vld [tilespmem:s9+$0x410]  }
0x104: {  	v14 =	vld [tilespmem:s9+$0x420]  }
0x105: {  	v13 =	vld [tilespmem:s9+$0x430]  }
0x106: {  	v12 =	vld [tilespmem:s9+$0x440]  }
0x107: {  	v11 =	vld [tilespmem:s9+$0x450];
	v16 =	vadd.f32 v10, v16  }
0x108: {  	s21 =	simm.s32 $0x200;
	s26 =	simm.s32 $0x80;
	v17 =	vshll.u32 v2, $0x10;
	v15 =	vadd.f32 v15, v18;
	v10 =	vld [tilespmem:s9+$0x460]  }
.LBB2_7:
0x109: {  	s23 =	sshra.s32 s21, $0x2;
	p1 =	sne.s32 s21, $0x4E00;
	v18 =	vand.u32 $0xFFFF0000, v2;
	v16 =	vadd.f32 v17, v16;
	v9 =	vadd.f32 v9, v14;
	v14 =	vld [tilespmem:s9+$0x470]  }
0x10a: {  	v17 =	vshll.u32 v1, $0x10;
	v2 =	vld [tilespmem:s23+$0x5400];
	v15 =	vadd.f32 v18, v15;
	v8 =	vadd.f32 v8, v13  }
0x10b: {  	v13 =	vand.u32 $0xFFFF0000, v1;
	[tilespmem:s9+$0x400] =	vst v16;
	v1 =	vld [tilespmem:s23+$0x5410];
	v9 =	vadd.f32 v17, v9;
	v7 =	vadd.f32 v7, v12  }
0x10c: {  	v12 =	vld [tilespmem:s23+$0x5420];
	[tilespmem:s9+$0x410] =	vst v15;
	v8 =	vadd.f32 v13, v8;
	v13 =	vshll.u32 v3, $0x10;
	v6 =	vadd.f32 v6, v11  }
0x10d: {  	v3 =	vand.u32 $0xFFFF0000, v3;
	v11 =	vld [tilespmem:s23+$0x5430];
	[tilespmem:s9+$0x420] =	vst v9;
	v7 =	vadd.f32 v13, v7;
	v5 =	vadd.f32 v5, v10  }
0x10e: {  	v10 =	vld [tilespmem:s23+$0x2C00];
	[tilespmem:s9+$0x430] =	vst v8;
	v13 =	vadd.f32 v3, v6;
	v6 =	vshll.u32 v0, $0x10;
	v4 =	vadd.f32 v4, v14  }
0x10f: {  	v0 =	vand.u32 $0xFFFF0000, v0;
	v15 =	vld [tilespmem:s23+$0x2C10];
	[tilespmem:s9+$0x440] =	vst v7;
	v5 =	vadd.f32 v6, v5  }
0x110: {  	v9 =	vld [tilespmem:s23+$0x2C20];
	[tilespmem:s9+$0x450] =	vst v13;
	v4 =	vadd.f32 v0, v4  }
0x111: {  	v8 =	vld [tilespmem:s23+$0x2C30];
	[tilespmem:s9+$0x460] =	vst v5;
	v3 =	vmov v12  }
0x112: {  	v7 =	vld [tilespmem:s23+$0x2C40];
	[tilespmem:s9+$0x470] =	vst v4;
	v0 =	vmov v11;
	s9 =	smov.u32 s23  }
0x113: {  	v6 =	vld [tilespmem:s9+$0x2C50]  }
0x114: {  	v5 =	vld [tilespmem:s9+$0x2C60]  }
0x115: {  	v4 =	vld [tilespmem:s9+$0x2C70]  }
0x116: {  	v11 =	vld [tilespmem:s9+$0x400]  }
0x117: {  	v18 =	vld [tilespmem:s9+$0x410]  }
.Ltmp2:
0x118: {  	v14 =	vld [tilespmem:s9+$0x420];
	(pc) =	sbr.rel @p1 .LBB2_7-.Ltmp2, $4  }
0x119: {  	v13 =	vld [tilespmem:s9+$0x430]  }
0x11a: {  	v12 =	vld [tilespmem:s9+$0x440]  }
0x11b: {  	v16 =	vadd.f32 v10, v11;
	v11 =	vld [tilespmem:s9+$0x450]  }
0x11c: {  	s21 =	sadd.s32 $0x200, s21;
	v17 =	vshll.u32 v2, $0x10;
	v15 =	vadd.f32 v15, v18;
	v10 =	vld [tilespmem:s9+$0x460]  }
0x11d: {  	v2 =	vand.u32 $0xFFFF0000, v2;
	v16 =	vadd.f32 v17, v16;
	v9 =	vadd.f32 v9, v14;
	v14 =	vld [tilespmem:s9+$0x470]  }
0x11e: {  	v2 =	vadd.f32 v2, v15;
	v15 =	vshll.u32 v1, $0x10;
	v8 =	vadd.f32 v8, v13  }
0x11f: {  	v1 =	vand.u32 $0xFFFF0000, v1;
	[tilespmem:s9+$0x400] =	vst v16;
	v9 =	vadd.f32 v15, v9;
	v7 =	vadd.f32 v7, v12  }
0x120: {  	[tilespmem:s9+$0x410] =	vst v2;
	v1 =	vadd.f32 v1, v8;
	v2 =	vshll.u32 v3, $0x10;
	v6 =	vadd.f32 v6, v11  }
0x121: {  	v3 =	vand.u32 $0xFFFF0000, v3;
	[tilespmem:s9+$0x420] =	vst v9;
	v2 =	vadd.f32 v2, v7;
	v5 =	vadd.f32 v5, v10  }
0x122: {  	[tilespmem:s9+$0x430] =	vst v1;
	v1 =	vadd.f32 v3, v6;
	v3 =	vshll.u32 v0, $0x10;
	v4 =	vadd.f32 v4, v14  }
0x123: {  	v0 =	vand.u32 $0xFFFF0000, v0;
	[tilespmem:s9+$0x440] =	vst v2;
	v2 =	vadd.f32 v3, v5  }
0x124: {  	[tilespmem:s9+$0x450] =	vst v1;
	v0 =	vadd.f32 v0, v4  }
0x125: {  	[tilespmem:s9+$0x460] =	vst v2  }
0x126: {  	s23 =	sadd.s32 s2, s25;
	s21 =	simm.s32 $0x0;
	[tilespmem:s9+$0x470] =	vst v0  }
0x127: {  	[hbm4b:s23+s21] =	stream.linear.scatter [tilespmem:s29], [sflag:$0x7], $0x1400, $0x38;
	[tilespmem:$0x1B480] =	vst v63  }
0x128: {  	s25 =	simm.s32 $0x300  }
0x129: {  	[spmem:s3] =	stream.indirect.scatter.add.f32 [tilespmem:s29], [sflag:$0x9], $0x80, s25, s28, $0xb8;
	[tilespmem:$0x1B480] =	vst v63  }
0x12a: {  	s31 =	sadd.s32 $0x280, s31;
	_ =	swait.ge [sflag:s18], $0x1400  }
0x12b: {  	s23 =	sand.u32 $0xFC00, s31;
	[sflag:s18] =	ssyncset.done $0x0  }
0x12c: {  	s9 =	sand.u32 $0x280, s31;
	s23 =	sadd.s32 s10, s23;
	[sflag:s18] =	ssyncadd.s32 $0xFFFFEC00  }
0x12d: {  	s9 =	sor.u32 s9, s23;
	_ =	swait.ge [sflag:s19], $0x1400  }
0x12e: {  	s9 =	sshrl.u32 s9, $0x3;
	[sflag:s19] =	ssyncset.done $0x0  }
0x12f: {  	s17 =	sadd.s32 s7, s9;
	[sflag:s19] =	ssyncadd.s32 $0xFFFFEC00  }
0x130: {  	[tilespmem:s26], [sflag:$0x2] =	stream.linear.gather [hbm4b:s17+s21], $0x80, $0x38;
	[tilespmem:$0x1B480] =	vst v63  }
0x131: {  	s9 =	sadd.s32 s8, s9  }
0x132: {  	[tilespmem:s0], [sflag:$0x2] =	stream.linear.gather [hbm4b:s9+s21], $0x80, $0x38;
	[tilespmem:$0x1B480] =	vst v63  }
0x133: {  	_ =	swait.ge [sflag:s24], $0x80  }
0x134: {  	[sflag:s24] =	ssyncset.done $0x0  }
0x135: {  	[sflag:s24] =	ssyncadd.s32 $0xFFFFFF80  }
0x136: {  	_ =	swait.ge [sflag:s24], $0x80  }
0x137: {  	[sflag:s24] =	ssyncset.done $0x0  }
0x138: {  	s23 =	sadd.s32 s14, s15;
	[sflag:s24] =	ssyncadd.s32 $0xFFFFFF80  }
0x139: {  	[tilespmem:s29], [sflag:$0x5] =	stream.indirect.gather [hbm4b:s1+s28], $0x80, s21, s28, $0xb8;
	[tilespmem:$0x1B480] =	vst v63  }
0x13a: {  	s25 =	simm.s32 $0x2C00;
	s17 =	simm.s32 $0x200;
	s9 =	smul.u32 $0x280, s23  }
0x13b: {  	[tilespmem:s25], [sflag:$0x5] =	stream.indirect.gather [hbm4b:s6+s28], $0x80, s17, s28, $0xb8;
	[tilespmem:$0x1B480] =	vst v63  }
0x13c: {  	s31 =	simm.s32 $0x5400;
	s9 =	sadd.s32 s5, s9  }
0x13d: {  	[tilespmem:s31], [sflag:$0x5] =	stream.linear.gather [hbm4b:s9+s21], $0x1400, $0x38;
	[tilespmem:$0x1B480] =	vst v63  }
0x13e: {  	_ =	swait.ge [sflag:s4], $0x1400  }
0x13f: {  	[sflag:s4] =	ssyncset.done $0x0  }
0x140: {  	[sflag:s4] =	ssyncadd.s32 $0xFFFFEC00  }
0x141: {  	_ =	swait.ge [sflag:s4], $0x1400  }
0x142: {  	[sflag:s4] =	ssyncset.done $0x0  }
0x143: {  	[sflag:s4] =	ssyncadd.s32 $0xFFFFEC00  }
0x144: {  	_ =	swait.ge [sflag:s4], $0x1400  }
0x145: {  	[sflag:s4] =	ssyncset.done $0x0  }
0x146: {  	s9 =	simm.s32 $0x0;
	[sflag:s4] =	ssyncadd.s32 $0xFFFFEC00  }
0x147: {  	v2 =	vld [tilespmem:s9+$0x6800]  }
0x148: {  	v1 =	vld [tilespmem:s9+$0x6810]  }
0x149: {  	v3 =	vld [tilespmem:s9+$0x6820]  }
0x14a: {  	v0 =	vld [tilespmem:s9+$0x6830]  }
0x14b: {  	v10 =	vld [tilespmem:s9+$0x4000]  }
0x14c: {  	v15 =	vld [tilespmem:s9+$0x4010]  }
0x14d: {  	v9 =	vld [tilespmem:s9+$0x4020]  }
0x14e: {  	v8 =	vld [tilespmem:s9+$0x4030]  }
0x14f: {  	v7 =	vld [tilespmem:s9+$0x4040]  }
0x150: {  	v6 =	vld [tilespmem:s9+$0x4050]  }
0x151: {  	v5 =	vld [tilespmem:s9+$0x4060]  }
0x152: {  	v4 =	vld [tilespmem:s9+$0x4070]  }
0x153: {  	v16 =	vld [tilespmem:s9+$0x1800]  }
0x154: {  	v18 =	vld [tilespmem:s9+$0x1810]  }
0x155: {  	v14 =	vld [tilespmem:s9+$0x1820]  }
0x156: {  	v13 =	vld [tilespmem:s9+$0x1830]  }
0x157: {  	v12 =	vld [tilespmem:s9+$0x1840]  }
0x158: {  	v11 =	vld [tilespmem:s9+$0x1850];
	v16 =	vadd.f32 v10, v16  }
0x159: {  	s15 =	simm.s32 $0x200;
	v17 =	vshll.u32 v2, $0x10;
	v15 =	vadd.f32 v15, v18;
	v10 =	vld [tilespmem:s9+$0x1860]  }
.LBB2_9:
0x15a: {  	s21 =	sshra.s32 s15, $0x2;
	p1 =	sne.s32 s15, $0x4E00;
	v18 =	vand.u32 $0xFFFF0000, v2;
	v16 =	vadd.f32 v17, v16;
	v9 =	vadd.f32 v9, v14;
	v14 =	vld [tilespmem:s9+$0x1870]  }
0x15b: {  	v17 =	vshll.u32 v1, $0x10;
	v2 =	vld [tilespmem:s21+$0x6800];
	v15 =	vadd.f32 v18, v15;
	v8 =	vadd.f32 v8, v13  }
0x15c: {  	v13 =	vand.u32 $0xFFFF0000, v1;
	[tilespmem:s9+$0x1800] =	vst v16;
	v1 =	vld [tilespmem:s21+$0x6810];
	v9 =	vadd.f32 v17, v9;
	v7 =	vadd.f32 v7, v12  }
0x15d: {  	v12 =	vld [tilespmem:s21+$0x6820];
	[tilespmem:s9+$0x1810] =	vst v15;
	v8 =	vadd.f32 v13, v8;
	v13 =	vshll.u32 v3, $0x10;
	v6 =	vadd.f32 v6, v11  }
0x15e: {  	v3 =	vand.u32 $0xFFFF0000, v3;
	v11 =	vld [tilespmem:s21+$0x6830];
	[tilespmem:s9+$0x1820] =	vst v9;
	v7 =	vadd.f32 v13, v7;
	v5 =	vadd.f32 v5, v10  }
0x15f: {  	v10 =	vld [tilespmem:s21+$0x4000];
	[tilespmem:s9+$0x1830] =	vst v8;
	v13 =	vadd.f32 v3, v6;
	v6 =	vshll.u32 v0, $0x10;
	v4 =	vadd.f32 v4, v14  }
0x160: {  	v0 =	vand.u32 $0xFFFF0000, v0;
	v15 =	vld [tilespmem:s21+$0x4010];
	[tilespmem:s9+$0x1840] =	vst v7;
	v5 =	vadd.f32 v6, v5  }
0x161: {  	v9 =	vld [tilespmem:s21+$0x4020];
	[tilespmem:s9+$0x1850] =	vst v13;
	v4 =	vadd.f32 v0, v4  }
0x162: {  	v8 =	vld [tilespmem:s21+$0x4030];
	[tilespmem:s9+$0x1860] =	vst v5;
	v3 =	vmov v12  }
0x163: {  	v7 =	vld [tilespmem:s21+$0x4040];
	[tilespmem:s9+$0x1870] =	vst v4;
	v0 =	vmov v11;
	s9 =	smov.u32 s21  }
0x164: {  	v6 =	vld [tilespmem:s9+$0x4050]  }
0x165: {  	v5 =	vld [tilespmem:s9+$0x4060]  }
0x166: {  	v4 =	vld [tilespmem:s9+$0x4070]  }
0x167: {  	v11 =	vld [tilespmem:s9+$0x1800]  }
0x168: {  	v18 =	vld [tilespmem:s9+$0x1810]  }
.Ltmp3:
0x169: {  	v14 =	vld [tilespmem:s9+$0x1820];
	(pc) =	sbr.rel @p1 .LBB2_9-.Ltmp3, $4  }
0x16a: {  	v13 =	vld [tilespmem:s9+$0x1830]  }
0x16b: {  	v12 =	vld [tilespmem:s9+$0x1840]  }
0x16c: {  	v16 =	vadd.f32 v10, v11;
	v11 =	vld [tilespmem:s9+$0x1850]  }
0x16d: {  	s15 =	sadd.s32 $0x200, s15;
	v17 =	vshll.u32 v2, $0x10;
	v15 =	vadd.f32 v15, v18;
	v10 =	vld [tilespmem:s9+$0x1860]  }
0x16e: {  	v2 =	vand.u32 $0xFFFF0000, v2;
	v16 =	vadd.f32 v17, v16;
	v9 =	vadd.f32 v9, v14;
	v55 =	vld [tilespmem:s9+$0x1870]  }
0x16f: {  	v56 =	vshll.u32 v1, $0x10;
	v2 =	vadd.f32 v2, v15;
	v8 =	vadd.f32 v8, v13  }
0x170: {  	v57 =	vand.u32 $0xFFFF0000, v1;
	[tilespmem:s9+$0x1800] =	vst v16;
	v9 =	vadd.f32 v56, v9;
	v7 =	vadd.f32 v7, v12  }
0x171: {  	v58 =	vshll.u32 v3, $0x10;
	[tilespmem:s9+$0x1810] =	vst v2;
	v1 =	vadd.f32 v57, v8;
	v6 =	vadd.f32 v6, v11  }
0x172: {  	v59 =	vand.u32 $0xFFFF0000, v3;
	[tilespmem:s9+$0x1820] =	vst v9;
	v2 =	vadd.f32 v58, v7;
	v5 =	vadd.f32 v5, v10  }
0x173: {  	v61 =	vshll.u32 v0, $0x10;
	[tilespmem:s9+$0x1830] =	vst v1;
	v60 =	vadd.f32 v59, v6;
	v4 =	vadd.f32 v4, v55  }
0x174: {  	v62 =	vand.u32 $0xFFFF0000, v0;
	s30 =	sadd.s32 $0x1, s30;
	[tilespmem:s9+$0x1840] =	vst v2;
	v63 =	vadd.f32 v61, v5  }
0x175: {  	p1 =	sne.s32 s30, $0x3E;
	[tilespmem:s9+$0x1850] =	vst v60;
	v0 =	vadd.f32 v62, v4  }
.Ltmp4:
0x176: {  	[tilespmem:s9+$0x1860] =	vst v63;
	(pc) =	sbr.rel @p1 .LBB2_2-.Ltmp4, $4  }
0x177: {  	s25 =	sadd.s32 s2, s13;
	s21 =	simm.s32 $0x0;
	[tilespmem:s9+$0x1870] =	vst v0  }
0x178: {  	[hbm4b:s25+s21] =	stream.linear.scatter [tilespmem:s12], [sflag:$0x8], $0x1400, $0x38;
	[tilespmem:$0x1B480] =	vst v63  }
0x179: {  	s31 =	simm.s32 $0x380  }
0x17a: {  	[spmem:s3] =	stream.indirect.scatter.add.f32 [tilespmem:s12], [sflag:$0xA], $0x80, s31, s28, $0xb8;
	[tilespmem:$0x1B480] =	vst v63  }
0x17b: {  	s0 =	simm.s32 $0x8  }
0x17c: {  	_ =	swait.ge [sflag:s0], $0x1400  }
0x17d: {  	[sflag:s0] =	ssyncset.done $0x0  }
0x17e: {  	s25 =	simm.s32 $0xA;
	[sflag:s0] =	ssyncadd.s32 $0xFFFFEC00  }
0x17f: {  	_ =	swait.ge [sflag:s25], $0x1400  }
0x180: {  	[sflag:s25] =	ssyncset.done $0x0  }
0x181: {  	[sflag:s25] =	ssyncadd.s32 $0xFFFFEC00  }
0x182: {  	_ =	swait.ge [sflag:s11], $0x80  }
0x183: {  	[sflag:s11] =	ssyncset.done $0x0  }
0x184: {  	[sflag:s11] =	ssyncadd.s32 $0xFFFFFF80  }
0x185: {  	_ =	swait.ge [sflag:s11], $0x80  }
0x186: {  	[sflag:s11] =	ssyncset.done $0x0  }
0x187: {  	[sflag:s11] =	ssyncadd.s32 $0xFFFFFF80  }
0x188: {  	[tilespmem:s12], [sflag:$0x6] =	stream.indirect.gather [hbm4b:s1+s28], $0x80, s26, s28, $0xb8;
	[tilespmem:$0x1B480] =	vst v63  }
0x189: {  	s23 =	simm.s32 $0x280;
	s30 =	simm.s32 $0x4000  }
0x18a: {  	[tilespmem:s30], [sflag:$0x6] =	stream.indirect.gather [hbm4b:s6+s28], $0x80, s23, s28, $0xb8;
	[tilespmem:$0x1B480] =	vst v63  }
0x18b: {  	s9 =	simm.s32 $0x0;
	s31 =	simm.s32 $0x6800;
	s13 =	rddreg [dreg:$0xc]  }
0x18c: {  	[tilespmem:s31], [sflag:$0x6] =	stream.linear.gather [hbm4b:s13+s9], $0x1400, $0x38;
	[tilespmem:$0x1B480] =	vst v63  }
0x18d: {  	_ =	swait.ge [sflag:s16], $0x1400  }
0x18e: {  	[sflag:s16] =	ssyncset.done $0x0  }
0x18f: {  	[sflag:s16] =	ssyncadd.s32 $0xFFFFEC00  }
0x190: {  	_ =	swait.ge [sflag:s16], $0x1400  }
0x191: {  	[sflag:s16] =	ssyncset.done $0x0  }
0x192: {  	[sflag:s16] =	ssyncadd.s32 $0xFFFFEC00  }
0x193: {  	_ =	swait.ge [sflag:s16], $0x1400  }
0x194: {  	[sflag:s16] =	ssyncset.done $0x0  }
0x195: {  	s9 =	simm.s32 $0x0;
	[sflag:s16] =	ssyncadd.s32 $0xFFFFEC00  }
0x196: {  	v2 =	vld [tilespmem:s9+$0x5400]  }
0x197: {  	v1 =	vld [tilespmem:s9+$0x5410]  }
0x198: {  	v3 =	vld [tilespmem:s9+$0x5420]  }
0x199: {  	v0 =	vld [tilespmem:s9+$0x5430]  }
0x19a: {  	v10 =	vld [tilespmem:s9+$0x2C00]  }
0x19b: {  	v15 =	vld [tilespmem:s9+$0x2C10]  }
0x19c: {  	v9 =	vld [tilespmem:s9+$0x2C20]  }
0x19d: {  	v8 =	vld [tilespmem:s9+$0x2C30]  }
0x19e: {  	v7 =	vld [tilespmem:s9+$0x2C40]  }
0x19f: {  	v6 =	vld [tilespmem:s9+$0x2C50]  }
0x1a0: {  	v5 =	vld [tilespmem:s9+$0x2C60]  }
0x1a1: {  	v4 =	vld [tilespmem:s9+$0x2C70]  }
0x1a2: {  	v16 =	vld [tilespmem:s9+$0x400]  }
0x1a3: {  	v18 =	vld [tilespmem:s9+$0x410]  }
0x1a4: {  	v14 =	vld [tilespmem:s9+$0x420]  }
0x1a5: {  	v13 =	vld [tilespmem:s9+$0x430]  }
0x1a6: {  	v12 =	vld [tilespmem:s9+$0x440]  }
0x1a7: {  	v11 =	vld [tilespmem:s9+$0x450];
	v16 =	vadd.f32 v10, v16  }
0x1a8: {  	s13 =	simm.s32 $0x200;
	v17 =	vshll.u32 v2, $0x10;
	v15 =	vadd.f32 v15, v18;
	v10 =	vld [tilespmem:s9+$0x460]  }
.LBB2_12:
0x1a9: {  	s15 =	sshra.s32 s13, $0x2;
	p1 =	sne.s32 s13, $0x4E00;
	v18 =	vand.u32 $0xFFFF0000, v2;
	v16 =	vadd.f32 v17, v16;
	v9 =	vadd.f32 v9, v14;
	v14 =	vld [tilespmem:s9+$0x470]  }
0x1aa: {  	v17 =	vshll.u32 v1, $0x10;
	v2 =	vld [tilespmem:s15+$0x5400];
	v15 =	vadd.f32 v18, v15;
	v8 =	vadd.f32 v8, v13  }
0x1ab: {  	v13 =	vand.u32 $0xFFFF0000, v1;
	[tilespmem:s9+$0x400] =	vst v16;
	v1 =	vld [tilespmem:s15+$0x5410];
	v9 =	vadd.f32 v17, v9;
	v7 =	vadd.f32 v7, v12  }
0x1ac: {  	v12 =	vld [tilespmem:s15+$0x5420];
	[tilespmem:s9+$0x410] =	vst v15;
	v8 =	vadd.f32 v13, v8;
	v13 =	vshll.u32 v3, $0x10;
	v6 =	vadd.f32 v6, v11  }
0x1ad: {  	v3 =	vand.u32 $0xFFFF0000, v3;
	v11 =	vld [tilespmem:s15+$0x5430];
	[tilespmem:s9+$0x420] =	vst v9;
	v7 =	vadd.f32 v13, v7;
	v5 =	vadd.f32 v5, v10  }
0x1ae: {  	v10 =	vld [tilespmem:s15+$0x2C00];
	[tilespmem:s9+$0x430] =	vst v8;
	v13 =	vadd.f32 v3, v6;
	v6 =	vshll.u32 v0, $0x10;
	v4 =	vadd.f32 v4, v14  }
0x1af: {  	v0 =	vand.u32 $0xFFFF0000, v0;
	v15 =	vld [tilespmem:s15+$0x2C10];
	[tilespmem:s9+$0x440] =	vst v7;
	v5 =	vadd.f32 v6, v5  }
0x1b0: {  	v9 =	vld [tilespmem:s15+$0x2C20];
	[tilespmem:s9+$0x450] =	vst v13;
	v4 =	vadd.f32 v0, v4  }
0x1b1: {  	v8 =	vld [tilespmem:s15+$0x2C30];
	[tilespmem:s9+$0x460] =	vst v5;
	v3 =	vmov v12  }
0x1b2: {  	v7 =	vld [tilespmem:s15+$0x2C40];
	[tilespmem:s9+$0x470] =	vst v4;
	v0 =	vmov v11;
	s9 =	smov.u32 s15  }
0x1b3: {  	v6 =	vld [tilespmem:s9+$0x2C50]  }
0x1b4: {  	v5 =	vld [tilespmem:s9+$0x2C60]  }
0x1b5: {  	v4 =	vld [tilespmem:s9+$0x2C70]  }
0x1b6: {  	v11 =	vld [tilespmem:s9+$0x400]  }
0x1b7: {  	v18 =	vld [tilespmem:s9+$0x410]  }
.Ltmp5:
0x1b8: {  	v14 =	vld [tilespmem:s9+$0x420];
	(pc) =	sbr.rel @p1 .LBB2_12-.Ltmp5, $4  }
0x1b9: {  	v13 =	vld [tilespmem:s9+$0x430]  }
0x1ba: {  	v12 =	vld [tilespmem:s9+$0x440]  }
0x1bb: {  	v16 =	vadd.f32 v10, v11;
	v11 =	vld [tilespmem:s9+$0x450]  }
0x1bc: {  	s13 =	sadd.s32 $0x200, s13;
	v17 =	vshll.u32 v2, $0x10;
	v15 =	vadd.f32 v15, v18;
	v10 =	vld [tilespmem:s9+$0x460]  }
0x1bd: {  	v2 =	vand.u32 $0xFFFF0000, v2;
	v16 =	vadd.f32 v17, v16;
	v9 =	vadd.f32 v9, v14;
	v14 =	vld [tilespmem:s9+$0x470]  }
0x1be: {  	v2 =	vadd.f32 v2, v15;
	v15 =	vshll.u32 v1, $0x10;
	v8 =	vadd.f32 v8, v13  }
0x1bf: {  	v1 =	vand.u32 $0xFFFF0000, v1;
	[tilespmem:s9+$0x400] =	vst v16;
	v9 =	vadd.f32 v15, v9;
	v7 =	vadd.f32 v7, v12  }
0x1c0: {  	[tilespmem:s9+$0x410] =	vst v2;
	v1 =	vadd.f32 v1, v8;
	v2 =	vshll.u32 v3, $0x10;
	v6 =	vadd.f32 v6, v11  }
0x1c1: {  	v3 =	vand.u32 $0xFFFF0000, v3;
	[tilespmem:s9+$0x420] =	vst v9;
	v2 =	vadd.f32 v2, v7;
	v5 =	vadd.f32 v5, v10  }
0x1c2: {  	[tilespmem:s9+$0x430] =	vst v1;
	v1 =	vadd.f32 v3, v6;
	v3 =	vshll.u32 v0, $0x10;
	v4 =	vadd.f32 v4, v14  }
0x1c3: {  	v0 =	vand.u32 $0xFFFF0000, v0;
	[tilespmem:s9+$0x440] =	vst v2;
	v2 =	vadd.f32 v3, v5  }
0x1c4: {  	[tilespmem:s9+$0x450] =	vst v1;
	v0 =	vadd.f32 v0, v4  }
0x1c5: {  	[tilespmem:s9+$0x460] =	vst v2  }
0x1c6: {  	s31 =	simm.s32 $0x0;
	s13 =	rddreg [dreg:$0xd];
	[tilespmem:s9+$0x470] =	vst v0  }
0x1c7: {  	[hbm4b:s13+s31] =	stream.linear.scatter [tilespmem:s29], [sflag:$0x7], $0x1400, $0x38;
	[tilespmem:$0x1B480] =	vst v63  }
0x1c8: {  	s0 =	simm.s32 $0x200  }
0x1c9: {  	[spmem:s3] =	stream.indirect.scatter.add.f32 [tilespmem:s29], [sflag:$0x9], $0x80, s0, s28, $0xb8;
	[tilespmem:$0x1B480] =	vst v63  }
0x1ca: {  	_ =	swait.ge [sflag:s18], $0x1400  }
0x1cb: {  	[sflag:s18] =	ssyncset.done $0x0  }
0x1cc: {  	[sflag:s18] =	ssyncadd.s32 $0xFFFFEC00  }
0x1cd: {  	_ =	swait.ge [sflag:s19], $0x1400  }
0x1ce: {  	[sflag:s19] =	ssyncset.done $0x0  }
0x1cf: {  	[sflag:s19] =	ssyncadd.s32 $0xFFFFEC00  }
0x1d0: {  	_ =	swait.ge [sflag:s4], $0x1400  }
0x1d1: {  	[sflag:s4] =	ssyncset.done $0x0  }
0x1d2: {  	[sflag:s4] =	ssyncadd.s32 $0xFFFFEC00  }
0x1d3: {  	_ =	swait.ge [sflag:s4], $0x1400  }
0x1d4: {  	[sflag:s4] =	ssyncset.done $0x0  }
0x1d5: {  	[sflag:s4] =	ssyncadd.s32 $0xFFFFEC00  }
0x1d6: {  	_ =	swait.ge [sflag:s4], $0x1400  }
0x1d7: {  	[sflag:s4] =	ssyncset.done $0x0  }
0x1d8: {  	s9 =	simm.s32 $0x0;
	[sflag:s4] =	ssyncadd.s32 $0xFFFFEC00  }
0x1d9: {  	v2 =	vld [tilespmem:s9+$0x6800]  }
0x1da: {  	v1 =	vld [tilespmem:s9+$0x6810]  }
0x1db: {  	v3 =	vld [tilespmem:s9+$0x6820]  }
0x1dc: {  	v0 =	vld [tilespmem:s9+$0x6830]  }
0x1dd: {  	v10 =	vld [tilespmem:s9+$0x4000]  }
0x1de: {  	v15 =	vld [tilespmem:s9+$0x4010]  }
0x1df: {  	v9 =	vld [tilespmem:s9+$0x4020]  }
0x1e0: {  	v8 =	vld [tilespmem:s9+$0x4030]  }
0x1e1: {  	v7 =	vld [tilespmem:s9+$0x4040]  }
0x1e2: {  	v6 =	vld [tilespmem:s9+$0x4050]  }
0x1e3: {  	v5 =	vld [tilespmem:s9+$0x4060]  }
0x1e4: {  	v4 =	vld [tilespmem:s9+$0x4070]  }
0x1e5: {  	v16 =	vld [tilespmem:s9+$0x1800]  }
0x1e6: {  	v18 =	vld [tilespmem:s9+$0x1810]  }
0x1e7: {  	v14 =	vld [tilespmem:s9+$0x1820]  }
0x1e8: {  	v13 =	vld [tilespmem:s9+$0x1830]  }
0x1e9: {  	v12 =	vld [tilespmem:s9+$0x1840]  }
0x1ea: {  	v11 =	vld [tilespmem:s9+$0x1850];
	v16 =	vadd.f32 v10, v16  }
0x1eb: {  	s13 =	simm.s32 $0x200;
	v17 =	vshll.u32 v2, $0x10;
	v15 =	vadd.f32 v15, v18;
	v10 =	vld [tilespmem:s9+$0x1860]  }
.LBB2_14:
0x1ec: {  	s15 =	sshra.s32 s13, $0x2;
	p1 =	sne.s32 s13, $0x4E00;
	v18 =	vand.u32 $0xFFFF0000, v2;
	v16 =	vadd.f32 v17, v16;
	v9 =	vadd.f32 v9, v14;
	v14 =	vld [tilespmem:s9+$0x1870]  }
0x1ed: {  	v17 =	vshll.u32 v1, $0x10;
	v2 =	vld [tilespmem:s15+$0x6800];
	v15 =	vadd.f32 v18, v15;
	v8 =	vadd.f32 v8, v13  }
0x1ee: {  	v13 =	vand.u32 $0xFFFF0000, v1;
	[tilespmem:s9+$0x1800] =	vst v16;
	v1 =	vld [tilespmem:s15+$0x6810];
	v9 =	vadd.f32 v17, v9;
	v7 =	vadd.f32 v7, v12  }
0x1ef: {  	v12 =	vld [tilespmem:s15+$0x6820];
	[tilespmem:s9+$0x1810] =	vst v15;
	v8 =	vadd.f32 v13, v8;
	v13 =	vshll.u32 v3, $0x10;
	v6 =	vadd.f32 v6, v11  }
0x1f0: {  	v3 =	vand.u32 $0xFFFF0000, v3;
	v11 =	vld [tilespmem:s15+$0x6830];
	[tilespmem:s9+$0x1820] =	vst v9;
	v7 =	vadd.f32 v13, v7;
	v5 =	vadd.f32 v5, v10  }
0x1f1: {  	v10 =	vld [tilespmem:s15+$0x4000];
	[tilespmem:s9+$0x1830] =	vst v8;
	v13 =	vadd.f32 v3, v6;
	v6 =	vshll.u32 v0, $0x10;
	v4 =	vadd.f32 v4, v14  }
0x1f2: {  	v0 =	vand.u32 $0xFFFF0000, v0;
	v15 =	vld [tilespmem:s15+$0x4010];
	[tilespmem:s9+$0x1840] =	vst v7;
	v5 =	vadd.f32 v6, v5  }
0x1f3: {  	v9 =	vld [tilespmem:s15+$0x4020];
	[tilespmem:s9+$0x1850] =	vst v13;
	v4 =	vadd.f32 v0, v4  }
0x1f4: {  	v8 =	vld [tilespmem:s15+$0x4030];
	[tilespmem:s9+$0x1860] =	vst v5;
	v3 =	vmov v12  }
0x1f5: {  	v7 =	vld [tilespmem:s15+$0x4040];
	[tilespmem:s9+$0x1870] =	vst v4;
	v0 =	vmov v11;
	s9 =	smov.u32 s15  }
0x1f6: {  	v6 =	vld [tilespmem:s9+$0x4050]  }
0x1f7: {  	v5 =	vld [tilespmem:s9+$0x4060]  }
0x1f8: {  	v4 =	vld [tilespmem:s9+$0x4070]  }
0x1f9: {  	v11 =	vld [tilespmem:s9+$0x1800]  }
0x1fa: {  	v18 =	vld [tilespmem:s9+$0x1810]  }
.Ltmp6:
0x1fb: {  	v14 =	vld [tilespmem:s9+$0x1820];
	(pc) =	sbr.rel @p1 .LBB2_14-.Ltmp6, $4  }
0x1fc: {  	v13 =	vld [tilespmem:s9+$0x1830]  }
0x1fd: {  	v12 =	vld [tilespmem:s9+$0x1840]  }
0x1fe: {  	v16 =	vadd.f32 v10, v11;
	v11 =	vld [tilespmem:s9+$0x1850]  }
0x1ff: {  	s13 =	sadd.s32 $0x200, s13;
	v17 =	vshll.u32 v2, $0x10;
	v15 =	vadd.f32 v15, v18;
	v10 =	vld [tilespmem:s9+$0x1860]  }
0x200: {  	v2 =	vand.u32 $0xFFFF0000, v2;
	v16 =	vadd.f32 v17, v16;
	v9 =	vadd.f32 v9, v14;
	v55 =	vld [tilespmem:s9+$0x1870]  }
0x201: {  	v56 =	vshll.u32 v1, $0x10;
	v2 =	vadd.f32 v2, v15;
	v8 =	vadd.f32 v8, v13  }
0x202: {  	v57 =	vand.u32 $0xFFFF0000, v1;
	[tilespmem:s9+$0x1800] =	vst v16;
	v9 =	vadd.f32 v56, v9;
	v7 =	vadd.f32 v7, v12  }
0x203: {  	v58 =	vshll.u32 v3, $0x10;
	[tilespmem:s9+$0x1810] =	vst v2;
	v1 =	vadd.f32 v57, v8;
	v6 =	vadd.f32 v6, v11  }
0x204: {  	v59 =	vand.u32 $0xFFFF0000, v3;
	[tilespmem:s9+$0x1820] =	vst v9;
	v2 =	vadd.f32 v58, v7;
	v5 =	vadd.f32 v5, v10  }
0x205: {  	v61 =	vshll.u32 v0, $0x10;
	[tilespmem:s9+$0x1830] =	vst v1;
	v60 =	vadd.f32 v59, v6;
	v4 =	vadd.f32 v4, v55  }
0x206: {  	v62 =	vand.u32 $0xFFFF0000, v0;
	[tilespmem:s9+$0x1840] =	vst v2;
	v63 =	vadd.f32 v61, v5  }
0x207: {  	[tilespmem:s9+$0x1850] =	vst v60;
	v0 =	vadd.f32 v62, v4  }
0x208: {  	[tilespmem:s9+$0x1860] =	vst v63  }
0x209: {  	s17 =	rddreg [dreg:$0xe];
	[tilespmem:s9+$0x1870] =	vst v0  }
0x20a: {  	[hbm4b:s17+s21] =	stream.linear.scatter [tilespmem:s12], [sflag:$0x8], $0x1400, $0x38;
	[tilespmem:$0x1B480] =	vst v63  }
0x20b: {  	s0 =	simm.s32 $0x8  }
0x20c: {  	[spmem:s3] =	stream.indirect.scatter.add.f32 [tilespmem:s12], [sflag:$0xA], $0x80, s23, s28, $0xb8;
	[tilespmem:$0x1B480] =	vst v63  }
0x20d: {  	_ =	swait.ge [sflag:s0], $0x1400  }
0x20e: {  	[sflag:s0] =	ssyncset.done $0x0  }
0x20f: {  	s25 =	simm.s32 $0xA;
	[sflag:s0] =	ssyncadd.s32 $0xFFFFEC00  }
0x210: {  	_ =	swait.ge [sflag:s25], $0x1400  }
0x211: {  	[sflag:s25] =	ssyncset.done $0x0  }
0x212: {  	[sflag:s25] =	ssyncadd.s32 $0xFFFFEC00  }
0x213: {  	[bflag:$0x0] =	sbarrier.arrive $0xFFFF  }
0x214: {  	s13 =	rddreg [dreg:$0xf]  }
0x215: {  	s9 =	simm.s32 @!p0 $0x1C0B;
	s0 =	rddreg [dreg:$0x12]  }
0x216: {  	[hbm:s13], [sflag:s9] =	dma.local @!p0 [spmem:s0], $0x27100  }
0x217: {  	s9 =	simm.s32 @!p0 $0xB  }
0x218: {  	_ =	swait.ge @!p0 [sflag:s9], $0x27100  }
0x219: {  	s30 =	rddreg [dreg:$0x11]  }
0x21a: {  	s31 =	rddreg [dreg:$0x10];
	s0 =	sadd.s32 $0x1, s30  }
0x21b: {  	p1 =	sne.s32 s0, s31  }
.Ltmp7:
0x21c: {  	_ = 	snop;
	(pc) =	sbr.rel @p1 .LBB2_1-.Ltmp7, $3  }
0x21d: {  	_ =	sdelay $0x1  }
0x21e: {  	[sflag:s9] =	ssyncset.done @!p0 $0x0  }
0x21f: {  	[sflag:s9] =	ssyncadd.s32 @!p0 $0xFFFD8F00  }
0x220: {  	_ =	sfence.sel $0x180000  }
0x221: {  	[bflag:$0x0] =	sbarrier.arrive $0xFFFF  }
0x222: {  	_ =	strace $0x90000047  }
0x223: {  	[bflag:$0x2] =	sbarrier.arrive $0xFFFF  }
0x224: {  	s0 =	rddreg [dreg:$0x4]  }
0x225: {  	s0 =	sadd.s32 @!p0 $0x100000, s0  }
0x226: {  	[sflag:s0] =	ssyncadd.tile.s32 @!p0 $0x1;
	_ =	shalt  }
.Lfunc_end2:
_tile_overlayer_lowered:
.L_overlay_start_2:
0x227: {  	(tag) =	ssettag $0x2  }
0x228: {  	s0 =	rddreg [dreg:$0x0];
	s2 =	stileid.u32  }
0x229: {  	s1 =	rddreg [dreg:$0x1];
	p0 =	sne.s32 s2, $0x0  }
0x22a: {  	s3 =	rddreg [dreg:$0x2];
	[bflag:$0x3] =	sbarrier.arrive $0xFFFF;
	s2 =	simm.s32 @!p0 $0x1C0B  }
0x22b: {  	[timem:s3], [sflag:s2] =	dma.local @!p0 [hbm:s0], s1  }
0x22c: {  	s0 =	simm.s32 @!p0 $0xB  }
0x22d: {  	_ =	swait.ge @!p0 [sflag:s0], s1  }
0x22e: {  	s1 =	ssub.s32 @!p0 $0x0, s1;
	[sflag:s0] =	ssyncset.done @!p0 $0x0  }
0x22f: {  	[sflag:s0] =	ssyncadd.s32 @!p0 s1  }
0x230: {  	[bflag:$0x3] =	sbarrier.arrive $0xFFFF  }
0x231: {  	_ =	shalt  }

</sc_bundles>
